<compile_context>
chip_gen: v7x
topology: tpu7x:2x2x1
jax: 0.10.2.dev20260603
libtpu: 0.0.44.dev20260713+nightly
codegen_flags: <defaults>
</compile_context>

<pallas_src>
import functools

import jax
import jax.numpy as jnp
from jax import lax
from jax.experimental import pallas as pl
from jax.experimental.pallas import tpu as pltpu
from jax.experimental.pallas import tpu_sc as plsc

L = 16
NC = 2
NS = 16
NW = NC * NS


@functools.lru_cache(maxsize=None)
def _make_sc_kernel(B, S, P, C):
    S2 = S * S
    npts = (B * P) // NW
    nch = npts // C
    T = 2 * nch
    WPB = P // npts
    assert npts % C == 0 and C % L == 0 and nch % 2 == 0
    assert P % npts == 0

    mesh = plsc.VectorSubcoreMesh(core_axis_name="c", subcore_axis_name="s")

    @functools.partial(
        pl.kernel,
        mesh=mesh,
        out_type=jax.ShapeDtypeStruct((NW, 2, L), jnp.float32),
        scratch_types=[
            pltpu.VMEM((C,), jnp.int32),
            pltpu.VMEM((C,), jnp.int32),
            pltpu.VMEM((C,), jnp.int32),
            pltpu.VMEM((C,), jnp.int32),
            pltpu.VMEM((C,), jnp.int32),
            pltpu.VMEM((C,), jnp.int32),
            pltpu.VMEM((C,), jnp.float32),
            pltpu.VMEM((C,), jnp.float32),
            pltpu.VMEM((C,), jnp.float32),
            pltpu.VMEM((C,), jnp.float32),
            pltpu.VMEM((L,), jnp.float32),
            pltpu.VMEM((L,), jnp.float32),
            pltpu.VMEM((L,), jnp.float32),
            pltpu.SemaphoreType.DMA,
            pltpu.SemaphoreType.DMA,
            pltpu.SemaphoreType.DMA,
            pltpu.SemaphoreType.DMA,
        ],
    )
    def sc_kernel(in_hbm, w_hbm, sx_hbm, sy_hbm, dx_hbm, dy_hbm, out_hbm,
                  x0, y0, x1, y1, idx0, idx1, gi0, gw0, gi1, gw1,
                  res_v, acc_s_v, acc_d_v, si0, si1, sg0, sg1):
        wid = lax.axis_index("s") * NC + lax.axis_index("c")
        b = wid // WPB
        colbase = (wid % WPB) * npts
        batch_base = b * S2

        def fire_xy(c, xv, yv, sem):
            @pl.when(c < nch)
            def _():
                col = colbase + c * C
                pltpu.async_copy(sx_hbm.at[b, pl.ds(col, C)], xv, sem)
                pltpu.async_copy(sy_hbm.at[b, pl.ds(col, C)], yv, sem)

            @pl.when(c >= nch)
            def _():
                col = colbase + (c - nch) * C
                pltpu.async_copy(dx_hbm.at[b, pl.ds(col, C)], xv, sem)
                pltpu.async_copy(dy_hbm.at[b, pl.ds(col, C)], yv, sem)

        def wait_xy(xv, yv, sem):
            pltpu.make_async_copy(sx_hbm.at[0, pl.ds(0, C)], xv, sem).wait()
            pltpu.make_async_copy(sy_hbm.at[0, pl.ds(0, C)], yv, sem).wait()

        def flat(xv, yv, idxv):
            def body(j, carry):
                sl = pl.ds(j * L, L)
                r = xv[sl]
                c = yv[sl]
                idxv[sl] = (batch_base
                            + ((r >> 3) << 14) + ((c >> 7) << 10)
                            + ((r & 7) << 7) + (c & 127))
                return carry
            lax.fori_loop(0, C // L, body, 0, unroll=8)

        def fire_gather(idxv, giv, gwv, sem):
            pltpu.async_copy(in_hbm.at[idxv], giv, sem)
            pltpu.async_copy(w_hbm.at[idxv], gwv, sem)

        def wait_gather(idxv, giv, gwv, sem):
            pltpu.make_async_copy(in_hbm.at[idxv], giv, sem).wait()
            pltpu.make_async_copy(w_hbm.at[idxv], gwv, sem).wait()

        def accumulate(c, giv, gwv):
            @pl.when(c < nch)
            def _():
                def body(j, aa):
                    sl = pl.ds(j * L, L)
                    return aa + giv[sl] * gwv[sl]
                acc_s_v[...] = lax.fori_loop(0, C // L, body, acc_s_v[...],
                                             unroll=8)

            @pl.when(c >= nch)
            def _():
                def body(j, aa):
                    sl = pl.ds(j * L, L)
                    return aa + giv[sl] / gwv[sl]
                acc_d_v[...] = lax.fori_loop(0, C // L, body, acc_d_v[...],
                                             unroll=8)

        acc_s_v[...] = jnp.zeros((L,), jnp.float32)
        acc_d_v[...] = jnp.zeros((L,), jnp.float32)
        fire_xy(0, x0, y0, si0)
        wait_xy(x0, y0, si0)
        flat(x0, y0, idx0)
        fire_gather(idx0, gi0, gw0, sg0)
        fire_xy(1, x1, y1, si1)

        def outer(k, carry):
            c0 = 2 * k
            c1 = c0 + 1
            wait_xy(x1, y1, si1)
            flat(x1, y1, idx1)
            fire_gather(idx1, gi1, gw1, sg1)

            @pl.when(c0 + 2 < T)
            def _():
                fire_xy(c0 + 2, x0, y0, si0)

            wait_gather(idx0, gi0, gw0, sg0)
            accumulate(c0, gi0, gw0)

            @pl.when(c0 + 2 < T)
            def _():
                wait_xy(x0, y0, si0)
                flat(x0, y0, idx0)
                fire_gather(idx0, gi0, gw0, sg0)

            @pl.when(c1 + 2 < T)
            def _():
                fire_xy(c1 + 2, x1, y1, si1)

            wait_gather(idx1, gi1, gw1, sg1)
            accumulate(c1, gi1, gw1)
            return carry

        lax.fori_loop(0, T // 2, outer, 0)

        res_v[...] = acc_s_v[...]
        pltpu.sync_copy(res_v, out_hbm.at[wid, 0])
        res_v[...] = acc_d_v[...]
        pltpu.sync_copy(res_v, out_hbm.at[wid, 1])

    return sc_kernel


def kernel(input, weights, same_x, same_y, diff_x, diff_y):
    B, S, _ = input.shape
    P = same_x.shape[1]

    sx = same_x.astype(jnp.int32)
    sy = same_y.astype(jnp.int32)
    dx = diff_x.astype(jnp.int32)
    dy = diff_y.astype(jnp.int32)

    def tiled_view(a):
        a5 = a.reshape(B, S // 8, 8, S // 128, 128)
        return a5.transpose(0, 1, 3, 2, 4).reshape(B * S * S)

    in_flat = tiled_view(input)
    w_flat = tiled_view(weights)
    out = _make_sc_kernel(B, S, P, 8192)(in_flat, w_flat, sx, sy, dx, dy)
    n = jnp.float32(B * P)
    return out[:, 0, :].sum() / n - out[:, 1, :].sum() / n

# --- scband reference (transcript-rebuilt; emitter-appended) ---
"""Pipeline reference for scband-cluster-loss-74560632258668 (READ-ONLY COPY).

The authoritative reference and input builder live on the scoring server;
editing this copy changes nothing except your own understanding.
"""

import jax, jax.numpy as jnp
import numpy as np

B, S, P = 8, 2048, 262144

def setup_inputs(seed: int = 0) -> dict:
    key = jax.random.key(seed)
    k1, k2, k3, k4, k5, k6 = jax.random.split(key, 6)
    inp = jax.random.normal(k1, (B, S, S), dtype=jnp.float32)
    # offset uniform weights away from zero so the division branch is numerically stable
    weights = jax.random.uniform(k2, (B, S, S), dtype=jnp.float32) + 0.5
    same_x = jax.random.randint(k3, (B, P), 0, S, dtype=jnp.int64)
    same_y = jax.random.randint(k4, (B, P), 0, S, dtype=jnp.int64)
    diff_x = jax.random.randint(k5, (B, P), 0, S, dtype=jnp.int64)
    diff_y = jax.random.randint(k6, (B, P), 0, S, dtype=jnp.int64)
    return {"input": inp, "weights": weights, "same_x": same_x, "same_y": same_y, "diff_x": diff_x, "diff_y": diff_y}

def reference(input, weights, same_x, same_y, diff_x, diff_y):
    # ClusterLoss.forward with weights != None, vectorized over the batch.
    # Per batch element i (original torch loop):
    #   same_dists[i] = mean(input[i, sx, sy] * weights[i, sx, sy])
    #   diff_dists[i] = mean(input[i, dx, dy] / weights[i, dx, dy])
    # return mean(same_dists) - mean(diff_dists)
    b_idx = jnp.arange(input.shape[0])[:, None]
    same_vals = input[b_idx, same_x, same_y] * weights[b_idx, same_x, same_y]
    diff_vals = input[b_idx, diff_x, diff_y] / weights[b_idx, diff_x, diff_y]
    same_dists = jnp.mean(same_vals, axis=1)
    diff_dists = jnp.mean(diff_vals, axis=1)
    return jnp.mean(same_dists) - jnp.mean(diff_dists)

if __name__ == "__main__":
    import jax
    _d = setup_inputs()
    print(jax.jit(kernel)(*tuple(_d.values())))

</pallas_src>

<mosaic_0001>
#map = affine_map<(d0, d1) -> (0)>
#map1 = affine_map<(d0, d1) -> (0, 0)>
#map2 = affine_map<(d0, d1) -> (0, 0, 0)>
module attributes {stable_mosaic.version = 14 : i64} {
  func.func @sc_kernel(%arg0: i32, %arg1: i32, %arg2: memref<33554432xf32, #tpu.memory_space<hbm>>, %arg3: memref<33554432xf32, #tpu.memory_space<hbm>>, %arg4: memref<8x262144xi32, #tpu.memory_space<hbm>>, %arg5: memref<8x262144xi32, #tpu.memory_space<hbm>>, %arg6: memref<8x262144xi32, #tpu.memory_space<hbm>>, %arg7: memref<8x262144xi32, #tpu.memory_space<hbm>>, %arg8: memref<32x2x16xf32, #tpu.memory_space<hbm>>, %arg9: memref<8192xi32, #tpu.memory_space<vmem>>, %arg10: memref<8192xi32, #tpu.memory_space<vmem>>, %arg11: memref<8192xi32, #tpu.memory_space<vmem>>, %arg12: memref<8192xi32, #tpu.memory_space<vmem>>, %arg13: memref<8192xi32, #tpu.memory_space<vmem>>, %arg14: memref<8192xi32, #tpu.memory_space<vmem>>, %arg15: memref<8192xf32, #tpu.memory_space<vmem>>, %arg16: memref<8192xf32, #tpu.memory_space<vmem>>, %arg17: memref<8192xf32, #tpu.memory_space<vmem>>, %arg18: memref<8192xf32, #tpu.memory_space<vmem>>, %arg19: memref<16xf32, #tpu.memory_space<vmem>>, %arg20: memref<16xf32, #tpu.memory_space<vmem>>, %arg21: memref<16xf32, #tpu.memory_space<vmem>>, %arg22: memref<!tpu.dma_semaphore, #tpu.memory_space<semaphore_mem>>, %arg23: memref<!tpu.dma_semaphore, #tpu.memory_space<semaphore_mem>>, %arg24: memref<!tpu.dma_semaphore, #tpu.memory_space<semaphore_mem>>, %arg25: memref<!tpu.dma_semaphore, #tpu.memory_space<semaphore_mem>>) attributes {dimension_semantics = [#tpu.dimension_semantics<core_parallel>, #tpu.dimension_semantics<subcore_parallel>], iteration_bounds = array<i64: 2, 16>, scalar_prefetch = 0 : i64, scratch_operands = 17 : i64, tpu.core_type = #tpu.core_type<sc_vector_subcore>, window_params = [{transform_indices = #map}, {transform_indices = #map}, {transform_indices = #map1}, {transform_indices = #map1}, {transform_indices = #map1}, {transform_indices = #map1}, {transform_indices = #map2}]} {
    %mul3A = arith.constant 2 : i32
    %mul3A_0 = arith.muli %arg1, %mul3A : i32
    %add3A = arith.addi %mul3A_0, %arg0 : i32
    %jit3A = arith.constant 4 : i32
    %div3A = arith.divsi %add3A, %jit3A : i32
    %sign3A = arith.constant 0 : i32
    %sign3A_1 = arith.cmpi sgt, %add3A, %sign3A : i32
    %sign3A_2 = arith.extui %sign3A_1 : i1 to i32
    %sign3A_3 = arith.constant 0 : i32
    %sign3A_4 = arith.cmpi slt, %add3A, %sign3A_3 : i32
    %sign3A_5 = arith.extui %sign3A_4 : i1 to i32
    %sign3A_6 = arith.subi %sign3A_2, %sign3A_5 : i32
    %sign3A_7 = arith.constant 0 : i32
    %sign3A_8 = arith.cmpi sgt, %jit3A, %sign3A_7 : i32
    %sign3A_9 = arith.extui %sign3A_8 : i1 to i32
    %sign3A_10 = arith.constant 0 : i32
    %sign3A_11 = arith.cmpi slt, %jit3A, %sign3A_10 : i32
    %sign3A_12 = arith.extui %sign3A_11 : i1 to i32
    %sign3A_13 = arith.subi %sign3A_9, %sign3A_12 : i32
    %ne3A = arith.cmpi ne, %sign3A_6, %sign3A_13 : i32
    %rem3A = arith.remsi %add3A, %jit3A : i32
    %ne3A_14 = arith.constant 0 : i32
    %ne3A_15 = arith.cmpi ne, %rem3A, %ne3A_14 : i32
    %and3A = arith.andi %ne3A, %ne3A_15 : i1
    %sub3A = arith.constant 1 : i32
    %sub3A_16 = arith.subi %div3A, %sub3A : i32
    %select_n3A = arith.select %and3A, %sub3A_16, %div3A : i32
    %jit3A_17 = arith.constant 4 : i32
    %eq3A = arith.constant 0 : i32
    %eq3A_18 = arith.cmpi eq, %jit3A_17, %eq3A : i32
    %jit3A_19 = arith.constant 1 : i32
    %select_n3A_20 = arith.select %eq3A_18, %jit3A_19, %jit3A_17 : i32
    %rem3A_21 = arith.remsi %add3A, %select_n3A_20 : i32
    %ne3A_22 = arith.constant 0 : i32
    %ne3A_23 = arith.cmpi ne, %rem3A_21, %ne3A_22 : i32
    %lt3A = arith.constant 0 : i32
    %lt3A_24 = arith.cmpi slt, %rem3A_21, %lt3A : i32
    %lt3A_25 = arith.constant 0 : i32
    %lt3A_26 = arith.cmpi slt, %select_n3A_20, %lt3A_25 : i32
    %ne3A_27 = arith.xori %lt3A_24, %lt3A_26 : i1
    %and3A_28 = arith.andi %ne3A_27, %ne3A_23 : i1
    %add3A_29 = arith.addi %rem3A_21, %select_n3A_20 : i32
    %select_n3A_30 = arith.select %and3A_28, %add3A_29, %rem3A_21 : i32
    %mul3A_31 = arith.constant 65536 : i32
    %mul3A_32 = arith.muli %select_n3A_30, %mul3A_31 : i32
    %mul3A_33 = arith.constant 4194304 : i32
    %mul3A_34 = arith.muli %select_n3A, %mul3A_33 : i32
    %broadcast_in_dim3A = arith.constant 0.000000e+00 : f32
    %broadcast_in_dim3A_35 = vector.broadcast %broadcast_in_dim3A : f32 to vector<16xf32>
    %swap3A = arith.constant 0 : index
    %swap3A_36 = tpu.vector_load %arg20[%swap3A] {strides = array<i32>} : memref<16xf32, #tpu.memory_space<vmem>>, vector<16xf32>,
    %swap3A_37 = vector.shape_cast %swap3A_36 : vector<16xf32> to vector<16xf32>
    %swap3A_38 = vector.shape_cast %broadcast_in_dim3A_35 : vector<16xf32> to vector<16xf32>
    tpu.vector_store %arg20[%swap3A], %swap3A_38 {strides = array<i32>} : memref<16xf32, #tpu.memory_space<vmem>>, vector<16xf32>,
    %broadcast_in_dim3A_39 = arith.constant 0.000000e+00 : f32
    %broadcast_in_dim3A_40 = vector.broadcast %broadcast_in_dim3A_39 : f32 to vector<16xf32>
    %swap3A_41 = arith.constant 0 : index
    %swap3A_42 = tpu.vector_load %arg21[%swap3A_41] {strides = array<i32>} : memref<16xf32, #tpu.memory_space<vmem>>, vector<16xf32>,
    %swap3A_43 = vector.shape_cast %swap3A_42 : vector<16xf32> to vector<16xf32>
    %swap3A_44 = vector.shape_cast %broadcast_in_dim3A_40 : vector<16xf32> to vector<16xf32>
    tpu.vector_store %arg21[%swap3A_41], %swap3A_44 {strides = array<i32>} : memref<16xf32, #tpu.memory_space<vmem>>, vector<16xf32>,
    %add3A_45 = arith.constant 0 : i32
    %add3A_46 = arith.addi %mul3A_32, %add3A_45 : i32
    %dma_start3A = tpu.memref_slice %arg4[%select_n3A, %add3A_46] : memref<8x262144xi32, #tpu.memory_space<hbm>> -> memref<1x8192xi32, #tpu.memory_space<hbm>>
    %dma_start3A_47 = tpu.memref_squeeze %dma_start3A : memref<1x8192xi32, #tpu.memory_space<hbm>> -> memref<8192xi32, #tpu.memory_space<hbm>>
    %dma_start3A_48 = tpu.memref_slice %arg4[%select_n3A, %add3A_46] : memref<8x262144xi32, #tpu.memory_space<hbm>> -> memref<1x8192xi32, #tpu.memory_space<hbm>>
    %dma_start3A_49 = tpu.memref_squeeze %dma_start3A_48 : memref<1x8192xi32, #tpu.memory_space<hbm>> -> memref<8192xi32, #tpu.memory_space<hbm>>
    tpu.enqueue_dma source(%dma_start3A_49 : memref<8192xi32, #tpu.memory_space<hbm>>) target(%arg9 : memref<8192xi32, #tpu.memory_space<vmem>>) target_semaphore(%arg22 : memref<!tpu.dma_semaphore, #tpu.memory_space<semaphore_mem>>)
    %dma_start3A_50 = tpu.memref_slice %arg5[%select_n3A, %add3A_46] : memref<8x262144xi32, #tpu.memory_space<hbm>> -> memref<1x8192xi32, #tpu.memory_space<hbm>>
    %dma_start3A_51 = tpu.memref_squeeze %dma_start3A_50 : memref<1x8192xi32, #tpu.memory_space<hbm>> -> memref<8192xi32, #tpu.memory_space<hbm>>
    %dma_start3A_52 = tpu.memref_slice %arg5[%select_n3A, %add3A_46] : memref<8x262144xi32, #tpu.memory_space<hbm>> -> memref<1x8192xi32, #tpu.memory_space<hbm>>
    %dma_start3A_53 = tpu.memref_squeeze %dma_start3A_52 : memref<1x8192xi32, #tpu.memory_space<hbm>> -> memref<8192xi32, #tpu.memory_space<hbm>>
    tpu.enqueue_dma source(%dma_start3A_53 : memref<8192xi32, #tpu.memory_space<hbm>>) target(%arg10 : memref<8192xi32, #tpu.memory_space<vmem>>) target_semaphore(%arg22 : memref<!tpu.dma_semaphore, #tpu.memory_space<semaphore_mem>>)
    %dma_wait3A = arith.constant 0 : i32
    %dma_wait3A_54 = arith.constant 0 : i32
    %dma_wait3A_55 = tpu.memref_slice %arg4[%dma_wait3A, %dma_wait3A_54] : memref<8x262144xi32, #tpu.memory_space<hbm>> -> memref<1x8192xi32, #tpu.memory_space<hbm>>
    %dma_wait3A_56 = tpu.memref_squeeze %dma_wait3A_55 : memref<1x8192xi32, #tpu.memory_space<hbm>> -> memref<8192xi32, #tpu.memory_space<hbm>>
    %dma_wait3A_57 = arith.constant 0 : i32
    %dma_wait3A_58 = tpu.memref_slice %arg4[%dma_wait3A, %dma_wait3A_57] : memref<8x262144xi32, #tpu.memory_space<hbm>> -> memref<1x8192xi32, #tpu.memory_space<hbm>>
    %dma_wait3A_59 = tpu.memref_squeeze %dma_wait3A_58 : memref<1x8192xi32, #tpu.memory_space<hbm>> -> memref<8192xi32, #tpu.memory_space<hbm>>
    tpu.wait_dma2 semaphore(%arg22 : memref<!tpu.dma_semaphore, #tpu.memory_space<semaphore_mem>>) src(%dma_wait3A_59 : memref<8192xi32, #tpu.memory_space<hbm>>) dst(%arg9 : memref<8192xi32, #tpu.memory_space<vmem>>)
    %dma_wait3A_60 = arith.constant 0 : i32
    %dma_wait3A_61 = arith.constant 0 : i32
    %dma_wait3A_62 = tpu.memref_slice %arg5[%dma_wait3A_60, %dma_wait3A_61] : memref<8x262144xi32, #tpu.memory_space<hbm>> -> memref<1x8192xi32, #tpu.memory_space<hbm>>
    %dma_wait3A_63 = tpu.memref_squeeze %dma_wait3A_62 : memref<1x8192xi32, #tpu.memory_space<hbm>> -> memref<8192xi32, #tpu.memory_space<hbm>>
    %dma_wait3A_64 = arith.constant 0 : i32
    %dma_wait3A_65 = tpu.memref_slice %arg5[%dma_wait3A_60, %dma_wait3A_64] : memref<8x262144xi32, #tpu.memory_space<hbm>> -> memref<1x8192xi32, #tpu.memory_space<hbm>>
    %dma_wait3A_66 = tpu.memref_squeeze %dma_wait3A_65 : memref<1x8192xi32, #tpu.memory_space<hbm>> -> memref<8192xi32, #tpu.memory_space<hbm>>
    tpu.wait_dma2 semaphore(%arg22 : memref<!tpu.dma_semaphore, #tpu.memory_space<semaphore_mem>>) src(%dma_wait3A_66 : memref<8192xi32, #tpu.memory_space<hbm>>) dst(%arg10 : memref<8192xi32, #tpu.memory_space<vmem>>)
    %scan3A = arith.constant 0 : i32
    %scan3A_67 = arith.constant 0 : i32
    %scan3A_68 = arith.constant 512 : i32
    %scan3A_69 = arith.addi %scan3A_67, %scan3A_68 : i32
    %scan3A_70 = arith.constant 8 : i32
    scf.for %scan3A_106 = %scan3A_67 to %scan3A_69 step %scan3A_70  : i32 {
      %mul3A_107 = arith.constant 16 : i32
      %mul3A_108 = arith.muli %scan3A_106, %mul3A_107 : i32
      %get3A_109 = arith.index_cast %mul3A_108 : i32 to index
      %get3A_110 = tpu.vector_load %arg9[%get3A_109] {strides = array<i32>} : memref<8192xi32, #tpu.memory_space<vmem>>, vector<16xi32>,
      %get3A_111 = vector.shape_cast %get3A_110 : vector<16xi32> to vector<16xi32>
      %get3A_112 = arith.index_cast %mul3A_108 : i32 to index
      %get3A_113 = tpu.vector_load %arg10[%get3A_112] {strides = array<i32>} : memref<8192xi32, #tpu.memory_space<vmem>>, vector<16xi32>,
      %get3A_114 = vector.shape_cast %get3A_113 : vector<16xi32> to vector<16xi32>
      %shift_right_arithmetic3A = arith.constant 3 : i32
      %shift_right_arithmetic3A_115 = vector.broadcast %shift_right_arithmetic3A : i32 to vector<16xi32>
      %shift_right_arithmetic3A_116 = arith.shrsi %get3A_111, %shift_right_arithmetic3A_115 : vector<16xi32>
      %shift_left3A = arith.constant 14 : i32
      %shift_left3A_117 = vector.broadcast %shift_left3A : i32 to vector<16xi32>
      %shift_left3A_118 = arith.shli %shift_right_arithmetic3A_116, %shift_left3A_117 : vector<16xi32>
      %add3A_119 = vector.broadcast %mul3A_34 : i32 to vector<16xi32>
      %add3A_120 = arith.addi %add3A_119, %shift_left3A_118 : vector<16xi32>
      %shift_right_arithmetic3A_121 = arith.constant 7 : i32
      %shift_right_arithmetic3A_122 = vector.broadcast %shift_right_arithmetic3A_121 : i32 to vector<16xi32>
      %shift_right_arithmetic3A_123 = arith.shrsi %get3A_114, %shift_right_arithmetic3A_122 : vector<16xi32>
      %shift_left3A_124 = arith.constant 10 : i32
      %shift_left3A_125 = vector.broadcast %shift_left3A_124 : i32 to vector<16xi32>
      %shift_left3A_126 = arith.shli %shift_right_arithmetic3A_123, %shift_left3A_125 : vector<16xi32>
      %add3A_127 = arith.addi %add3A_120, %shift_left3A_126 : vector<16xi32>
      %and3A_128 = arith.constant 7 : i32
      %and3A_129 = vector.broadcast %and3A_128 : i32 to vector<16xi32>
      %and3A_130 = arith.andi %get3A_111, %and3A_129 : vector<16xi32>
      %shift_left3A_131 = arith.constant 7 : i32
      %shift_left3A_132 = vector.broadcast %shift_left3A_131 : i32 to vector<16xi32>
      %shift_left3A_133 = arith.shli %and3A_130, %shift_left3A_132 : vector<16xi32>
      %add3A_134 = arith.addi %add3A_127, %shift_left3A_133 : vector<16xi32>
      %and3A_135 = arith.constant 127 : i32
      %and3A_136 = vector.broadcast %and3A_135 : i32 to vector<16xi32>
      %and3A_137 = arith.andi %get3A_114, %and3A_136 : vector<16xi32>
      %add3A_138 = arith.addi %add3A_134, %and3A_137 : vector<16xi32>
      %swap3A_139 = arith.index_cast %mul3A_108 : i32 to index
      %swap3A_140 = tpu.vector_load %arg13[%swap3A_139] {strides = array<i32>} : memref<8192xi32, #tpu.memory_space<vmem>>, vector<16xi32>,
      %swap3A_141 = vector.shape_cast %swap3A_140 : vector<16xi32> to vector<16xi32>
      %swap3A_142 = vector.shape_cast %add3A_138 : vector<16xi32> to vector<16xi32>
      tpu.vector_store %arg13[%swap3A_139], %swap3A_142 {strides = array<i32>} : memref<8192xi32, #tpu.memory_space<vmem>>, vector<16xi32>,
      %scan3A_143 = arith.constant 1 : i32
      %scan3A_144 = arith.addi %scan3A_106, %scan3A_143 : i32
      %mul3A_145 = arith.constant 16 : i32
      %mul3A_146 = arith.muli %scan3A_144, %mul3A_145 : i32
      %get3A_147 = arith.index_cast %mul3A_146 : i32 to index
      %get3A_148 = tpu.vector_load %arg9[%get3A_147] {strides = array<i32>} : memref<8192xi32, #tpu.memory_space<vmem>>, vector<16xi32>,
      %get3A_149 = vector.shape_cast %get3A_148 : vector<16xi32> to vector<16xi32>
      %get3A_150 = arith.index_cast %mul3A_146 : i32 to index
      %get3A_151 = tpu.vector_load %arg10[%get3A_150] {strides = array<i32>} : memref<8192xi32, #tpu.memory_space<vmem>>, vector<16xi32>,
      %get3A_152 = vector.shape_cast %get3A_151 : vector<16xi32> to vector<16xi32>
      %shift_right_arithmetic3A_153 = arith.constant 3 : i32
      %shift_right_arithmetic3A_154 = vector.broadcast %shift_right_arithmetic3A_153 : i32 to vector<16xi32>
      %shift_right_arithmetic3A_155 = arith.shrsi %get3A_149, %shift_right_arithmetic3A_154 : vector<16xi32>
      %shift_left3A_156 = arith.constant 14 : i32
      %shift_left3A_157 = vector.broadcast %shift_left3A_156 : i32 to vector<16xi32>
      %shift_left3A_158 = arith.shli %shift_right_arithmetic3A_155, %shift_left3A_157 : vector<16xi32>
      %add3A_159 = vector.broadcast %mul3A_34 : i32 to vector<16xi32>
      %add3A_160 = arith.addi %add3A_159, %shift_left3A_158 : vector<16xi32>
      %shift_right_arithmetic3A_161 = arith.constant 7 : i32
      %shift_right_arithmetic3A_162 = vector.broadcast %shift_right_arithmetic3A_161 : i32 to vector<16xi32>
      %shift_right_arithmetic3A_163 = arith.shrsi %get3A_152, %shift_right_arithmetic3A_162 : vector<16xi32>
      %shift_left3A_164 = arith.constant 10 : i32
      %shift_left3A_165 = vector.broadcast %shift_left3A_164 : i32 to vector<16xi32>
      %shift_left3A_166 = arith.shli %shift_right_arithmetic3A_163, %shift_left3A_165 : vector<16xi32>
      %add3A_167 = arith.addi %add3A_160, %shift_left3A_166 : vector<16xi32>
      %and3A_168 = arith.constant 7 : i32
      %and3A_169 = vector.broadcast %and3A_168 : i32 to vector<16xi32>
      %and3A_170 = arith.andi %get3A_149, %and3A_169 : vector<16xi32>
      %shift_left3A_171 = arith.constant 7 : i32
      %shift_left3A_172 = vector.broadcast %shift_left3A_171 : i32 to vector<16xi32>
      %shift_left3A_173 = arith.shli %and3A_170, %shift_left3A_172 : vector<16xi32>
      %add3A_174 = arith.addi %add3A_167, %shift_left3A_173 : vector<16xi32>
      %and3A_175 = arith.constant 127 : i32
      %and3A_176 = vector.broadcast %and3A_175 : i32 to vector<16xi32>
      %and3A_177 = arith.andi %get3A_152, %and3A_176 : vector<16xi32>
      %add3A_178 = arith.addi %add3A_174, %and3A_177 : vector<16xi32>
      %swap3A_179 = arith.index_cast %mul3A_146 : i32 to index
      %swap3A_180 = tpu.vector_load %arg13[%swap3A_179] {strides = array<i32>} : memref<8192xi32, #tpu.memory_space<vmem>>, vector<16xi32>,
      %swap3A_181 = vector.shape_cast %swap3A_180 : vector<16xi32> to vector<16xi32>
      %swap3A_182 = vector.shape_cast %add3A_178 : vector<16xi32> to vector<16xi32>
      tpu.vector_store %arg13[%swap3A_179], %swap3A_182 {strides = array<i32>} : memref<8192xi32, #tpu.memory_space<vmem>>, vector<16xi32>,
      %scan3A_183 = arith.constant 2 : i32
      %scan3A_184 = arith.addi %scan3A_106, %scan3A_183 : i32
      %mul3A_185 = arith.constant 16 : i32
      %mul3A_186 = arith.muli %scan3A_184, %mul3A_185 : i32
      %get3A_187 = arith.index_cast %mul3A_186 : i32 to index
      %get3A_188 = tpu.vector_load %arg9[%get3A_187] {strides = array<i32>} : memref<8192xi32, #tpu.memory_space<vmem>>, vector<16xi32>,
      %get3A_189 = vector.shape_cast %get3A_188 : vector<16xi32> to vector<16xi32>
      %get3A_190 = arith.index_cast %mul3A_186 : i32 to index
      %get3A_191 = tpu.vector_load %arg10[%get3A_190] {strides = array<i32>} : memref<8192xi32, #tpu.memory_space<vmem>>, vector<16xi32>,
      %get3A_192 = vector.shape_cast %get3A_191 : vector<16xi32> to vector<16xi32>
      %shift_right_arithmetic3A_193 = arith.constant 3 : i32
      %shift_right_arithmetic3A_194 = vector.broadcast %shift_right_arithmetic3A_193 : i32 to vector<16xi32>
      %shift_right_arithmetic3A_195 = arith.shrsi %get3A_189, %shift_right_arithmetic3A_194 : vector<16xi32>
      %shift_left3A_196 = arith.constant 14 : i32
      %shift_left3A_197 = vector.broadcast %shift_left3A_196 : i32 to vector<16xi32>
      %shift_left3A_198 = arith.shli %shift_right_arithmetic3A_195, %shift_left3A_197 : vector<16xi32>
      %add3A_199 = vector.broadcast %mul3A_34 : i32 to vector<16xi32>
      %add3A_200 = arith.addi %add3A_199, %shift_left3A_198 : vector<16xi32>
      %shift_right_arithmetic3A_201 = arith.constant 7 : i32
      %shift_right_arithmetic3A_202 = vector.broadcast %shift_right_arithmetic3A_201 : i32 to vector<16xi32>
      %shift_right_arithmetic3A_203 = arith.shrsi %get3A_192, %shift_right_arithmetic3A_202 : vector<16xi32>
      %shift_left3A_204 = arith.constant 10 : i32
      %shift_left3A_205 = vector.broadcast %shift_left3A_204 : i32 to vector<16xi32>
      %shift_left3A_206 = arith.shli %shift_right_arithmetic3A_203, %shift_left3A_205 : vector<16xi32>
      %add3A_207 = arith.addi %add3A_200, %shift_left3A_206 : vector<16xi32>
      %and3A_208 = arith.constant 7 : i32
      %and3A_209 = vector.broadcast %and3A_208 : i32 to vector<16xi32>
      %and3A_210 = arith.andi %get3A_189, %and3A_209 : vector<16xi32>
      %shift_left3A_211 = arith.constant 7 : i32
      %shift_left3A_212 = vector.broadcast %shift_left3A_211 : i32 to vector<16xi32>
      %shift_left3A_213 = arith.shli %and3A_210, %shift_left3A_212 : vector<16xi32>
      %add3A_214 = arith.addi %add3A_207, %shift_left3A_213 : vector<16xi32>
      %and3A_215 = arith.constant 127 : i32
      %and3A_216 = vector.broadcast %and3A_215 : i32 to vector<16xi32>
      %and3A_217 = arith.andi %get3A_192, %and3A_216 : vector<16xi32>
      %add3A_218 = arith.addi %add3A_214, %and3A_217 : vector<16xi32>
      %swap3A_219 = arith.index_cast %mul3A_186 : i32 to index
      %swap3A_220 = tpu.vector_load %arg13[%swap3A_219] {strides = array<i32>} : memref<8192xi32, #tpu.memory_space<vmem>>, vector<16xi32>,
      %swap3A_221 = vector.shape_cast %swap3A_220 : vector<16xi32> to vector<16xi32>
      %swap3A_222 = vector.shape_cast %add3A_218 : vector<16xi32> to vector<16xi32>
      tpu.vector_store %arg13[%swap3A_219], %swap3A_222 {strides = array<i32>} : memref<8192xi32, #tpu.memory_space<vmem>>, vector<16xi32>,
      %scan3A_223 = arith.constant 3 : i32
      %scan3A_224 = arith.addi %scan3A_106, %scan3A_223 : i32
      %mul3A_225 = arith.constant 16 : i32
      %mul3A_226 = arith.muli %scan3A_224, %mul3A_225 : i32
      %get3A_227 = arith.index_cast %mul3A_226 : i32 to index
      %get3A_228 = tpu.vector_load %arg9[%get3A_227] {strides = array<i32>} : memref<8192xi32, #tpu.memory_space<vmem>>, vector<16xi32>,
      %get3A_229 = vector.shape_cast %get3A_228 : vector<16xi32> to vector<16xi32>
      %get3A_230 = arith.index_cast %mul3A_226 : i32 to index
      %get3A_231 = tpu.vector_load %arg10[%get3A_230] {strides = array<i32>} : memref<8192xi32, #tpu.memory_space<vmem>>, vector<16xi32>,
      %get3A_232 = vector.shape_cast %get3A_231 : vector<16xi32> to vector<16xi32>
      %shift_right_arithmetic3A_233 = arith.constant 3 : i32
      %shift_right_arithmetic3A_234 = vector.broadcast %shift_right_arithmetic3A_233 : i32 to vector<16xi32>
      %shift_right_arithmetic3A_235 = arith.shrsi %get3A_229, %shift_right_arithmetic3A_234 : vector<16xi32>
      %shift_left3A_236 = arith.constant 14 : i32
      %shift_left3A_237 = vector.broadcast %shift_left3A_236 : i32 to vector<16xi32>
      %shift_left3A_238 = arith.shli %shift_right_arithmetic3A_235, %shift_left3A_237 : vector<16xi32>
      %add3A_239 = vector.broadcast %mul3A_34 : i32 to vector<16xi32>
      %add3A_240 = arith.addi %add3A_239, %shift_left3A_238 : vector<16xi32>
      %shift_right_arithmetic3A_241 = arith.constant 7 : i32
      %shift_right_arithmetic3A_242 = vector.broadcast %shift_right_arithmetic3A_241 : i32 to vector<16xi32>
      %shift_right_arithmetic3A_243 = arith.shrsi %get3A_232, %shift_right_arithmetic3A_242 : vector<16xi32>
      %shift_left3A_244 = arith.constant 10 : i32
      %shift_left3A_245 = vector.broadcast %shift_left3A_244 : i32 to vector<16xi32>
      %shift_left3A_246 = arith.shli %shift_right_arithmetic3A_243, %shift_left3A_245 : vector<16xi32>
      %add3A_247 = arith.addi %add3A_240, %shift_left3A_246 : vector<16xi32>
      %and3A_248 = arith.constant 7 : i32
      %and3A_249 = vector.broadcast %and3A_248 : i32 to vector<16xi32>
      %and3A_250 = arith.andi %get3A_229, %and3A_249 : vector<16xi32>
      %shift_left3A_251 = arith.constant 7 : i32
      %shift_left3A_252 = vector.broadcast %shift_left3A_251 : i32 to vector<16xi32>
      %shift_left3A_253 = arith.shli %and3A_250, %shift_left3A_252 : vector<16xi32>
      %add3A_254 = arith.addi %add3A_247, %shift_left3A_253 : vector<16xi32>
      %and3A_255 = arith.constant 127 : i32
      %and3A_256 = vector.broadcast %and3A_255 : i32 to vector<16xi32>
      %and3A_257 = arith.andi %get3A_232, %and3A_256 : vector<16xi32>
      %add3A_258 = arith.addi %add3A_254, %and3A_257 : vector<16xi32>
      %swap3A_259 = arith.index_cast %mul3A_226 : i32 to index
      %swap3A_260 = tpu.vector_load %arg13[%swap3A_259] {strides = array<i32>} : memref<8192xi32, #tpu.memory_space<vmem>>, vector<16xi32>,
      %swap3A_261 = vector.shape_cast %swap3A_260 : vector<16xi32> to vector<16xi32>
      %swap3A_262 = vector.shape_cast %add3A_258 : vector<16xi32> to vector<16xi32>
      tpu.vector_store %arg13[%swap3A_259], %swap3A_262 {strides = array<i32>} : memref<8192xi32, #tpu.memory_space<vmem>>, vector<16xi32>,
      %scan3A_263 = arith.constant 4 : i32
      %scan3A_264 = arith.addi %scan3A_106, %scan3A_263 : i32
      %mul3A_265 = arith.constant 16 : i32
      %mul3A_266 = arith.muli %scan3A_264, %mul3A_265 : i32
      %get3A_267 = arith.index_cast %mul3A_266 : i32 to index
      %get3A_268 = tpu.vector_load %arg9[%get3A_267] {strides = array<i32>} : memref<8192xi32, #tpu.memory_space<vmem>>, vector<16xi32>,
      %get3A_269 = vector.shape_cast %get3A_268 : vector<16xi32> to vector<16xi32>
      %get3A_270 = arith.index_cast %mul3A_266 : i32 to index
      %get3A_271 = tpu.vector_load %arg10[%get3A_270] {strides = array<i32>} : memref<8192xi32, #tpu.memory_space<vmem>>, vector<16xi32>,
      %get3A_272 = vector.shape_cast %get3A_271 : vector<16xi32> to vector<16xi32>
      %shift_right_arithmetic3A_273 = arith.constant 3 : i32
      %shift_right_arithmetic3A_274 = vector.broadcast %shift_right_arithmetic3A_273 : i32 to vector<16xi32>
      %shift_right_arithmetic3A_275 = arith.shrsi %get3A_269, %shift_right_arithmetic3A_274 : vector<16xi32>
      %shift_left3A_276 = arith.constant 14 : i32
      %shift_left3A_277 = vector.broadcast %shift_left3A_276 : i32 to vector<16xi32>
      %shift_left3A_278 = arith.shli %shift_right_arithmetic3A_275, %shift_left3A_277 : vector<16xi32>
      %add3A_279 = vector.broadcast %mul3A_34 : i32 to vector<16xi32>
      %add3A_280 = arith.addi %add3A_279, %shift_left3A_278 : vector<16xi32>
      %shift_right_arithmetic3A_281 = arith.constant 7 : i32
      %shift_right_arithmetic3A_282 = vector.broadcast %shift_right_arithmetic3A_281 : i32 to vector<16xi32>
      %shift_right_arithmetic3A_283 = arith.shrsi %get3A_272, %shift_right_arithmetic3A_282 : vector<16xi32>
      %shift_left3A_284 = arith.constant 10 : i32
      %shift_left3A_285 = vector.broadcast %shift_left3A_284 : i32 to vector<16xi32>
      %shift_left3A_286 = arith.shli %shift_right_arithmetic3A_283, %shift_left3A_285 : vector<16xi32>
      %add3A_287 = arith.addi %add3A_280, %shift_left3A_286 : vector<16xi32>
      %and3A_288 = arith.constant 7 : i32
      %and3A_289 = vector.broadcast %and3A_288 : i32 to vector<16xi32>
      %and3A_290 = arith.andi %get3A_269, %and3A_289 : vector<16xi32>
      %shift_left3A_291 = arith.constant 7 : i32
      %shift_left3A_292 = vector.broadcast %shift_left3A_291 : i32 to vector<16xi32>
      %shift_left3A_293 = arith.shli %and3A_290, %shift_left3A_292 : vector<16xi32>
      %add3A_294 = arith.addi %add3A_287, %shift_left3A_293 : vector<16xi32>
      %and3A_295 = arith.constant 127 : i32
      %and3A_296 = vector.broadcast %and3A_295 : i32 to vector<16xi32>
      %and3A_297 = arith.andi %get3A_272, %and3A_296 : vector<16xi32>
      %add3A_298 = arith.addi %add3A_294, %and3A_297 : vector<16xi32>
      %swap3A_299 = arith.index_cast %mul3A_266 : i32 to index
      %swap3A_300 = tpu.vector_load %arg13[%swap3A_299] {strides = array<i32>} : memref<8192xi32, #tpu.memory_space<vmem>>, vector<16xi32>,
      %swap3A_301 = vector.shape_cast %swap3A_300 : vector<16xi32> to vector<16xi32>
      %swap3A_302 = vector.shape_cast %add3A_298 : vector<16xi32> to vector<16xi32>
      tpu.vector_store %arg13[%swap3A_299], %swap3A_302 {strides = array<i32>} : memref<8192xi32, #tpu.memory_space<vmem>>, vector<16xi32>,
      %scan3A_303 = arith.constant 5 : i32
      %scan3A_304 = arith.addi %scan3A_106, %scan3A_303 : i32
      %mul3A_305 = arith.constant 16 : i32
      %mul3A_306 = arith.muli %scan3A_304, %mul3A_305 : i32
      %get3A_307 = arith.index_cast %mul3A_306 : i32 to index
      %get3A_308 = tpu.vector_load %arg9[%get3A_307] {strides = array<i32>} : memref<8192xi32, #tpu.memory_space<vmem>>, vector<16xi32>,
      %get3A_309 = vector.shape_cast %get3A_308 : vector<16xi32> to vector<16xi32>
      %get3A_310 = arith.index_cast %mul3A_306 : i32 to index
      %get3A_311 = tpu.vector_load %arg10[%get3A_310] {strides = array<i32>} : memref<8192xi32, #tpu.memory_space<vmem>>, vector<16xi32>,
      %get3A_312 = vector.shape_cast %get3A_311 : vector<16xi32> to vector<16xi32>
      %shift_right_arithmetic3A_313 = arith.constant 3 : i32
      %shift_right_arithmetic3A_314 = vector.broadcast %shift_right_arithmetic3A_313 : i32 to vector<16xi32>
      %shift_right_arithmetic3A_315 = arith.shrsi %get3A_309, %shift_right_arithmetic3A_314 : vector<16xi32>
      %shift_left3A_316 = arith.constant 14 : i32
      %shift_left3A_317 = vector.broadcast %shift_left3A_316 : i32 to vector<16xi32>
      %shift_left3A_318 = arith.shli %shift_right_arithmetic3A_315, %shift_left3A_317 : vector<16xi32>
      %add3A_319 = vector.broadcast %mul3A_34 : i32 to vector<16xi32>
      %add3A_320 = arith.addi %add3A_319, %shift_left3A_318 : vector<16xi32>
      %shift_right_arithmetic3A_321 = arith.constant 7 : i32
      %shift_right_arithmetic3A_322 = vector.broadcast %shift_right_arithmetic3A_321 : i32 to vector<16xi32>
      %shift_right_arithmetic3A_323 = arith.shrsi %get3A_312, %shift_right_arithmetic3A_322 : vector<16xi32>
      %shift_left3A_324 = arith.constant 10 : i32
      %shift_left3A_325 = vector.broadcast %shift_left3A_324 : i32 to vector<16xi32>
      %shift_left3A_326 = arith.shli %shift_right_arithmetic3A_323, %shift_left3A_325 : vector<16xi32>
      %add3A_327 = arith.addi %add3A_320, %shift_left3A_326 : vector<16xi32>
      %and3A_328 = arith.constant 7 : i32
      %and3A_329 = vector.broadcast %and3A_328 : i32 to vector<16xi32>
      %and3A_330 = arith.andi %get3A_309, %and3A_329 : vector<16xi32>
      %shift_left3A_331 = arith.constant 7 : i32
      %shift_left3A_332 = vector.broadcast %shift_left3A_331 : i32 to vector<16xi32>
      %shift_left3A_333 = arith.shli %and3A_330, %shift_left3A_332 : vector<16xi32>
      %add3A_334 = arith.addi %add3A_327, %shift_left3A_333 : vector<16xi32>
      %and3A_335 = arith.constant 127 : i32
      %and3A_336 = vector.broadcast %and3A_335 : i32 to vector<16xi32>
      %and3A_337 = arith.andi %get3A_312, %and3A_336 : vector<16xi32>
      %add3A_338 = arith.addi %add3A_334, %and3A_337 : vector<16xi32>
      %swap3A_339 = arith.index_cast %mul3A_306 : i32 to index
      %swap3A_340 = tpu.vector_load %arg13[%swap3A_339] {strides = array<i32>} : memref<8192xi32, #tpu.memory_space<vmem>>, vector<16xi32>,
      %swap3A_341 = vector.shape_cast %swap3A_340 : vector<16xi32> to vector<16xi32>
      %swap3A_342 = vector.shape_cast %add3A_338 : vector<16xi32> to vector<16xi32>
      tpu.vector_store %arg13[%swap3A_339], %swap3A_342 {strides = array<i32>} : memref<8192xi32, #tpu.memory_space<vmem>>, vector<16xi32>,
      %scan3A_343 = arith.constant 6 : i32
      %scan3A_344 = arith.addi %scan3A_106, %scan3A_343 : i32
      %mul3A_345 = arith.constant 16 : i32
      %mul3A_346 = arith.muli %scan3A_344, %mul3A_345 : i32
      %get3A_347 = arith.index_cast %mul3A_346 : i32 to index
      %get3A_348 = tpu.vector_load %arg9[%get3A_347] {strides = array<i32>} : memref<8192xi32, #tpu.memory_space<vmem>>, vector<16xi32>,
      %get3A_349 = vector.shape_cast %get3A_348 : vector<16xi32> to vector<16xi32>
      %get3A_350 = arith.index_cast %mul3A_346 : i32 to index
      %get3A_351 = tpu.vector_load %arg10[%get3A_350] {strides = array<i32>} : memref<8192xi32, #tpu.memory_space<vmem>>, vector<16xi32>,
      %get3A_352 = vector.shape_cast %get3A_351 : vector<16xi32> to vector<16xi32>
      %shift_right_arithmetic3A_353 = arith.constant 3 : i32
      %shift_right_arithmetic3A_354 = vector.broadcast %shift_right_arithmetic3A_353 : i32 to vector<16xi32>
      %shift_right_arithmetic3A_355 = arith.shrsi %get3A_349, %shift_right_arithmetic3A_354 : vector<16xi32>
      %shift_left3A_356 = arith.constant 14 : i32
      %shift_left3A_357 = vector.broadcast %shift_left3A_356 : i32 to vector<16xi32>
      %shift_left3A_358 = arith.shli %shift_right_arithmetic3A_355, %shift_left3A_357 : vector<16xi32>
      %add3A_359 = vector.broadcast %mul3A_34 : i32 to vector<16xi32>
      %add3A_360 = arith.addi %add3A_359, %shift_left3A_358 : vector<16xi32>
      %shift_right_arithmetic3A_361 = arith.constant 7 : i32
      %shift_right_arithmetic3A_362 = vector.broadcast %shift_right_arithmetic3A_361 : i32 to vector<16xi32>
      %shift_right_arithmetic3A_363 = arith.shrsi %get3A_352, %shift_right_arithmetic3A_362 : vector<16xi32>
      %shift_left3A_364 = arith.constant 10 : i32
      %shift_left3A_365 = vector.broadcast %shift_left3A_364 : i32 to vector<16xi32>
      %shift_left3A_366 = arith.shli %shift_right_arithmetic3A_363, %shift_left3A_365 : vector<16xi32>
      %add3A_367 = arith.addi %add3A_360, %shift_left3A_366 : vector<16xi32>
      %and3A_368 = arith.constant 7 : i32
      %and3A_369 = vector.broadcast %and3A_368 : i32 to vector<16xi32>
      %and3A_370 = arith.andi %get3A_349, %and3A_369 : vector<16xi32>
      %shift_left3A_371 = arith.constant 7 : i32
      %shift_left3A_372 = vector.broadcast %shift_left3A_371 : i32 to vector<16xi32>
      %shift_left3A_373 = arith.shli %and3A_370, %shift_left3A_372 : vector<16xi32>
      %add3A_374 = arith.addi %add3A_367, %shift_left3A_373 : vector<16xi32>
      %and3A_375 = arith.constant 127 : i32
      %and3A_376 = vector.broadcast %and3A_375 : i32 to vector<16xi32>
      %and3A_377 = arith.andi %get3A_352, %and3A_376 : vector<16xi32>
      %add3A_378 = arith.addi %add3A_374, %and3A_377 : vector<16xi32>
      %swap3A_379 = arith.index_cast %mul3A_346 : i32 to index
      %swap3A_380 = tpu.vector_load %arg13[%swap3A_379] {strides = array<i32>} : memref<8192xi32, #tpu.memory_space<vmem>>, vector<16xi32>,
      %swap3A_381 = vector.shape_cast %swap3A_380 : vector<16xi32> to vector<16xi32>
      %swap3A_382 = vector.shape_cast %add3A_378 : vector<16xi32> to vector<16xi32>
      tpu.vector_store %arg13[%swap3A_379], %swap3A_382 {strides = array<i32>} : memref<8192xi32, #tpu.memory_space<vmem>>, vector<16xi32>,
      %scan3A_383 = arith.constant 7 : i32
      %scan3A_384 = arith.addi %scan3A_106, %scan3A_383 : i32
      %mul3A_385 = arith.constant 16 : i32
      %mul3A_386 = arith.muli %scan3A_384, %mul3A_385 : i32
      %get3A_387 = arith.index_cast %mul3A_386 : i32 to index
      %get3A_388 = tpu.vector_load %arg9[%get3A_387] {strides = array<i32>} : memref<8192xi32, #tpu.memory_space<vmem>>, vector<16xi32>,
      %get3A_389 = vector.shape_cast %get3A_388 : vector<16xi32> to vector<16xi32>
      %get3A_390 = arith.index_cast %mul3A_386 : i32 to index
      %get3A_391 = tpu.vector_load %arg10[%get3A_390] {strides = array<i32>} : memref<8192xi32, #tpu.memory_space<vmem>>, vector<16xi32>,
      %get3A_392 = vector.shape_cast %get3A_391 : vector<16xi32> to vector<16xi32>
      %shift_right_arithmetic3A_393 = arith.constant 3 : i32
      %shift_right_arithmetic3A_394 = vector.broadcast %shift_right_arithmetic3A_393 : i32 to vector<16xi32>
      %shift_right_arithmetic3A_395 = arith.shrsi %get3A_389, %shift_right_arithmetic3A_394 : vector<16xi32>
      %shift_left3A_396 = arith.constant 14 : i32
      %shift_left3A_397 = vector.broadcast %shift_left3A_396 : i32 to vector<16xi32>
      %shift_left3A_398 = arith.shli %shift_right_arithmetic3A_395, %shift_left3A_397 : vector<16xi32>
      %add3A_399 = vector.broadcast %mul3A_34 : i32 to vector<16xi32>
      %add3A_400 = arith.addi %add3A_399, %shift_left3A_398 : vector<16xi32>
      %shift_right_arithmetic3A_401 = arith.constant 7 : i32
      %shift_right_arithmetic3A_402 = vector.broadcast %shift_right_arithmetic3A_401 : i32 to vector<16xi32>
      %shift_right_arithmetic3A_403 = arith.shrsi %get3A_392, %shift_right_arithmetic3A_402 : vector<16xi32>
      %shift_left3A_404 = arith.constant 10 : i32
      %shift_left3A_405 = vector.broadcast %shift_left3A_404 : i32 to vector<16xi32>
      %shift_left3A_406 = arith.shli %shift_right_arithmetic3A_403, %shift_left3A_405 : vector<16xi32>
      %add3A_407 = arith.addi %add3A_400, %shift_left3A_406 : vector<16xi32>
      %and3A_408 = arith.constant 7 : i32
      %and3A_409 = vector.broadcast %and3A_408 : i32 to vector<16xi32>
      %and3A_410 = arith.andi %get3A_389, %and3A_409 : vector<16xi32>
      %shift_left3A_411 = arith.constant 7 : i32
      %shift_left3A_412 = vector.broadcast %shift_left3A_411 : i32 to vector<16xi32>
      %shift_left3A_413 = arith.shli %and3A_410, %shift_left3A_412 : vector<16xi32>
      %add3A_414 = arith.addi %add3A_407, %shift_left3A_413 : vector<16xi32>
      %and3A_415 = arith.constant 127 : i32
      %and3A_416 = vector.broadcast %and3A_415 : i32 to vector<16xi32>
      %and3A_417 = arith.andi %get3A_392, %and3A_416 : vector<16xi32>
      %add3A_418 = arith.addi %add3A_414, %and3A_417 : vector<16xi32>
      %swap3A_419 = arith.index_cast %mul3A_386 : i32 to index
      %swap3A_420 = tpu.vector_load %arg13[%swap3A_419] {strides = array<i32>} : memref<8192xi32, #tpu.memory_space<vmem>>, vector<16xi32>,
      %swap3A_421 = vector.shape_cast %swap3A_420 : vector<16xi32> to vector<16xi32>
      %swap3A_422 = vector.shape_cast %add3A_418 : vector<16xi32> to vector<16xi32>
      tpu.vector_store %arg13[%swap3A_419], %swap3A_422 {strides = array<i32>} : memref<8192xi32, #tpu.memory_space<vmem>>, vector<16xi32>,
    }
    %scan3A_71 = arith.constant 512 : i32
    %dma_start3A_72 = arith.constant 0 : i32
    %dma_start3A_73 = tpu.memref_slice %arg2[%dma_start3A_72] : memref<33554432xf32, #tpu.memory_space<hbm>> -> memref<33554432xf32, #tpu.memory_space<hbm>>
    tpu.enqueue_indirect_dma source(%dma_start3A_73 : memref<33554432xf32, #tpu.memory_space<hbm>>) target(%arg15 : memref<8192xf32, #tpu.memory_space<vmem>>) offsets(%arg13 : memref<8192xi32, #tpu.memory_space<vmem>>) semaphore(%arg24 : memref<!tpu.dma_semaphore, #tpu.memory_space<semaphore_mem>>)
    %dma_start3A_74 = arith.constant 0 : i32
    %dma_start3A_75 = tpu.memref_slice %arg3[%dma_start3A_74] : memref<33554432xf32, #tpu.memory_space<hbm>> -> memref<33554432xf32, #tpu.memory_space<hbm>>
    tpu.enqueue_indirect_dma source(%dma_start3A_75 : memref<33554432xf32, #tpu.memory_space<hbm>>) target(%arg16 : memref<8192xf32, #tpu.memory_space<vmem>>) offsets(%arg13 : memref<8192xi32, #tpu.memory_space<vmem>>) semaphore(%arg24 : memref<!tpu.dma_semaphore, #tpu.memory_space<semaphore_mem>>)
    %add3A_76 = arith.constant 8192 : i32
    %add3A_77 = arith.addi %mul3A_32, %add3A_76 : i32
    %dma_start3A_78 = tpu.memref_slice %arg4[%select_n3A, %add3A_77] : memref<8x262144xi32, #tpu.memory_space<hbm>> -> memref<1x8192xi32, #tpu.memory_space<hbm>>
    %dma_start3A_79 = tpu.memref_squeeze %dma_start3A_78 : memref<1x8192xi32, #tpu.memory_space<hbm>> -> memref<8192xi32, #tpu.memory_space<hbm>>
    %dma_start3A_80 = tpu.memref_slice %arg4[%select_n3A, %add3A_77] : memref<8x262144xi32, #tpu.memory_space<hbm>> -> memref<1x8192xi32, #tpu.memory_space<hbm>>
    %dma_start3A_81 = tpu.memref_squeeze %dma_start3A_80 : memref<1x8192xi32, #tpu.memory_space<hbm>> -> memref<8192xi32, #tpu.memory_space<hbm>>
    tpu.enqueue_dma source(%dma_start3A_81 : memref<8192xi32, #tpu.memory_space<hbm>>) target(%arg11 : memref<8192xi32, #tpu.memory_space<vmem>>) target_semaphore(%arg23 : memref<!tpu.dma_semaphore, #tpu.memory_space<semaphore_mem>>)
    %dma_start3A_82 = tpu.memref_slice %arg5[%select_n3A, %add3A_77] : memref<8x262144xi32, #tpu.memory_space<hbm>> -> memref<1x8192xi32, #tpu.memory_space<hbm>>
    %dma_start3A_83 = tpu.memref_squeeze %dma_start3A_82 : memref<1x8192xi32, #tpu.memory_space<hbm>> -> memref<8192xi32, #tpu.memory_space<hbm>>
    %dma_start3A_84 = tpu.memref_slice %arg5[%select_n3A, %add3A_77] : memref<8x262144xi32, #tpu.memory_space<hbm>> -> memref<1x8192xi32, #tpu.memory_space<hbm>>
    %dma_start3A_85 = tpu.memref_squeeze %dma_start3A_84 : memref<1x8192xi32, #tpu.memory_space<hbm>> -> memref<8192xi32, #tpu.memory_space<hbm>>
    tpu.enqueue_dma source(%dma_start3A_85 : memref<8192xi32, #tpu.memory_space<hbm>>) target(%arg12 : memref<8192xi32, #tpu.memory_space<vmem>>) target_semaphore(%arg23 : memref<!tpu.dma_semaphore, #tpu.memory_space<semaphore_mem>>)
    %scan3A_86 = arith.constant 0 : i32
    %scan3A_87 = arith.constant 0 : i32
    %scan3A_88 = arith.constant 8 : i32
    %scan3A_89 = arith.addi %scan3A_87, %scan3A_88 : i32
    %scan3A_90 = arith.constant 1 : i32
    scf.for %scan3A_106 = %scan3A_87 to %scan3A_89 step %scan3A_90  : i32 {
      %mul3A_107 = arith.constant 2 : i32
      %mul3A_108 = arith.muli %mul3A_107, %scan3A_106 : i32
      %add3A_109 = arith.constant 1 : i32
      %add3A_110 = arith.addi %mul3A_108, %add3A_109 : i32
      %dma_wait3A_111 = arith.constant 0 : i32
      %dma_wait3A_112 = arith.constant 0 : i32
      %dma_wait3A_113 = tpu.memref_slice %arg4[%dma_wait3A_111, %dma_wait3A_112] : memref<8x262144xi32, #tpu.memory_space<hbm>> -> memref<1x8192xi32, #tpu.memory_space<hbm>>
      %dma_wait3A_114 = tpu.memref_squeeze %dma_wait3A_113 : memref<1x8192xi32, #tpu.memory_space<hbm>> -> memref<8192xi32, #tpu.memory_space<hbm>>
      %dma_wait3A_115 = arith.constant 0 : i32
      %dma_wait3A_116 = tpu.memref_slice %arg4[%dma_wait3A_111, %dma_wait3A_115] : memref<8x262144xi32, #tpu.memory_space<hbm>> -> memref<1x8192xi32, #tpu.memory_space<hbm>>
      %dma_wait3A_117 = tpu.memref_squeeze %dma_wait3A_116 : memref<1x8192xi32, #tpu.memory_space<hbm>> -> memref<8192xi32, #tpu.memory_space<hbm>>
      tpu.wait_dma2 semaphore(%arg23 : memref<!tpu.dma_semaphore, #tpu.memory_space<semaphore_mem>>) src(%dma_wait3A_117 : memref<8192xi32, #tpu.memory_space<hbm>>) dst(%arg11 : memref<8192xi32, #tpu.memory_space<vmem>>)
      %dma_wait3A_118 = arith.constant 0 : i32
      %dma_wait3A_119 = arith.constant 0 : i32
      %dma_wait3A_120 = tpu.memref_slice %arg5[%dma_wait3A_118, %dma_wait3A_119] : memref<8x262144xi32, #tpu.memory_space<hbm>> -> memref<1x8192xi32, #tpu.memory_space<hbm>>
      %dma_wait3A_121 = tpu.memref_squeeze %dma_wait3A_120 : memref<1x8192xi32, #tpu.memory_space<hbm>> -> memref<8192xi32, #tpu.memory_space<hbm>>
      %dma_wait3A_122 = arith.constant 0 : i32
      %dma_wait3A_123 = tpu.memref_slice %arg5[%dma_wait3A_118, %dma_wait3A_122] : memref<8x262144xi32, #tpu.memory_space<hbm>> -> memref<1x8192xi32, #tpu.memory_space<hbm>>
      %dma_wait3A_124 = tpu.memref_squeeze %dma_wait3A_123 : memref<1x8192xi32, #tpu.memory_space<hbm>> -> memref<8192xi32, #tpu.memory_space<hbm>>
      tpu.wait_dma2 semaphore(%arg23 : memref<!tpu.dma_semaphore, #tpu.memory_space<semaphore_mem>>) src(%dma_wait3A_124 : memref<8192xi32, #tpu.memory_space<hbm>>) dst(%arg12 : memref<8192xi32, #tpu.memory_space<vmem>>)
      %scan3A_125 = arith.constant 0 : i32
      %scan3A_126 = arith.constant 0 : i32
      %scan3A_127 = arith.constant 512 : i32
      %scan3A_128 = arith.addi %scan3A_126, %scan3A_127 : i32
      %scan3A_129 = arith.constant 8 : i32
      scf.for %scan3A_181 = %scan3A_126 to %scan3A_128 step %scan3A_129  : i32 {
        %mul3A_182 = arith.constant 16 : i32
        %mul3A_183 = arith.muli %scan3A_181, %mul3A_182 : i32
        %get3A_184 = arith.index_cast %mul3A_183 : i32 to index
        %get3A_185 = tpu.vector_load %arg11[%get3A_184] {strides = array<i32>} : memref<8192xi32, #tpu.memory_space<vmem>>, vector<16xi32>,
        %get3A_186 = vector.shape_cast %get3A_185 : vector<16xi32> to vector<16xi32>
        %get3A_187 = arith.index_cast %mul3A_183 : i32 to index
        %get3A_188 = tpu.vector_load %arg12[%get3A_187] {strides = array<i32>} : memref<8192xi32, #tpu.memory_space<vmem>>, vector<16xi32>,
        %get3A_189 = vector.shape_cast %get3A_188 : vector<16xi32> to vector<16xi32>
        %shift_right_arithmetic3A = arith.constant 3 : i32
        %shift_right_arithmetic3A_190 = vector.broadcast %shift_right_arithmetic3A : i32 to vector<16xi32>
        %shift_right_arithmetic3A_191 = arith.shrsi %get3A_186, %shift_right_arithmetic3A_190 : vector<16xi32>
        %shift_left3A = arith.constant 14 : i32
        %shift_left3A_192 = vector.broadcast %shift_left3A : i32 to vector<16xi32>
        %shift_left3A_193 = arith.shli %shift_right_arithmetic3A_191, %shift_left3A_192 : vector<16xi32>
        %add3A_194 = vector.broadcast %mul3A_34 : i32 to vector<16xi32>
        %add3A_195 = arith.addi %add3A_194, %shift_left3A_193 : vector<16xi32>
        %shift_right_arithmetic3A_196 = arith.constant 7 : i32
        %shift_right_arithmetic3A_197 = vector.broadcast %shift_right_arithmetic3A_196 : i32 to vector<16xi32>
        %shift_right_arithmetic3A_198 = arith.shrsi %get3A_189, %shift_right_arithmetic3A_197 : vector<16xi32>
        %shift_left3A_199 = arith.constant 10 : i32
        %shift_left3A_200 = vector.broadcast %shift_left3A_199 : i32 to vector<16xi32>
        %shift_left3A_201 = arith.shli %shift_right_arithmetic3A_198, %shift_left3A_200 : vector<16xi32>
        %add3A_202 = arith.addi %add3A_195, %shift_left3A_201 : vector<16xi32>
        %and3A_203 = arith.constant 7 : i32
        %and3A_204 = vector.broadcast %and3A_203 : i32 to vector<16xi32>
        %and3A_205 = arith.andi %get3A_186, %and3A_204 : vector<16xi32>
        %shift_left3A_206 = arith.constant 7 : i32
        %shift_left3A_207 = vector.broadcast %shift_left3A_206 : i32 to vector<16xi32>
        %shift_left3A_208 = arith.shli %and3A_205, %shift_left3A_207 : vector<16xi32>
        %add3A_209 = arith.addi %add3A_202, %shift_left3A_208 : vector<16xi32>
        %and3A_210 = arith.constant 127 : i32
        %and3A_211 = vector.broadcast %and3A_210 : i32 to vector<16xi32>
        %and3A_212 = arith.andi %get3A_189, %and3A_211 : vector<16xi32>
        %add3A_213 = arith.addi %add3A_209, %and3A_212 : vector<16xi32>
        %swap3A_214 = arith.index_cast %mul3A_183 : i32 to index
        %swap3A_215 = tpu.vector_load %arg14[%swap3A_214] {strides = array<i32>} : memref<8192xi32, #tpu.memory_space<vmem>>, vector<16xi32>,
        %swap3A_216 = vector.shape_cast %swap3A_215 : vector<16xi32> to vector<16xi32>
        %swap3A_217 = vector.shape_cast %add3A_213 : vector<16xi32> to vector<16xi32>
        tpu.vector_store %arg14[%swap3A_214], %swap3A_217 {strides = array<i32>} : memref<8192xi32, #tpu.memory_space<vmem>>, vector<16xi32>,
        %scan3A_218 = arith.constant 1 : i32
        %scan3A_219 = arith.addi %scan3A_181, %scan3A_218 : i32
        %mul3A_220 = arith.constant 16 : i32
        %mul3A_221 = arith.muli %scan3A_219, %mul3A_220 : i32
        %get3A_222 = arith.index_cast %mul3A_221 : i32 to index
        %get3A_223 = tpu.vector_load %arg11[%get3A_222] {strides = array<i32>} : memref<8192xi32, #tpu.memory_space<vmem>>, vector<16xi32>,
        %get3A_224 = vector.shape_cast %get3A_223 : vector<16xi32> to vector<16xi32>
        %get3A_225 = arith.index_cast %mul3A_221 : i32 to index
        %get3A_226 = tpu.vector_load %arg12[%get3A_225] {strides = array<i32>} : memref<8192xi32, #tpu.memory_space<vmem>>, vector<16xi32>,
        %get3A_227 = vector.shape_cast %get3A_226 : vector<16xi32> to vector<16xi32>
        %shift_right_arithmetic3A_228 = arith.constant 3 : i32
        %shift_right_arithmetic3A_229 = vector.broadcast %shift_right_arithmetic3A_228 : i32 to vector<16xi32>
        %shift_right_arithmetic3A_230 = arith.shrsi %get3A_224, %shift_right_arithmetic3A_229 : vector<16xi32>
        %shift_left3A_231 = arith.constant 14 : i32
        %shift_left3A_232 = vector.broadcast %shift_left3A_231 : i32 to vector<16xi32>
        %shift_left3A_233 = arith.shli %shift_right_arithmetic3A_230, %shift_left3A_232 : vector<16xi32>
        %add3A_234 = vector.broadcast %mul3A_34 : i32 to vector<16xi32>
        %add3A_235 = arith.addi %add3A_234, %shift_left3A_233 : vector<16xi32>
        %shift_right_arithmetic3A_236 = arith.constant 7 : i32
        %shift_right_arithmetic3A_237 = vector.broadcast %shift_right_arithmetic3A_236 : i32 to vector<16xi32>
        %shift_right_arithmetic3A_238 = arith.shrsi %get3A_227, %shift_right_arithmetic3A_237 : vector<16xi32>
        %shift_left3A_239 = arith.constant 10 : i32
        %shift_left3A_240 = vector.broadcast %shift_left3A_239 : i32 to vector<16xi32>
        %shift_left3A_241 = arith.shli %shift_right_arithmetic3A_238, %shift_left3A_240 : vector<16xi32>
        %add3A_242 = arith.addi %add3A_235, %shift_left3A_241 : vector<16xi32>
        %and3A_243 = arith.constant 7 : i32
        %and3A_244 = vector.broadcast %and3A_243 : i32 to vector<16xi32>
        %and3A_245 = arith.andi %get3A_224, %and3A_244 : vector<16xi32>
        %shift_left3A_246 = arith.constant 7 : i32
        %shift_left3A_247 = vector.broadcast %shift_left3A_246 : i32 to vector<16xi32>
        %shift_left3A_248 = arith.shli %and3A_245, %shift_left3A_247 : vector<16xi32>
        %add3A_249 = arith.addi %add3A_242, %shift_left3A_248 : vector<16xi32>
        %and3A_250 = arith.constant 127 : i32
        %and3A_251 = vector.broadcast %and3A_250 : i32 to vector<16xi32>
        %and3A_252 = arith.andi %get3A_227, %and3A_251 : vector<16xi32>
        %add3A_253 = arith.addi %add3A_249, %and3A_252 : vector<16xi32>
        %swap3A_254 = arith.index_cast %mul3A_221 : i32 to index
        %swap3A_255 = tpu.vector_load %arg14[%swap3A_254] {strides = array<i32>} : memref<8192xi32, #tpu.memory_space<vmem>>, vector<16xi32>,
        %swap3A_256 = vector.shape_cast %swap3A_255 : vector<16xi32> to vector<16xi32>
        %swap3A_257 = vector.shape_cast %add3A_253 : vector<16xi32> to vector<16xi32>
        tpu.vector_store %arg14[%swap3A_254], %swap3A_257 {strides = array<i32>} : memref<8192xi32, #tpu.memory_space<vmem>>, vector<16xi32>,
        %scan3A_258 = arith.constant 2 : i32
        %scan3A_259 = arith.addi %scan3A_181, %scan3A_258 : i32
        %mul3A_260 = arith.constant 16 : i32
        %mul3A_261 = arith.muli %scan3A_259, %mul3A_260 : i32
        %get3A_262 = arith.index_cast %mul3A_261 : i32 to index
        %get3A_263 = tpu.vector_load %arg11[%get3A_262] {strides = array<i32>} : memref<8192xi32, #tpu.memory_space<vmem>>, vector<16xi32>,
        %get3A_264 = vector.shape_cast %get3A_263 : vector<16xi32> to vector<16xi32>
        %get3A_265 = arith.index_cast %mul3A_261 : i32 to index
        %get3A_266 = tpu.vector_load %arg12[%get3A_265] {strides = array<i32>} : memref<8192xi32, #tpu.memory_space<vmem>>, vector<16xi32>,
        %get3A_267 = vector.shape_cast %get3A_266 : vector<16xi32> to vector<16xi32>
        %shift_right_arithmetic3A_268 = arith.constant 3 : i32
        %shift_right_arithmetic3A_269 = vector.broadcast %shift_right_arithmetic3A_268 : i32 to vector<16xi32>
        %shift_right_arithmetic3A_270 = arith.shrsi %get3A_264, %shift_right_arithmetic3A_269 : vector<16xi32>
        %shift_left3A_271 = arith.constant 14 : i32
        %shift_left3A_272 = vector.broadcast %shift_left3A_271 : i32 to vector<16xi32>
        %shift_left3A_273 = arith.shli %shift_right_arithmetic3A_270, %shift_left3A_272 : vector<16xi32>
        %add3A_274 = vector.broadcast %mul3A_34 : i32 to vector<16xi32>
        %add3A_275 = arith.addi %add3A_274, %shift_left3A_273 : vector<16xi32>
        %shift_right_arithmetic3A_276 = arith.constant 7 : i32
        %shift_right_arithmetic3A_277 = vector.broadcast %shift_right_arithmetic3A_276 : i32 to vector<16xi32>
        %shift_right_arithmetic3A_278 = arith.shrsi %get3A_267, %shift_right_arithmetic3A_277 : vector<16xi32>
        %shift_left3A_279 = arith.constant 10 : i32
        %shift_left3A_280 = vector.broadcast %shift_left3A_279 : i32 to vector<16xi32>
        %shift_left3A_281 = arith.shli %shift_right_arithmetic3A_278, %shift_left3A_280 : vector<16xi32>
        %add3A_282 = arith.addi %add3A_275, %shift_left3A_281 : vector<16xi32>
        %and3A_283 = arith.constant 7 : i32
        %and3A_284 = vector.broadcast %and3A_283 : i32 to vector<16xi32>
        %and3A_285 = arith.andi %get3A_264, %and3A_284 : vector<16xi32>
        %shift_left3A_286 = arith.constant 7 : i32
        %shift_left3A_287 = vector.broadcast %shift_left3A_286 : i32 to vector<16xi32>
        %shift_left3A_288 = arith.shli %and3A_285, %shift_left3A_287 : vector<16xi32>
        %add3A_289 = arith.addi %add3A_282, %shift_left3A_288 : vector<16xi32>
        %and3A_290 = arith.constant 127 : i32
        %and3A_291 = vector.broadcast %and3A_290 : i32 to vector<16xi32>
        %and3A_292 = arith.andi %get3A_267, %and3A_291 : vector<16xi32>
        %add3A_293 = arith.addi %add3A_289, %and3A_292 : vector<16xi32>
        %swap3A_294 = arith.index_cast %mul3A_261 : i32 to index
        %swap3A_295 = tpu.vector_load %arg14[%swap3A_294] {strides = array<i32>} : memref<8192xi32, #tpu.memory_space<vmem>>, vector<16xi32>,
        %swap3A_296 = vector.shape_cast %swap3A_295 : vector<16xi32> to vector<16xi32>
        %swap3A_297 = vector.shape_cast %add3A_293 : vector<16xi32> to vector<16xi32>
        tpu.vector_store %arg14[%swap3A_294], %swap3A_297 {strides = array<i32>} : memref<8192xi32, #tpu.memory_space<vmem>>, vector<16xi32>,
        %scan3A_298 = arith.constant 3 : i32
        %scan3A_299 = arith.addi %scan3A_181, %scan3A_298 : i32
        %mul3A_300 = arith.constant 16 : i32
        %mul3A_301 = arith.muli %scan3A_299, %mul3A_300 : i32
        %get3A_302 = arith.index_cast %mul3A_301 : i32 to index
        %get3A_303 = tpu.vector_load %arg11[%get3A_302] {strides = array<i32>} : memref<8192xi32, #tpu.memory_space<vmem>>, vector<16xi32>,
        %get3A_304 = vector.shape_cast %get3A_303 : vector<16xi32> to vector<16xi32>
        %get3A_305 = arith.index_cast %mul3A_301 : i32 to index
        %get3A_306 = tpu.vector_load %arg12[%get3A_305] {strides = array<i32>} : memref<8192xi32, #tpu.memory_space<vmem>>, vector<16xi32>,
        %get3A_307 = vector.shape_cast %get3A_306 : vector<16xi32> to vector<16xi32>
        %shift_right_arithmetic3A_308 = arith.constant 3 : i32
        %shift_right_arithmetic3A_309 = vector.broadcast %shift_right_arithmetic3A_308 : i32 to vector<16xi32>
        %shift_right_arithmetic3A_310 = arith.shrsi %get3A_304, %shift_right_arithmetic3A_309 : vector<16xi32>
        %shift_left3A_311 = arith.constant 14 : i32
        %shift_left3A_312 = vector.broadcast %shift_left3A_311 : i32 to vector<16xi32>
        %shift_left3A_313 = arith.shli %shift_right_arithmetic3A_310, %shift_left3A_312 : vector<16xi32>
        %add3A_314 = vector.broadcast %mul3A_34 : i32 to vector<16xi32>
        %add3A_315 = arith.addi %add3A_314, %shift_left3A_313 : vector<16xi32>
        %shift_right_arithmetic3A_316 = arith.constant 7 : i32
        %shift_right_arithmetic3A_317 = vector.broadcast %shift_right_arithmetic3A_316 : i32 to vector<16xi32>
        %shift_right_arithmetic3A_318 = arith.shrsi %get3A_307, %shift_right_arithmetic3A_317 : vector<16xi32>
        %shift_left3A_319 = arith.constant 10 : i32
        %shift_left3A_320 = vector.broadcast %shift_left3A_319 : i32 to vector<16xi32>
        %shift_left3A_321 = arith.shli %shift_right_arithmetic3A_318, %shift_left3A_320 : vector<16xi32>
        %add3A_322 = arith.addi %add3A_315, %shift_left3A_321 : vector<16xi32>
        %and3A_323 = arith.constant 7 : i32
        %and3A_324 = vector.broadcast %and3A_323 : i32 to vector<16xi32>
        %and3A_325 = arith.andi %get3A_304, %and3A_324 : vector<16xi32>
        %shift_left3A_326 = arith.constant 7 : i32
        %shift_left3A_327 = vector.broadcast %shift_left3A_326 : i32 to vector<16xi32>
        %shift_left3A_328 = arith.shli %and3A_325, %shift_left3A_327 : vector<16xi32>
        %add3A_329 = arith.addi %add3A_322, %shift_left3A_328 : vector<16xi32>
        %and3A_330 = arith.constant 127 : i32
        %and3A_331 = vector.broadcast %and3A_330 : i32 to vector<16xi32>
        %and3A_332 = arith.andi %get3A_307, %and3A_331 : vector<16xi32>
        %add3A_333 = arith.addi %add3A_329, %and3A_332 : vector<16xi32>
        %swap3A_334 = arith.index_cast %mul3A_301 : i32 to index
        %swap3A_335 = tpu.vector_load %arg14[%swap3A_334] {strides = array<i32>} : memref<8192xi32, #tpu.memory_space<vmem>>, vector<16xi32>,
        %swap3A_336 = vector.shape_cast %swap3A_335 : vector<16xi32> to vector<16xi32>
        %swap3A_337 = vector.shape_cast %add3A_333 : vector<16xi32> to vector<16xi32>
        tpu.vector_store %arg14[%swap3A_334], %swap3A_337 {strides = array<i32>} : memref<8192xi32, #tpu.memory_space<vmem>>, vector<16xi32>,
        %scan3A_338 = arith.constant 4 : i32
        %scan3A_339 = arith.addi %scan3A_181, %scan3A_338 : i32
        %mul3A_340 = arith.constant 16 : i32
        %mul3A_341 = arith.muli %scan3A_339, %mul3A_340 : i32
        %get3A_342 = arith.index_cast %mul3A_341 : i32 to index
        %get3A_343 = tpu.vector_load %arg11[%get3A_342] {strides = array<i32>} : memref<8192xi32, #tpu.memory_space<vmem>>, vector<16xi32>,
        %get3A_344 = vector.shape_cast %get3A_343 : vector<16xi32> to vector<16xi32>
        %get3A_345 = arith.index_cast %mul3A_341 : i32 to index
        %get3A_346 = tpu.vector_load %arg12[%get3A_345] {strides = array<i32>} : memref<8192xi32, #tpu.memory_space<vmem>>, vector<16xi32>,
        %get3A_347 = vector.shape_cast %get3A_346 : vector<16xi32> to vector<16xi32>
        %shift_right_arithmetic3A_348 = arith.constant 3 : i32
        %shift_right_arithmetic3A_349 = vector.broadcast %shift_right_arithmetic3A_348 : i32 to vector<16xi32>
        %shift_right_arithmetic3A_350 = arith.shrsi %get3A_344, %shift_right_arithmetic3A_349 : vector<16xi32>
        %shift_left3A_351 = arith.constant 14 : i32
        %shift_left3A_352 = vector.broadcast %shift_left3A_351 : i32 to vector<16xi32>
        %shift_left3A_353 = arith.shli %shift_right_arithmetic3A_350, %shift_left3A_352 : vector<16xi32>
        %add3A_354 = vector.broadcast %mul3A_34 : i32 to vector<16xi32>
        %add3A_355 = arith.addi %add3A_354, %shift_left3A_353 : vector<16xi32>
        %shift_right_arithmetic3A_356 = arith.constant 7 : i32
        %shift_right_arithmetic3A_357 = vector.broadcast %shift_right_arithmetic3A_356 : i32 to vector<16xi32>
        %shift_right_arithmetic3A_358 = arith.shrsi %get3A_347, %shift_right_arithmetic3A_357 : vector<16xi32>
        %shift_left3A_359 = arith.constant 10 : i32
        %shift_left3A_360 = vector.broadcast %shift_left3A_359 : i32 to vector<16xi32>
        %shift_left3A_361 = arith.shli %shift_right_arithmetic3A_358, %shift_left3A_360 : vector<16xi32>
        %add3A_362 = arith.addi %add3A_355, %shift_left3A_361 : vector<16xi32>
        %and3A_363 = arith.constant 7 : i32
        %and3A_364 = vector.broadcast %and3A_363 : i32 to vector<16xi32>
        %and3A_365 = arith.andi %get3A_344, %and3A_364 : vector<16xi32>
        %shift_left3A_366 = arith.constant 7 : i32
        %shift_left3A_367 = vector.broadcast %shift_left3A_366 : i32 to vector<16xi32>
        %shift_left3A_368 = arith.shli %and3A_365, %shift_left3A_367 : vector<16xi32>
        %add3A_369 = arith.addi %add3A_362, %shift_left3A_368 : vector<16xi32>
        %and3A_370 = arith.constant 127 : i32
        %and3A_371 = vector.broadcast %and3A_370 : i32 to vector<16xi32>
        %and3A_372 = arith.andi %get3A_347, %and3A_371 : vector<16xi32>
        %add3A_373 = arith.addi %add3A_369, %and3A_372 : vector<16xi32>
        %swap3A_374 = arith.index_cast %mul3A_341 : i32 to index
        %swap3A_375 = tpu.vector_load %arg14[%swap3A_374] {strides = array<i32>} : memref<8192xi32, #tpu.memory_space<vmem>>, vector<16xi32>,
        %swap3A_376 = vector.shape_cast %swap3A_375 : vector<16xi32> to vector<16xi32>
        %swap3A_377 = vector.shape_cast %add3A_373 : vector<16xi32> to vector<16xi32>
        tpu.vector_store %arg14[%swap3A_374], %swap3A_377 {strides = array<i32>} : memref<8192xi32, #tpu.memory_space<vmem>>, vector<16xi32>,
        %scan3A_378 = arith.constant 5 : i32
        %scan3A_379 = arith.addi %scan3A_181, %scan3A_378 : i32
        %mul3A_380 = arith.constant 16 : i32
        %mul3A_381 = arith.muli %scan3A_379, %mul3A_380 : i32
        %get3A_382 = arith.index_cast %mul3A_381 : i32 to index
        %get3A_383 = tpu.vector_load %arg11[%get3A_382] {strides = array<i32>} : memref<8192xi32, #tpu.memory_space<vmem>>, vector<16xi32>,
        %get3A_384 = vector.shape_cast %get3A_383 : vector<16xi32> to vector<16xi32>
        %get3A_385 = arith.index_cast %mul3A_381 : i32 to index
        %get3A_386 = tpu.vector_load %arg12[%get3A_385] {strides = array<i32>} : memref<8192xi32, #tpu.memory_space<vmem>>, vector<16xi32>,
        %get3A_387 = vector.shape_cast %get3A_386 : vector<16xi32> to vector<16xi32>
        %shift_right_arithmetic3A_388 = arith.constant 3 : i32
        %shift_right_arithmetic3A_389 = vector.broadcast %shift_right_arithmetic3A_388 : i32 to vector<16xi32>
        %shift_right_arithmetic3A_390 = arith.shrsi %get3A_384, %shift_right_arithmetic3A_389 : vector<16xi32>
        %shift_left3A_391 = arith.constant 14 : i32
        %shift_left3A_392 = vector.broadcast %shift_left3A_391 : i32 to vector<16xi32>
        %shift_left3A_393 = arith.shli %shift_right_arithmetic3A_390, %shift_left3A_392 : vector<16xi32>
        %add3A_394 = vector.broadcast %mul3A_34 : i32 to vector<16xi32>
        %add3A_395 = arith.addi %add3A_394, %shift_left3A_393 : vector<16xi32>
        %shift_right_arithmetic3A_396 = arith.constant 7 : i32
        %shift_right_arithmetic3A_397 = vector.broadcast %shift_right_arithmetic3A_396 : i32 to vector<16xi32>
        %shift_right_arithmetic3A_398 = arith.shrsi %get3A_387, %shift_right_arithmetic3A_397 : vector<16xi32>
        %shift_left3A_399 = arith.constant 10 : i32
        %shift_left3A_400 = vector.broadcast %shift_left3A_399 : i32 to vector<16xi32>
        %shift_left3A_401 = arith.shli %shift_right_arithmetic3A_398, %shift_left3A_400 : vector<16xi32>
        %add3A_402 = arith.addi %add3A_395, %shift_left3A_401 : vector<16xi32>
        %and3A_403 = arith.constant 7 : i32
        %and3A_404 = vector.broadcast %and3A_403 : i32 to vector<16xi32>
        %and3A_405 = arith.andi %get3A_384, %and3A_404 : vector<16xi32>
        %shift_left3A_406 = arith.constant 7 : i32
        %shift_left3A_407 = vector.broadcast %shift_left3A_406 : i32 to vector<16xi32>
        %shift_left3A_408 = arith.shli %and3A_405, %shift_left3A_407 : vector<16xi32>
        %add3A_409 = arith.addi %add3A_402, %shift_left3A_408 : vector<16xi32>
        %and3A_410 = arith.constant 127 : i32
        %and3A_411 = vector.broadcast %and3A_410 : i32 to vector<16xi32>
        %and3A_412 = arith.andi %get3A_387, %and3A_411 : vector<16xi32>
        %add3A_413 = arith.addi %add3A_409, %and3A_412 : vector<16xi32>
        %swap3A_414 = arith.index_cast %mul3A_381 : i32 to index
        %swap3A_415 = tpu.vector_load %arg14[%swap3A_414] {strides = array<i32>} : memref<8192xi32, #tpu.memory_space<vmem>>, vector<16xi32>,
        %swap3A_416 = vector.shape_cast %swap3A_415 : vector<16xi32> to vector<16xi32>
        %swap3A_417 = vector.shape_cast %add3A_413 : vector<16xi32> to vector<16xi32>
        tpu.vector_store %arg14[%swap3A_414], %swap3A_417 {strides = array<i32>} : memref<8192xi32, #tpu.memory_space<vmem>>, vector<16xi32>,
        %scan3A_418 = arith.constant 6 : i32
        %scan3A_419 = arith.addi %scan3A_181, %scan3A_418 : i32
        %mul3A_420 = arith.constant 16 : i32
        %mul3A_421 = arith.muli %scan3A_419, %mul3A_420 : i32
        %get3A_422 = arith.index_cast %mul3A_421 : i32 to index
        %get3A_423 = tpu.vector_load %arg11[%get3A_422] {strides = array<i32>} : memref<8192xi32, #tpu.memory_space<vmem>>, vector<16xi32>,
        %get3A_424 = vector.shape_cast %get3A_423 : vector<16xi32> to vector<16xi32>
        %get3A_425 = arith.index_cast %mul3A_421 : i32 to index
        %get3A_426 = tpu.vector_load %arg12[%get3A_425] {strides = array<i32>} : memref<8192xi32, #tpu.memory_space<vmem>>, vector<16xi32>,
        %get3A_427 = vector.shape_cast %get3A_426 : vector<16xi32> to vector<16xi32>
        %shift_right_arithmetic3A_428 = arith.constant 3 : i32
        %shift_right_arithmetic3A_429 = vector.broadcast %shift_right_arithmetic3A_428 : i32 to vector<16xi32>
        %shift_right_arithmetic3A_430 = arith.shrsi %get3A_424, %shift_right_arithmetic3A_429 : vector<16xi32>
        %shift_left3A_431 = arith.constant 14 : i32
        %shift_left3A_432 = vector.broadcast %shift_left3A_431 : i32 to vector<16xi32>
        %shift_left3A_433 = arith.shli %shift_right_arithmetic3A_430, %shift_left3A_432 : vector<16xi32>
        %add3A_434 = vector.broadcast %mul3A_34 : i32 to vector<16xi32>
        %add3A_435 = arith.addi %add3A_434, %shift_left3A_433 : vector<16xi32>
        %shift_right_arithmetic3A_436 = arith.constant 7 : i32
        %shift_right_arithmetic3A_437 = vector.broadcast %shift_right_arithmetic3A_436 : i32 to vector<16xi32>
        %shift_right_arithmetic3A_438 = arith.shrsi %get3A_427, %shift_right_arithmetic3A_437 : vector<16xi32>
        %shift_left3A_439 = arith.constant 10 : i32
        %shift_left3A_440 = vector.broadcast %shift_left3A_439 : i32 to vector<16xi32>
        %shift_left3A_441 = arith.shli %shift_right_arithmetic3A_438, %shift_left3A_440 : vector<16xi32>
        %add3A_442 = arith.addi %add3A_435, %shift_left3A_441 : vector<16xi32>
        %and3A_443 = arith.constant 7 : i32
        %and3A_444 = vector.broadcast %and3A_443 : i32 to vector<16xi32>
        %and3A_445 = arith.andi %get3A_424, %and3A_444 : vector<16xi32>
        %shift_left3A_446 = arith.constant 7 : i32
        %shift_left3A_447 = vector.broadcast %shift_left3A_446 : i32 to vector<16xi32>
        %shift_left3A_448 = arith.shli %and3A_445, %shift_left3A_447 : vector<16xi32>
        %add3A_449 = arith.addi %add3A_442, %shift_left3A_448 : vector<16xi32>
        %and3A_450 = arith.constant 127 : i32
        %and3A_451 = vector.broadcast %and3A_450 : i32 to vector<16xi32>
        %and3A_452 = arith.andi %get3A_427, %and3A_451 : vector<16xi32>
        %add3A_453 = arith.addi %add3A_449, %and3A_452 : vector<16xi32>
        %swap3A_454 = arith.index_cast %mul3A_421 : i32 to index
        %swap3A_455 = tpu.vector_load %arg14[%swap3A_454] {strides = array<i32>} : memref<8192xi32, #tpu.memory_space<vmem>>, vector<16xi32>,
        %swap3A_456 = vector.shape_cast %swap3A_455 : vector<16xi32> to vector<16xi32>
        %swap3A_457 = vector.shape_cast %add3A_453 : vector<16xi32> to vector<16xi32>
        tpu.vector_store %arg14[%swap3A_454], %swap3A_457 {strides = array<i32>} : memref<8192xi32, #tpu.memory_space<vmem>>, vector<16xi32>,
        %scan3A_458 = arith.constant 7 : i32
        %scan3A_459 = arith.addi %scan3A_181, %scan3A_458 : i32
        %mul3A_460 = arith.constant 16 : i32
        %mul3A_461 = arith.muli %scan3A_459, %mul3A_460 : i32
        %get3A_462 = arith.index_cast %mul3A_461 : i32 to index
        %get3A_463 = tpu.vector_load %arg11[%get3A_462] {strides = array<i32>} : memref<8192xi32, #tpu.memory_space<vmem>>, vector<16xi32>,
        %get3A_464 = vector.shape_cast %get3A_463 : vector<16xi32> to vector<16xi32>
        %get3A_465 = arith.index_cast %mul3A_461 : i32 to index
        %get3A_466 = tpu.vector_load %arg12[%get3A_465] {strides = array<i32>} : memref<8192xi32, #tpu.memory_space<vmem>>, vector<16xi32>,
        %get3A_467 = vector.shape_cast %get3A_466 : vector<16xi32> to vector<16xi32>
        %shift_right_arithmetic3A_468 = arith.constant 3 : i32
        %shift_right_arithmetic3A_469 = vector.broadcast %shift_right_arithmetic3A_468 : i32 to vector<16xi32>
        %shift_right_arithmetic3A_470 = arith.shrsi %get3A_464, %shift_right_arithmetic3A_469 : vector<16xi32>
        %shift_left3A_471 = arith.constant 14 : i32
        %shift_left3A_472 = vector.broadcast %shift_left3A_471 : i32 to vector<16xi32>
        %shift_left3A_473 = arith.shli %shift_right_arithmetic3A_470, %shift_left3A_472 : vector<16xi32>
        %add3A_474 = vector.broadcast %mul3A_34 : i32 to vector<16xi32>
        %add3A_475 = arith.addi %add3A_474, %shift_left3A_473 : vector<16xi32>
        %shift_right_arithmetic3A_476 = arith.constant 7 : i32
        %shift_right_arithmetic3A_477 = vector.broadcast %shift_right_arithmetic3A_476 : i32 to vector<16xi32>
        %shift_right_arithmetic3A_478 = arith.shrsi %get3A_467, %shift_right_arithmetic3A_477 : vector<16xi32>
        %shift_left3A_479 = arith.constant 10 : i32
        %shift_left3A_480 = vector.broadcast %shift_left3A_479 : i32 to vector<16xi32>
        %shift_left3A_481 = arith.shli %shift_right_arithmetic3A_478, %shift_left3A_480 : vector<16xi32>
        %add3A_482 = arith.addi %add3A_475, %shift_left3A_481 : vector<16xi32>
        %and3A_483 = arith.constant 7 : i32
        %and3A_484 = vector.broadcast %and3A_483 : i32 to vector<16xi32>
        %and3A_485 = arith.andi %get3A_464, %and3A_484 : vector<16xi32>
        %shift_left3A_486 = arith.constant 7 : i32
        %shift_left3A_487 = vector.broadcast %shift_left3A_486 : i32 to vector<16xi32>
        %shift_left3A_488 = arith.shli %and3A_485, %shift_left3A_487 : vector<16xi32>
        %add3A_489 = arith.addi %add3A_482, %shift_left3A_488 : vector<16xi32>
        %and3A_490 = arith.constant 127 : i32
        %and3A_491 = vector.broadcast %and3A_490 : i32 to vector<16xi32>
        %and3A_492 = arith.andi %get3A_467, %and3A_491 : vector<16xi32>
        %add3A_493 = arith.addi %add3A_489, %and3A_492 : vector<16xi32>
        %swap3A_494 = arith.index_cast %mul3A_461 : i32 to index
        %swap3A_495 = tpu.vector_load %arg14[%swap3A_494] {strides = array<i32>} : memref<8192xi32, #tpu.memory_space<vmem>>, vector<16xi32>,
        %swap3A_496 = vector.shape_cast %swap3A_495 : vector<16xi32> to vector<16xi32>
        %swap3A_497 = vector.shape_cast %add3A_493 : vector<16xi32> to vector<16xi32>
        tpu.vector_store %arg14[%swap3A_494], %swap3A_497 {strides = array<i32>} : memref<8192xi32, #tpu.memory_space<vmem>>, vector<16xi32>,
      }
      %scan3A_130 = arith.constant 512 : i32
      %dma_start3A_131 = arith.constant 0 : i32
      %dma_start3A_132 = tpu.memref_slice %arg2[%dma_start3A_131] : memref<33554432xf32, #tpu.memory_space<hbm>> -> memref<33554432xf32, #tpu.memory_space<hbm>>
      tpu.enqueue_indirect_dma source(%dma_start3A_132 : memref<33554432xf32, #tpu.memory_space<hbm>>) target(%arg17 : memref<8192xf32, #tpu.memory_space<vmem>>) offsets(%arg14 : memref<8192xi32, #tpu.memory_space<vmem>>) semaphore(%arg25 : memref<!tpu.dma_semaphore, #tpu.memory_space<semaphore_mem>>)
      %dma_start3A_133 = arith.constant 0 : i32
      %dma_start3A_134 = tpu.memref_slice %arg3[%dma_start3A_133] : memref<33554432xf32, #tpu.memory_space<hbm>> -> memref<33554432xf32, #tpu.memory_space<hbm>>
      tpu.enqueue_indirect_dma source(%dma_start3A_134 : memref<33554432xf32, #tpu.memory_space<hbm>>) target(%arg18 : memref<8192xf32, #tpu.memory_space<vmem>>) offsets(%arg14 : memref<8192xi32, #tpu.memory_space<vmem>>) semaphore(%arg25 : memref<!tpu.dma_semaphore, #tpu.memory_space<semaphore_mem>>)
      %add3A_135 = arith.constant 2 : i32
      %add3A_136 = arith.addi %mul3A_108, %add3A_135 : i32
      %lt3A_137 = arith.constant 16 : i32
      %lt3A_138 = arith.cmpi slt, %add3A_136, %lt3A_137 : i32
      %convert_element_type3A = arith.extui %lt3A_138 : i1 to i32
      %cond3A = arith.constant 0 : i32
      %cond3A_139 = arith.cmpi ne, %convert_element_type3A, %cond3A : i32
      scf.if %cond3A_139 {
        %add3A_181 = arith.constant 2 : i32
        %add3A_182 = arith.addi %mul3A_108, %add3A_181 : i32
        %lt3A_183 = arith.constant 8 : i32
        %lt3A_184 = arith.cmpi slt, %add3A_182, %lt3A_183 : i32
        %convert_element_type3A_185 = arith.extui %lt3A_184 : i1 to i32
        %cond3A_186 = arith.constant 0 : i32
        %cond3A_187 = arith.cmpi ne, %convert_element_type3A_185, %cond3A_186 : i32
        scf.if %cond3A_187 {
          %mul3A_193 = arith.constant 8192 : i32
          %mul3A_194 = arith.muli %add3A_182, %mul3A_193 : i32
          %add3A_195 = arith.addi %mul3A_32, %mul3A_194 : i32
          %dma_start3A_196 = tpu.memref_slice %arg4[%select_n3A, %add3A_195] : memref<8x262144xi32, #tpu.memory_space<hbm>> -> memref<1x8192xi32, #tpu.memory_space<hbm>>
          %dma_start3A_197 = tpu.memref_squeeze %dma_start3A_196 : memref<1x8192xi32, #tpu.memory_space<hbm>> -> memref<8192xi32, #tpu.memory_space<hbm>>
          %dma_start3A_198 = tpu.memref_slice %arg4[%select_n3A, %add3A_195] : memref<8x262144xi32, #tpu.memory_space<hbm>> -> memref<1x8192xi32, #tpu.memory_space<hbm>>
          %dma_start3A_199 = tpu.memref_squeeze %dma_start3A_198 : memref<1x8192xi32, #tpu.memory_space<hbm>> -> memref<8192xi32, #tpu.memory_space<hbm>>
          tpu.enqueue_dma source(%dma_start3A_199 : memref<8192xi32, #tpu.memory_space<hbm>>) target(%arg9 : memref<8192xi32, #tpu.memory_space<vmem>>) target_semaphore(%arg22 : memref<!tpu.dma_semaphore, #tpu.memory_space<semaphore_mem>>)
          %dma_start3A_200 = tpu.memref_slice %arg5[%select_n3A, %add3A_195] : memref<8x262144xi32, #tpu.memory_space<hbm>> -> memref<1x8192xi32, #tpu.memory_space<hbm>>
          %dma_start3A_201 = tpu.memref_squeeze %dma_start3A_200 : memref<1x8192xi32, #tpu.memory_space<hbm>> -> memref<8192xi32, #tpu.memory_space<hbm>>
          %dma_start3A_202 = tpu.memref_slice %arg5[%select_n3A, %add3A_195] : memref<8x262144xi32, #tpu.memory_space<hbm>> -> memref<1x8192xi32, #tpu.memory_space<hbm>>
          %dma_start3A_203 = tpu.memref_squeeze %dma_start3A_202 : memref<1x8192xi32, #tpu.memory_space<hbm>> -> memref<8192xi32, #tpu.memory_space<hbm>>
          tpu.enqueue_dma source(%dma_start3A_203 : memref<8192xi32, #tpu.memory_space<hbm>>) target(%arg10 : memref<8192xi32, #tpu.memory_space<vmem>>) target_semaphore(%arg22 : memref<!tpu.dma_semaphore, #tpu.memory_space<semaphore_mem>>)
        } else {
        }
        %ge3A_188 = arith.constant 8 : i32
        %ge3A_189 = arith.cmpi sge, %add3A_182, %ge3A_188 : i32
        %convert_element_type3A_190 = arith.extui %ge3A_189 : i1 to i32
        %cond3A_191 = arith.constant 0 : i32
        %cond3A_192 = arith.cmpi ne, %convert_element_type3A_190, %cond3A_191 : i32
        scf.if %cond3A_192 {
          %sub3A_193 = arith.constant 8 : i32
          %sub3A_194 = arith.subi %add3A_182, %sub3A_193 : i32
          %mul3A_195 = arith.constant 8192 : i32
          %mul3A_196 = arith.muli %sub3A_194, %mul3A_195 : i32
          %add3A_197 = arith.addi %mul3A_32, %mul3A_196 : i32
          %dma_start3A_198 = tpu.memref_slice %arg6[%select_n3A, %add3A_197] : memref<8x262144xi32, #tpu.memory_space<hbm>> -> memref<1x8192xi32, #tpu.memory_space<hbm>>
          %dma_start3A_199 = tpu.memref_squeeze %dma_start3A_198 : memref<1x8192xi32, #tpu.memory_space<hbm>> -> memref<8192xi32, #tpu.memory_space<hbm>>
          %dma_start3A_200 = tpu.memref_slice %arg6[%select_n3A, %add3A_197] : memref<8x262144xi32, #tpu.memory_space<hbm>> -> memref<1x8192xi32, #tpu.memory_space<hbm>>
          %dma_start3A_201 = tpu.memref_squeeze %dma_start3A_200 : memref<1x8192xi32, #tpu.memory_space<hbm>> -> memref<8192xi32, #tpu.memory_space<hbm>>
          tpu.enqueue_dma source(%dma_start3A_201 : memref<8192xi32, #tpu.memory_space<hbm>>) target(%arg9 : memref<8192xi32, #tpu.memory_space<vmem>>) target_semaphore(%arg22 : memref<!tpu.dma_semaphore, #tpu.memory_space<semaphore_mem>>)
          %dma_start3A_202 = tpu.memref_slice %arg7[%select_n3A, %add3A_197] : memref<8x262144xi32, #tpu.memory_space<hbm>> -> memref<1x8192xi32, #tpu.memory_space<hbm>>
          %dma_start3A_203 = tpu.memref_squeeze %dma_start3A_202 : memref<1x8192xi32, #tpu.memory_space<hbm>> -> memref<8192xi32, #tpu.memory_space<hbm>>
          %dma_start3A_204 = tpu.memref_slice %arg7[%select_n3A, %add3A_197] : memref<8x262144xi32, #tpu.memory_space<hbm>> -> memref<1x8192xi32, #tpu.memory_space<hbm>>
          %dma_start3A_205 = tpu.memref_squeeze %dma_start3A_204 : memref<1x8192xi32, #tpu.memory_space<hbm>> -> memref<8192xi32, #tpu.memory_space<hbm>>
          tpu.enqueue_dma source(%dma_start3A_205 : memref<8192xi32, #tpu.memory_space<hbm>>) target(%arg10 : memref<8192xi32, #tpu.memory_space<vmem>>) target_semaphore(%arg22 : memref<!tpu.dma_semaphore, #tpu.memory_space<semaphore_mem>>)
        } else {
        }
      } else {
      }
      %dma_wait3A_140 = arith.constant 0 : i32
      %dma_wait3A_141 = tpu.memref_slice %arg2[%dma_wait3A_140] : memref<33554432xf32, #tpu.memory_space<hbm>> -> memref<33554432xf32, #tpu.memory_space<hbm>>
      tpu.wait_indirect_dma semaphore(%arg24 : memref<!tpu.dma_semaphore, #tpu.memory_space<semaphore_mem>>) src(%dma_wait3A_141 : memref<33554432xf32, #tpu.memory_space<hbm>>) dst(%arg15 : memref<8192xf32, #tpu.memory_space<vmem>>)
      %dma_wait3A_142 = arith.constant 0 : i32
      %dma_wait3A_143 = tpu.memref_slice %arg3[%dma_wait3A_142] : memref<33554432xf32, #tpu.memory_space<hbm>> -> memref<33554432xf32, #tpu.memory_space<hbm>>
      tpu.wait_indirect_dma semaphore(%arg24 : memref<!tpu.dma_semaphore, #tpu.memory_space<semaphore_mem>>) src(%dma_wait3A_143 : memref<33554432xf32, #tpu.memory_space<hbm>>) dst(%arg16 : memref<8192xf32, #tpu.memory_space<vmem>>)
      %lt3A_144 = arith.constant 8 : i32
      %lt3A_145 = arith.cmpi slt, %mul3A_108, %lt3A_144 : i32
      %convert_element_type3A_146 = arith.extui %lt3A_145 : i1 to i32
      %cond3A_147 = arith.constant 0 : i32
      %cond3A_148 = arith.cmpi ne, %convert_element_type3A_146, %cond3A_147 : i32
      scf.if %cond3A_148 {
        %get3A_181 = arith.constant 0 : index
        %get3A_182 = tpu.vector_load %arg20[%get3A_181] {strides = array<i32>} : memref<16xf32, #tpu.memory_space<vmem>>, vector<16xf32>,
        %get3A_183 = vector.shape_cast %get3A_182 : vector<16xf32> to vector<16xf32>
        %scan3A_184 = arith.constant 0 : i32
        %scan3A_185 = arith.constant 512 : i32
        %scan3A_186 = arith.addi %scan3A_184, %scan3A_185 : i32
        %scan3A_187 = arith.constant 8 : i32
        %scan3A_188 = scf.for %scan3A_194 = %scan3A_184 to %scan3A_186 step %scan3A_187 iter_args(%scan3A_195 = %get3A_183) -> (vector<16xf32>)  : i32 {
          %mul3A_196 = arith.constant 16 : i32
          %mul3A_197 = arith.muli %scan3A_194, %mul3A_196 : i32
          %get3A_198 = arith.index_cast %mul3A_197 : i32 to index
          %get3A_199 = tpu.vector_load %arg15[%get3A_198] {strides = array<i32>} : memref<8192xf32, #tpu.memory_space<vmem>>, vector<16xf32>,
          %get3A_200 = vector.shape_cast %get3A_199 : vector<16xf32> to vector<16xf32>
          %get3A_201 = arith.index_cast %mul3A_197 : i32 to index
          %get3A_202 = tpu.vector_load %arg16[%get3A_201] {strides = array<i32>} : memref<8192xf32, #tpu.memory_space<vmem>>, vector<16xf32>,
          %get3A_203 = vector.shape_cast %get3A_202 : vector<16xf32> to vector<16xf32>
          %mul3A_204 = arith.mulf %get3A_200, %get3A_203 : vector<16xf32>
          %add3A_205 = arith.addf %scan3A_195, %mul3A_204 : vector<16xf32>
          %scan3A_206 = arith.constant 1 : i32
          %scan3A_207 = arith.addi %scan3A_194, %scan3A_206 : i32
          %mul3A_208 = arith.constant 16 : i32
          %mul3A_209 = arith.muli %scan3A_207, %mul3A_208 : i32
          %get3A_210 = arith.index_cast %mul3A_209 : i32 to index
          %get3A_211 = tpu.vector_load %arg15[%get3A_210] {strides = array<i32>} : memref<8192xf32, #tpu.memory_space<vmem>>, vector<16xf32>,
          %get3A_212 = vector.shape_cast %get3A_211 : vector<16xf32> to vector<16xf32>
          %get3A_213 = arith.index_cast %mul3A_209 : i32 to index
          %get3A_214 = tpu.vector_load %arg16[%get3A_213] {strides = array<i32>} : memref<8192xf32, #tpu.memory_space<vmem>>, vector<16xf32>,
          %get3A_215 = vector.shape_cast %get3A_214 : vector<16xf32> to vector<16xf32>
          %mul3A_216 = arith.mulf %get3A_212, %get3A_215 : vector<16xf32>
          %add3A_217 = arith.addf %add3A_205, %mul3A_216 : vector<16xf32>
          %scan3A_218 = arith.constant 2 : i32
          %scan3A_219 = arith.addi %scan3A_194, %scan3A_218 : i32
          %mul3A_220 = arith.constant 16 : i32
          %mul3A_221 = arith.muli %scan3A_219, %mul3A_220 : i32
          %get3A_222 = arith.index_cast %mul3A_221 : i32 to index
          %get3A_223 = tpu.vector_load %arg15[%get3A_222] {strides = array<i32>} : memref<8192xf32, #tpu.memory_space<vmem>>, vector<16xf32>,
          %get3A_224 = vector.shape_cast %get3A_223 : vector<16xf32> to vector<16xf32>
          %get3A_225 = arith.index_cast %mul3A_221 : i32 to index
          %get3A_226 = tpu.vector_load %arg16[%get3A_225] {strides = array<i32>} : memref<8192xf32, #tpu.memory_space<vmem>>, vector<16xf32>,
          %get3A_227 = vector.shape_cast %get3A_226 : vector<16xf32> to vector<16xf32>
          %mul3A_228 = arith.mulf %get3A_224, %get3A_227 : vector<16xf32>
          %add3A_229 = arith.addf %add3A_217, %mul3A_228 : vector<16xf32>
          %scan3A_230 = arith.constant 3 : i32
          %scan3A_231 = arith.addi %scan3A_194, %scan3A_230 : i32
          %mul3A_232 = arith.constant 16 : i32
          %mul3A_233 = arith.muli %scan3A_231, %mul3A_232 : i32
          %get3A_234 = arith.index_cast %mul3A_233 : i32 to index
          %get3A_235 = tpu.vector_load %arg15[%get3A_234] {strides = array<i32>} : memref<8192xf32, #tpu.memory_space<vmem>>, vector<16xf32>,
          %get3A_236 = vector.shape_cast %get3A_235 : vector<16xf32> to vector<16xf32>
          %get3A_237 = arith.index_cast %mul3A_233 : i32 to index
          %get3A_238 = tpu.vector_load %arg16[%get3A_237] {strides = array<i32>} : memref<8192xf32, #tpu.memory_space<vmem>>, vector<16xf32>,
          %get3A_239 = vector.shape_cast %get3A_238 : vector<16xf32> to vector<16xf32>
          %mul3A_240 = arith.mulf %get3A_236, %get3A_239 : vector<16xf32>
          %add3A_241 = arith.addf %add3A_229, %mul3A_240 : vector<16xf32>
          %scan3A_242 = arith.constant 4 : i32
          %scan3A_243 = arith.addi %scan3A_194, %scan3A_242 : i32
          %mul3A_244 = arith.constant 16 : i32
          %mul3A_245 = arith.muli %scan3A_243, %mul3A_244 : i32
          %get3A_246 = arith.index_cast %mul3A_245 : i32 to index
          %get3A_247 = tpu.vector_load %arg15[%get3A_246] {strides = array<i32>} : memref<8192xf32, #tpu.memory_space<vmem>>, vector<16xf32>,
          %get3A_248 = vector.shape_cast %get3A_247 : vector<16xf32> to vector<16xf32>
          %get3A_249 = arith.index_cast %mul3A_245 : i32 to index
          %get3A_250 = tpu.vector_load %arg16[%get3A_249] {strides = array<i32>} : memref<8192xf32, #tpu.memory_space<vmem>>, vector<16xf32>,
          %get3A_251 = vector.shape_cast %get3A_250 : vector<16xf32> to vector<16xf32>
          %mul3A_252 = arith.mulf %get3A_248, %get3A_251 : vector<16xf32>
          %add3A_253 = arith.addf %add3A_241, %mul3A_252 : vector<16xf32>
          %scan3A_254 = arith.constant 5 : i32
          %scan3A_255 = arith.addi %scan3A_194, %scan3A_254 : i32
          %mul3A_256 = arith.constant 16 : i32
          %mul3A_257 = arith.muli %scan3A_255, %mul3A_256 : i32
          %get3A_258 = arith.index_cast %mul3A_257 : i32 to index
          %get3A_259 = tpu.vector_load %arg15[%get3A_258] {strides = array<i32>} : memref<8192xf32, #tpu.memory_space<vmem>>, vector<16xf32>,
          %get3A_260 = vector.shape_cast %get3A_259 : vector<16xf32> to vector<16xf32>
          %get3A_261 = arith.index_cast %mul3A_257 : i32 to index
          %get3A_262 = tpu.vector_load %arg16[%get3A_261] {strides = array<i32>} : memref<8192xf32, #tpu.memory_space<vmem>>, vector<16xf32>,
          %get3A_263 = vector.shape_cast %get3A_262 : vector<16xf32> to vector<16xf32>
          %mul3A_264 = arith.mulf %get3A_260, %get3A_263 : vector<16xf32>
          %add3A_265 = arith.addf %add3A_253, %mul3A_264 : vector<16xf32>
          %scan3A_266 = arith.constant 6 : i32
          %scan3A_267 = arith.addi %scan3A_194, %scan3A_266 : i32
          %mul3A_268 = arith.constant 16 : i32
          %mul3A_269 = arith.muli %scan3A_267, %mul3A_268 : i32
          %get3A_270 = arith.index_cast %mul3A_269 : i32 to index
          %get3A_271 = tpu.vector_load %arg15[%get3A_270] {strides = array<i32>} : memref<8192xf32, #tpu.memory_space<vmem>>, vector<16xf32>,
          %get3A_272 = vector.shape_cast %get3A_271 : vector<16xf32> to vector<16xf32>
          %get3A_273 = arith.index_cast %mul3A_269 : i32 to index
          %get3A_274 = tpu.vector_load %arg16[%get3A_273] {strides = array<i32>} : memref<8192xf32, #tpu.memory_space<vmem>>, vector<16xf32>,
          %get3A_275 = vector.shape_cast %get3A_274 : vector<16xf32> to vector<16xf32>
          %mul3A_276 = arith.mulf %get3A_272, %get3A_275 : vector<16xf32>
          %add3A_277 = arith.addf %add3A_265, %mul3A_276 : vector<16xf32>
          %scan3A_278 = arith.constant 7 : i32
          %scan3A_279 = arith.addi %scan3A_194, %scan3A_278 : i32
          %mul3A_280 = arith.constant 16 : i32
          %mul3A_281 = arith.muli %scan3A_279, %mul3A_280 : i32
          %get3A_282 = arith.index_cast %mul3A_281 : i32 to index
          %get3A_283 = tpu.vector_load %arg15[%get3A_282] {strides = array<i32>} : memref<8192xf32, #tpu.memory_space<vmem>>, vector<16xf32>,
          %get3A_284 = vector.shape_cast %get3A_283 : vector<16xf32> to vector<16xf32>
          %get3A_285 = arith.index_cast %mul3A_281 : i32 to index
          %get3A_286 = tpu.vector_load %arg16[%get3A_285] {strides = array<i32>} : memref<8192xf32, #tpu.memory_space<vmem>>, vector<16xf32>,
          %get3A_287 = vector.shape_cast %get3A_286 : vector<16xf32> to vector<16xf32>
          %mul3A_288 = arith.mulf %get3A_284, %get3A_287 : vector<16xf32>
          %add3A_289 = arith.addf %add3A_277, %mul3A_288 : vector<16xf32>
          scf.yield %add3A_289 : vector<16xf32>
        }
        %scan3A_189 = arith.constant 512 : i32
        %swap3A_190 = arith.constant 0 : index
        %swap3A_191 = tpu.vector_load %arg20[%swap3A_190] {strides = array<i32>} : memref<16xf32, #tpu.memory_space<vmem>>, vector<16xf32>,
        %swap3A_192 = vector.shape_cast %swap3A_191 : vector<16xf32> to vector<16xf32>
        %swap3A_193 = vector.shape_cast %scan3A_188 : vector<16xf32> to vector<16xf32>
        tpu.vector_store %arg20[%swap3A_190], %swap3A_193 {strides = array<i32>} : memref<16xf32, #tpu.memory_space<vmem>>, vector<16xf32>,
      } else {
      }
      %ge3A = arith.constant 8 : i32
      %ge3A_149 = arith.cmpi sge, %mul3A_108, %ge3A : i32
      %convert_element_type3A_150 = arith.extui %ge3A_149 : i1 to i32
      %cond3A_151 = arith.constant 0 : i32
      %cond3A_152 = arith.cmpi ne, %convert_element_type3A_150, %cond3A_151 : i32
      scf.if %cond3A_152 {
        %get3A_181 = arith.constant 0 : index
        %get3A_182 = tpu.vector_load %arg21[%get3A_181] {strides = array<i32>} : memref<16xf32, #tpu.memory_space<vmem>>, vector<16xf32>,
        %get3A_183 = vector.shape_cast %get3A_182 : vector<16xf32> to vector<16xf32>
        %scan3A_184 = arith.constant 0 : i32
        %scan3A_185 = arith.constant 512 : i32
        %scan3A_186 = arith.addi %scan3A_184, %scan3A_185 : i32
        %scan3A_187 = arith.constant 8 : i32
        %scan3A_188 = scf.for %scan3A_194 = %scan3A_184 to %scan3A_186 step %scan3A_187 iter_args(%scan3A_195 = %get3A_183) -> (vector<16xf32>)  : i32 {
          %mul3A_196 = arith.constant 16 : i32
          %mul3A_197 = arith.muli %scan3A_194, %mul3A_196 : i32
          %get3A_198 = arith.index_cast %mul3A_197 : i32 to index
          %get3A_199 = tpu.vector_load %arg15[%get3A_198] {strides = array<i32>} : memref<8192xf32, #tpu.memory_space<vmem>>, vector<16xf32>,
          %get3A_200 = vector.shape_cast %get3A_199 : vector<16xf32> to vector<16xf32>
          %get3A_201 = arith.index_cast %mul3A_197 : i32 to index
          %get3A_202 = tpu.vector_load %arg16[%get3A_201] {strides = array<i32>} : memref<8192xf32, #tpu.memory_space<vmem>>, vector<16xf32>,
          %get3A_203 = vector.shape_cast %get3A_202 : vector<16xf32> to vector<16xf32>
          %div3A_204 = arith.divf %get3A_200, %get3A_203 : vector<16xf32>
          %add3A_205 = arith.addf %scan3A_195, %div3A_204 : vector<16xf32>
          %scan3A_206 = arith.constant 1 : i32
          %scan3A_207 = arith.addi %scan3A_194, %scan3A_206 : i32
          %mul3A_208 = arith.constant 16 : i32
          %mul3A_209 = arith.muli %scan3A_207, %mul3A_208 : i32
          %get3A_210 = arith.index_cast %mul3A_209 : i32 to index
          %get3A_211 = tpu.vector_load %arg15[%get3A_210] {strides = array<i32>} : memref<8192xf32, #tpu.memory_space<vmem>>, vector<16xf32>,
          %get3A_212 = vector.shape_cast %get3A_211 : vector<16xf32> to vector<16xf32>
          %get3A_213 = arith.index_cast %mul3A_209 : i32 to index
          %get3A_214 = tpu.vector_load %arg16[%get3A_213] {strides = array<i32>} : memref<8192xf32, #tpu.memory_space<vmem>>, vector<16xf32>,
          %get3A_215 = vector.shape_cast %get3A_214 : vector<16xf32> to vector<16xf32>
          %div3A_216 = arith.divf %get3A_212, %get3A_215 : vector<16xf32>
          %add3A_217 = arith.addf %add3A_205, %div3A_216 : vector<16xf32>
          %scan3A_218 = arith.constant 2 : i32
          %scan3A_219 = arith.addi %scan3A_194, %scan3A_218 : i32
          %mul3A_220 = arith.constant 16 : i32
          %mul3A_221 = arith.muli %scan3A_219, %mul3A_220 : i32
          %get3A_222 = arith.index_cast %mul3A_221 : i32 to index
          %get3A_223 = tpu.vector_load %arg15[%get3A_222] {strides = array<i32>} : memref<8192xf32, #tpu.memory_space<vmem>>, vector<16xf32>,
          %get3A_224 = vector.shape_cast %get3A_223 : vector<16xf32> to vector<16xf32>
          %get3A_225 = arith.index_cast %mul3A_221 : i32 to index
          %get3A_226 = tpu.vector_load %arg16[%get3A_225] {strides = array<i32>} : memref<8192xf32, #tpu.memory_space<vmem>>, vector<16xf32>,
          %get3A_227 = vector.shape_cast %get3A_226 : vector<16xf32> to vector<16xf32>
          %div3A_228 = arith.divf %get3A_224, %get3A_227 : vector<16xf32>
          %add3A_229 = arith.addf %add3A_217, %div3A_228 : vector<16xf32>
          %scan3A_230 = arith.constant 3 : i32
          %scan3A_231 = arith.addi %scan3A_194, %scan3A_230 : i32
          %mul3A_232 = arith.constant 16 : i32
          %mul3A_233 = arith.muli %scan3A_231, %mul3A_232 : i32
          %get3A_234 = arith.index_cast %mul3A_233 : i32 to index
          %get3A_235 = tpu.vector_load %arg15[%get3A_234] {strides = array<i32>} : memref<8192xf32, #tpu.memory_space<vmem>>, vector<16xf32>,
          %get3A_236 = vector.shape_cast %get3A_235 : vector<16xf32> to vector<16xf32>
          %get3A_237 = arith.index_cast %mul3A_233 : i32 to index
          %get3A_238 = tpu.vector_load %arg16[%get3A_237] {strides = array<i32>} : memref<8192xf32, #tpu.memory_space<vmem>>, vector<16xf32>,
          %get3A_239 = vector.shape_cast %get3A_238 : vector<16xf32> to vector<16xf32>
          %div3A_240 = arith.divf %get3A_236, %get3A_239 : vector<16xf32>
          %add3A_241 = arith.addf %add3A_229, %div3A_240 : vector<16xf32>
          %scan3A_242 = arith.constant 4 : i32
          %scan3A_243 = arith.addi %scan3A_194, %scan3A_242 : i32
          %mul3A_244 = arith.constant 16 : i32
          %mul3A_245 = arith.muli %scan3A_243, %mul3A_244 : i32
          %get3A_246 = arith.index_cast %mul3A_245 : i32 to index
          %get3A_247 = tpu.vector_load %arg15[%get3A_246] {strides = array<i32>} : memref<8192xf32, #tpu.memory_space<vmem>>, vector<16xf32>,
          %get3A_248 = vector.shape_cast %get3A_247 : vector<16xf32> to vector<16xf32>
          %get3A_249 = arith.index_cast %mul3A_245 : i32 to index
          %get3A_250 = tpu.vector_load %arg16[%get3A_249] {strides = array<i32>} : memref<8192xf32, #tpu.memory_space<vmem>>, vector<16xf32>,
          %get3A_251 = vector.shape_cast %get3A_250 : vector<16xf32> to vector<16xf32>
          %div3A_252 = arith.divf %get3A_248, %get3A_251 : vector<16xf32>
          %add3A_253 = arith.addf %add3A_241, %div3A_252 : vector<16xf32>
          %scan3A_254 = arith.constant 5 : i32
          %scan3A_255 = arith.addi %scan3A_194, %scan3A_254 : i32
          %mul3A_256 = arith.constant 16 : i32
          %mul3A_257 = arith.muli %scan3A_255, %mul3A_256 : i32
          %get3A_258 = arith.index_cast %mul3A_257 : i32 to index
          %get3A_259 = tpu.vector_load %arg15[%get3A_258] {strides = array<i32>} : memref<8192xf32, #tpu.memory_space<vmem>>, vector<16xf32>,
          %get3A_260 = vector.shape_cast %get3A_259 : vector<16xf32> to vector<16xf32>
          %get3A_261 = arith.index_cast %mul3A_257 : i32 to index
          %get3A_262 = tpu.vector_load %arg16[%get3A_261] {strides = array<i32>} : memref<8192xf32, #tpu.memory_space<vmem>>, vector<16xf32>,
          %get3A_263 = vector.shape_cast %get3A_262 : vector<16xf32> to vector<16xf32>
          %div3A_264 = arith.divf %get3A_260, %get3A_263 : vector<16xf32>
          %add3A_265 = arith.addf %add3A_253, %div3A_264 : vector<16xf32>
          %scan3A_266 = arith.constant 6 : i32
          %scan3A_267 = arith.addi %scan3A_194, %scan3A_266 : i32
          %mul3A_268 = arith.constant 16 : i32
          %mul3A_269 = arith.muli %scan3A_267, %mul3A_268 : i32
          %get3A_270 = arith.index_cast %mul3A_269 : i32 to index
          %get3A_271 = tpu.vector_load %arg15[%get3A_270] {strides = array<i32>} : memref<8192xf32, #tpu.memory_space<vmem>>, vector<16xf32>,
          %get3A_272 = vector.shape_cast %get3A_271 : vector<16xf32> to vector<16xf32>
          %get3A_273 = arith.index_cast %mul3A_269 : i32 to index
          %get3A_274 = tpu.vector_load %arg16[%get3A_273] {strides = array<i32>} : memref<8192xf32, #tpu.memory_space<vmem>>, vector<16xf32>,
          %get3A_275 = vector.shape_cast %get3A_274 : vector<16xf32> to vector<16xf32>
          %div3A_276 = arith.divf %get3A_272, %get3A_275 : vector<16xf32>
          %add3A_277 = arith.addf %add3A_265, %div3A_276 : vector<16xf32>
          %scan3A_278 = arith.constant 7 : i32
          %scan3A_279 = arith.addi %scan3A_194, %scan3A_278 : i32
          %mul3A_280 = arith.constant 16 : i32
          %mul3A_281 = arith.muli %scan3A_279, %mul3A_280 : i32
          %get3A_282 = arith.index_cast %mul3A_281 : i32 to index
          %get3A_283 = tpu.vector_load %arg15[%get3A_282] {strides = array<i32>} : memref<8192xf32, #tpu.memory_space<vmem>>, vector<16xf32>,
          %get3A_284 = vector.shape_cast %get3A_283 : vector<16xf32> to vector<16xf32>
          %get3A_285 = arith.index_cast %mul3A_281 : i32 to index
          %get3A_286 = tpu.vector_load %arg16[%get3A_285] {strides = array<i32>} : memref<8192xf32, #tpu.memory_space<vmem>>, vector<16xf32>,
          %get3A_287 = vector.shape_cast %get3A_286 : vector<16xf32> to vector<16xf32>
          %div3A_288 = arith.divf %get3A_284, %get3A_287 : vector<16xf32>
          %add3A_289 = arith.addf %add3A_277, %div3A_288 : vector<16xf32>
          scf.yield %add3A_289 : vector<16xf32>
        }
        %scan3A_189 = arith.constant 512 : i32
        %swap3A_190 = arith.constant 0 : index
        %swap3A_191 = tpu.vector_load %arg21[%swap3A_190] {strides = array<i32>} : memref<16xf32, #tpu.memory_space<vmem>>, vector<16xf32>,
        %swap3A_192 = vector.shape_cast %swap3A_191 : vector<16xf32> to vector<16xf32>
        %swap3A_193 = vector.shape_cast %scan3A_188 : vector<16xf32> to vector<16xf32>
        tpu.vector_store %arg21[%swap3A_190], %swap3A_193 {strides = array<i32>} : memref<16xf32, #tpu.memory_space<vmem>>, vector<16xf32>,
      } else {
      }
      %add3A_153 = arith.constant 2 : i32
      %add3A_154 = arith.addi %mul3A_108, %add3A_153 : i32
      %lt3A_155 = arith.constant 16 : i32
      %lt3A_156 = arith.cmpi slt, %add3A_154, %lt3A_155 : i32
      %convert_element_type3A_157 = arith.extui %lt3A_156 : i1 to i32
      %cond3A_158 = arith.constant 0 : i32
      %cond3A_159 = arith.cmpi ne, %convert_element_type3A_157, %cond3A_158 : i32
      scf.if %cond3A_159 {
        %dma_wait3A_181 = arith.constant 0 : i32
        %dma_wait3A_182 = arith.constant 0 : i32
        %dma_wait3A_183 = tpu.memref_slice %arg4[%dma_wait3A_181, %dma_wait3A_182] : memref<8x262144xi32, #tpu.memory_space<hbm>> -> memref<1x8192xi32, #tpu.memory_space<hbm>>
        %dma_wait3A_184 = tpu.memref_squeeze %dma_wait3A_183 : memref<1x8192xi32, #tpu.memory_space<hbm>> -> memref<8192xi32, #tpu.memory_space<hbm>>
        %dma_wait3A_185 = arith.constant 0 : i32
        %dma_wait3A_186 = tpu.memref_slice %arg4[%dma_wait3A_181, %dma_wait3A_185] : memref<8x262144xi32, #tpu.memory_space<hbm>> -> memref<1x8192xi32, #tpu.memory_space<hbm>>
        %dma_wait3A_187 = tpu.memref_squeeze %dma_wait3A_186 : memref<1x8192xi32, #tpu.memory_space<hbm>> -> memref<8192xi32, #tpu.memory_space<hbm>>
        tpu.wait_dma2 semaphore(%arg22 : memref<!tpu.dma_semaphore, #tpu.memory_space<semaphore_mem>>) src(%dma_wait3A_187 : memref<8192xi32, #tpu.memory_space<hbm>>) dst(%arg9 : memref<8192xi32, #tpu.memory_space<vmem>>)
        %dma_wait3A_188 = arith.constant 0 : i32
        %dma_wait3A_189 = arith.constant 0 : i32
        %dma_wait3A_190 = tpu.memref_slice %arg5[%dma_wait3A_188, %dma_wait3A_189] : memref<8x262144xi32, #tpu.memory_space<hbm>> -> memref<1x8192xi32, #tpu.memory_space<hbm>>
        %dma_wait3A_191 = tpu.memref_squeeze %dma_wait3A_190 : memref<1x8192xi32, #tpu.memory_space<hbm>> -> memref<8192xi32, #tpu.memory_space<hbm>>
        %dma_wait3A_192 = arith.constant 0 : i32
        %dma_wait3A_193 = tpu.memref_slice %arg5[%dma_wait3A_188, %dma_wait3A_192] : memref<8x262144xi32, #tpu.memory_space<hbm>> -> memref<1x8192xi32, #tpu.memory_space<hbm>>
        %dma_wait3A_194 = tpu.memref_squeeze %dma_wait3A_193 : memref<1x8192xi32, #tpu.memory_space<hbm>> -> memref<8192xi32, #tpu.memory_space<hbm>>
        tpu.wait_dma2 semaphore(%arg22 : memref<!tpu.dma_semaphore, #tpu.memory_space<semaphore_mem>>) src(%dma_wait3A_194 : memref<8192xi32, #tpu.memory_space<hbm>>) dst(%arg10 : memref<8192xi32, #tpu.memory_space<vmem>>)
        %scan3A_195 = arith.constant 0 : i32
        %scan3A_196 = arith.constant 0 : i32
        %scan3A_197 = arith.constant 512 : i32
        %scan3A_198 = arith.addi %scan3A_196, %scan3A_197 : i32
        %scan3A_199 = arith.constant 8 : i32
        scf.for %scan3A_205 = %scan3A_196 to %scan3A_198 step %scan3A_199  : i32 {
          %mul3A_206 = arith.constant 16 : i32
          %mul3A_207 = arith.muli %scan3A_205, %mul3A_206 : i32
          %get3A_208 = arith.index_cast %mul3A_207 : i32 to index
          %get3A_209 = tpu.vector_load %arg9[%get3A_208] {strides = array<i32>} : memref<8192xi32, #tpu.memory_space<vmem>>, vector<16xi32>,
          %get3A_210 = vector.shape_cast %get3A_209 : vector<16xi32> to vector<16xi32>
          %get3A_211 = arith.index_cast %mul3A_207 : i32 to index
          %get3A_212 = tpu.vector_load %arg10[%get3A_211] {strides = array<i32>} : memref<8192xi32, #tpu.memory_space<vmem>>, vector<16xi32>,
          %get3A_213 = vector.shape_cast %get3A_212 : vector<16xi32> to vector<16xi32>
          %shift_right_arithmetic3A = arith.constant 3 : i32
          %shift_right_arithmetic3A_214 = vector.broadcast %shift_right_arithmetic3A : i32 to vector<16xi32>
          %shift_right_arithmetic3A_215 = arith.shrsi %get3A_210, %shift_right_arithmetic3A_214 : vector<16xi32>
          %shift_left3A = arith.constant 14 : i32
          %shift_left3A_216 = vector.broadcast %shift_left3A : i32 to vector<16xi32>
          %shift_left3A_217 = arith.shli %shift_right_arithmetic3A_215, %shift_left3A_216 : vector<16xi32>
          %add3A_218 = vector.broadcast %mul3A_34 : i32 to vector<16xi32>
          %add3A_219 = arith.addi %add3A_218, %shift_left3A_217 : vector<16xi32>
          %shift_right_arithmetic3A_220 = arith.constant 7 : i32
          %shift_right_arithmetic3A_221 = vector.broadcast %shift_right_arithmetic3A_220 : i32 to vector<16xi32>
          %shift_right_arithmetic3A_222 = arith.shrsi %get3A_213, %shift_right_arithmetic3A_221 : vector<16xi32>
          %shift_left3A_223 = arith.constant 10 : i32
          %shift_left3A_224 = vector.broadcast %shift_left3A_223 : i32 to vector<16xi32>
          %shift_left3A_225 = arith.shli %shift_right_arithmetic3A_222, %shift_left3A_224 : vector<16xi32>
          %add3A_226 = arith.addi %add3A_219, %shift_left3A_225 : vector<16xi32>
          %and3A_227 = arith.constant 7 : i32
          %and3A_228 = vector.broadcast %and3A_227 : i32 to vector<16xi32>
          %and3A_229 = arith.andi %get3A_210, %and3A_228 : vector<16xi32>
          %shift_left3A_230 = arith.constant 7 : i32
          %shift_left3A_231 = vector.broadcast %shift_left3A_230 : i32 to vector<16xi32>
          %shift_left3A_232 = arith.shli %and3A_229, %shift_left3A_231 : vector<16xi32>
          %add3A_233 = arith.addi %add3A_226, %shift_left3A_232 : vector<16xi32>
          %and3A_234 = arith.constant 127 : i32
          %and3A_235 = vector.broadcast %and3A_234 : i32 to vector<16xi32>
          %and3A_236 = arith.andi %get3A_213, %and3A_235 : vector<16xi32>
          %add3A_237 = arith.addi %add3A_233, %and3A_236 : vector<16xi32>
          %swap3A_238 = arith.index_cast %mul3A_207 : i32 to index
          %swap3A_239 = tpu.vector_load %arg13[%swap3A_238] {strides = array<i32>} : memref<8192xi32, #tpu.memory_space<vmem>>, vector<16xi32>,
          %swap3A_240 = vector.shape_cast %swap3A_239 : vector<16xi32> to vector<16xi32>
          %swap3A_241 = vector.shape_cast %add3A_237 : vector<16xi32> to vector<16xi32>
          tpu.vector_store %arg13[%swap3A_238], %swap3A_241 {strides = array<i32>} : memref<8192xi32, #tpu.memory_space<vmem>>, vector<16xi32>,
          %scan3A_242 = arith.constant 1 : i32
          %scan3A_243 = arith.addi %scan3A_205, %scan3A_242 : i32
          %mul3A_244 = arith.constant 16 : i32
          %mul3A_245 = arith.muli %scan3A_243, %mul3A_244 : i32
          %get3A_246 = arith.index_cast %mul3A_245 : i32 to index
          %get3A_247 = tpu.vector_load %arg9[%get3A_246] {strides = array<i32>} : memref<8192xi32, #tpu.memory_space<vmem>>, vector<16xi32>,
          %get3A_248 = vector.shape_cast %get3A_247 : vector<16xi32> to vector<16xi32>
          %get3A_249 = arith.index_cast %mul3A_245 : i32 to index
          %get3A_250 = tpu.vector_load %arg10[%get3A_249] {strides = array<i32>} : memref<8192xi32, #tpu.memory_space<vmem>>, vector<16xi32>,
          %get3A_251 = vector.shape_cast %get3A_250 : vector<16xi32> to vector<16xi32>
          %shift_right_arithmetic3A_252 = arith.constant 3 : i32
          %shift_right_arithmetic3A_253 = vector.broadcast %shift_right_arithmetic3A_252 : i32 to vector<16xi32>
          %shift_right_arithmetic3A_254 = arith.shrsi %get3A_248, %shift_right_arithmetic3A_253 : vector<16xi32>
          %shift_left3A_255 = arith.constant 14 : i32
          %shift_left3A_256 = vector.broadcast %shift_left3A_255 : i32 to vector<16xi32>
          %shift_left3A_257 = arith.shli %shift_right_arithmetic3A_254, %shift_left3A_256 : vector<16xi32>
          %add3A_258 = vector.broadcast %mul3A_34 : i32 to vector<16xi32>
          %add3A_259 = arith.addi %add3A_258, %shift_left3A_257 : vector<16xi32>
          %shift_right_arithmetic3A_260 = arith.constant 7 : i32
          %shift_right_arithmetic3A_261 = vector.broadcast %shift_right_arithmetic3A_260 : i32 to vector<16xi32>
          %shift_right_arithmetic3A_262 = arith.shrsi %get3A_251, %shift_right_arithmetic3A_261 : vector<16xi32>
          %shift_left3A_263 = arith.constant 10 : i32
          %shift_left3A_264 = vector.broadcast %shift_left3A_263 : i32 to vector<16xi32>
          %shift_left3A_265 = arith.shli %shift_right_arithmetic3A_262, %shift_left3A_264 : vector<16xi32>
          %add3A_266 = arith.addi %add3A_259, %shift_left3A_265 : vector<16xi32>
          %and3A_267 = arith.constant 7 : i32
          %and3A_268 = vector.broadcast %and3A_267 : i32 to vector<16xi32>
          %and3A_269 = arith.andi %get3A_248, %and3A_268 : vector<16xi32>
          %shift_left3A_270 = arith.constant 7 : i32
          %shift_left3A_271 = vector.broadcast %shift_left3A_270 : i32 to vector<16xi32>
          %shift_left3A_272 = arith.shli %and3A_269, %shift_left3A_271 : vector<16xi32>
          %add3A_273 = arith.addi %add3A_266, %shift_left3A_272 : vector<16xi32>
          %and3A_274 = arith.constant 127 : i32
          %and3A_275 = vector.broadcast %and3A_274 : i32 to vector<16xi32>
          %and3A_276 = arith.andi %get3A_251, %and3A_275 : vector<16xi32>
          %add3A_277 = arith.addi %add3A_273, %and3A_276 : vector<16xi32>
          %swap3A_278 = arith.index_cast %mul3A_245 : i32 to index
          %swap3A_279 = tpu.vector_load %arg13[%swap3A_278] {strides = array<i32>} : memref<8192xi32, #tpu.memory_space<vmem>>, vector<16xi32>,
          %swap3A_280 = vector.shape_cast %swap3A_279 : vector<16xi32> to vector<16xi32>
          %swap3A_281 = vector.shape_cast %add3A_277 : vector<16xi32> to vector<16xi32>
          tpu.vector_store %arg13[%swap3A_278], %swap3A_281 {strides = array<i32>} : memref<8192xi32, #tpu.memory_space<vmem>>, vector<16xi32>,
          %scan3A_282 = arith.constant 2 : i32
          %scan3A_283 = arith.addi %scan3A_205, %scan3A_282 : i32
          %mul3A_284 = arith.constant 16 : i32
          %mul3A_285 = arith.muli %scan3A_283, %mul3A_284 : i32
          %get3A_286 = arith.index_cast %mul3A_285 : i32 to index
          %get3A_287 = tpu.vector_load %arg9[%get3A_286] {strides = array<i32>} : memref<8192xi32, #tpu.memory_space<vmem>>, vector<16xi32>,
          %get3A_288 = vector.shape_cast %get3A_287 : vector<16xi32> to vector<16xi32>
          %get3A_289 = arith.index_cast %mul3A_285 : i32 to index
          %get3A_290 = tpu.vector_load %arg10[%get3A_289] {strides = array<i32>} : memref<8192xi32, #tpu.memory_space<vmem>>, vector<16xi32>,
          %get3A_291 = vector.shape_cast %get3A_290 : vector<16xi32> to vector<16xi32>
          %shift_right_arithmetic3A_292 = arith.constant 3 : i32
          %shift_right_arithmetic3A_293 = vector.broadcast %shift_right_arithmetic3A_292 : i32 to vector<16xi32>
          %shift_right_arithmetic3A_294 = arith.shrsi %get3A_288, %shift_right_arithmetic3A_293 : vector<16xi32>
          %shift_left3A_295 = arith.constant 14 : i32
          %shift_left3A_296 = vector.broadcast %shift_left3A_295 : i32 to vector<16xi32>
          %shift_left3A_297 = arith.shli %shift_right_arithmetic3A_294, %shift_left3A_296 : vector<16xi32>
          %add3A_298 = vector.broadcast %mul3A_34 : i32 to vector<16xi32>
          %add3A_299 = arith.addi %add3A_298, %shift_left3A_297 : vector<16xi32>
          %shift_right_arithmetic3A_300 = arith.constant 7 : i32
          %shift_right_arithmetic3A_301 = vector.broadcast %shift_right_arithmetic3A_300 : i32 to vector<16xi32>
          %shift_right_arithmetic3A_302 = arith.shrsi %get3A_291, %shift_right_arithmetic3A_301 : vector<16xi32>
          %shift_left3A_303 = arith.constant 10 : i32
          %shift_left3A_304 = vector.broadcast %shift_left3A_303 : i32 to vector<16xi32>
          %shift_left3A_305 = arith.shli %shift_right_arithmetic3A_302, %shift_left3A_304 : vector<16xi32>
          %add3A_306 = arith.addi %add3A_299, %shift_left3A_305 : vector<16xi32>
          %and3A_307 = arith.constant 7 : i32
          %and3A_308 = vector.broadcast %and3A_307 : i32 to vector<16xi32>
          %and3A_309 = arith.andi %get3A_288, %and3A_308 : vector<16xi32>
          %shift_left3A_310 = arith.constant 7 : i32
          %shift_left3A_311 = vector.broadcast %shift_left3A_310 : i32 to vector<16xi32>
          %shift_left3A_312 = arith.shli %and3A_309, %shift_left3A_311 : vector<16xi32>
          %add3A_313 = arith.addi %add3A_306, %shift_left3A_312 : vector<16xi32>
          %and3A_314 = arith.constant 127 : i32
          %and3A_315 = vector.broadcast %and3A_314 : i32 to vector<16xi32>
          %and3A_316 = arith.andi %get3A_291, %and3A_315 : vector<16xi32>
          %add3A_317 = arith.addi %add3A_313, %and3A_316 : vector<16xi32>
          %swap3A_318 = arith.index_cast %mul3A_285 : i32 to index
          %swap3A_319 = tpu.vector_load %arg13[%swap3A_318] {strides = array<i32>} : memref<8192xi32, #tpu.memory_space<vmem>>, vector<16xi32>,
          %swap3A_320 = vector.shape_cast %swap3A_319 : vector<16xi32> to vector<16xi32>
          %swap3A_321 = vector.shape_cast %add3A_317 : vector<16xi32> to vector<16xi32>
          tpu.vector_store %arg13[%swap3A_318], %swap3A_321 {strides = array<i32>} : memref<8192xi32, #tpu.memory_space<vmem>>, vector<16xi32>,
          %scan3A_322 = arith.constant 3 : i32
          %scan3A_323 = arith.addi %scan3A_205, %scan3A_322 : i32
          %mul3A_324 = arith.constant 16 : i32
          %mul3A_325 = arith.muli %scan3A_323, %mul3A_324 : i32
          %get3A_326 = arith.index_cast %mul3A_325 : i32 to index
          %get3A_327 = tpu.vector_load %arg9[%get3A_326] {strides = array<i32>} : memref<8192xi32, #tpu.memory_space<vmem>>, vector<16xi32>,
          %get3A_328 = vector.shape_cast %get3A_327 : vector<16xi32> to vector<16xi32>
          %get3A_329 = arith.index_cast %mul3A_325 : i32 to index
          %get3A_330 = tpu.vector_load %arg10[%get3A_329] {strides = array<i32>} : memref<8192xi32, #tpu.memory_space<vmem>>, vector<16xi32>,
          %get3A_331 = vector.shape_cast %get3A_330 : vector<16xi32> to vector<16xi32>
          %shift_right_arithmetic3A_332 = arith.constant 3 : i32
          %shift_right_arithmetic3A_333 = vector.broadcast %shift_right_arithmetic3A_332 : i32 to vector<16xi32>
          %shift_right_arithmetic3A_334 = arith.shrsi %get3A_328, %shift_right_arithmetic3A_333 : vector<16xi32>
          %shift_left3A_335 = arith.constant 14 : i32
          %shift_left3A_336 = vector.broadcast %shift_left3A_335 : i32 to vector<16xi32>
          %shift_left3A_337 = arith.shli %shift_right_arithmetic3A_334, %shift_left3A_336 : vector<16xi32>
          %add3A_338 = vector.broadcast %mul3A_34 : i32 to vector<16xi32>
          %add3A_339 = arith.addi %add3A_338, %shift_left3A_337 : vector<16xi32>
          %shift_right_arithmetic3A_340 = arith.constant 7 : i32
          %shift_right_arithmetic3A_341 = vector.broadcast %shift_right_arithmetic3A_340 : i32 to vector<16xi32>
          %shift_right_arithmetic3A_342 = arith.shrsi %get3A_331, %shift_right_arithmetic3A_341 : vector<16xi32>
          %shift_left3A_343 = arith.constant 10 : i32
          %shift_left3A_344 = vector.broadcast %shift_left3A_343 : i32 to vector<16xi32>
          %shift_left3A_345 = arith.shli %shift_right_arithmetic3A_342, %shift_left3A_344 : vector<16xi32>
          %add3A_346 = arith.addi %add3A_339, %shift_left3A_345 : vector<16xi32>
          %and3A_347 = arith.constant 7 : i32
          %and3A_348 = vector.broadcast %and3A_347 : i32 to vector<16xi32>
          %and3A_349 = arith.andi %get3A_328, %and3A_348 : vector<16xi32>
          %shift_left3A_350 = arith.constant 7 : i32
          %shift_left3A_351 = vector.broadcast %shift_left3A_350 : i32 to vector<16xi32>
          %shift_left3A_352 = arith.shli %and3A_349, %shift_left3A_351 : vector<16xi32>
          %add3A_353 = arith.addi %add3A_346, %shift_left3A_352 : vector<16xi32>
          %and3A_354 = arith.constant 127 : i32
          %and3A_355 = vector.broadcast %and3A_354 : i32 to vector<16xi32>
          %and3A_356 = arith.andi %get3A_331, %and3A_355 : vector<16xi32>
          %add3A_357 = arith.addi %add3A_353, %and3A_356 : vector<16xi32>
          %swap3A_358 = arith.index_cast %mul3A_325 : i32 to index
          %swap3A_359 = tpu.vector_load %arg13[%swap3A_358] {strides = array<i32>} : memref<8192xi32, #tpu.memory_space<vmem>>, vector<16xi32>,
          %swap3A_360 = vector.shape_cast %swap3A_359 : vector<16xi32> to vector<16xi32>
          %swap3A_361 = vector.shape_cast %add3A_357 : vector<16xi32> to vector<16xi32>
          tpu.vector_store %arg13[%swap3A_358], %swap3A_361 {strides = array<i32>} : memref<8192xi32, #tpu.memory_space<vmem>>, vector<16xi32>,
          %scan3A_362 = arith.constant 4 : i32
          %scan3A_363 = arith.addi %scan3A_205, %scan3A_362 : i32
          %mul3A_364 = arith.constant 16 : i32
          %mul3A_365 = arith.muli %scan3A_363, %mul3A_364 : i32
          %get3A_366 = arith.index_cast %mul3A_365 : i32 to index
          %get3A_367 = tpu.vector_load %arg9[%get3A_366] {strides = array<i32>} : memref<8192xi32, #tpu.memory_space<vmem>>, vector<16xi32>,
          %get3A_368 = vector.shape_cast %get3A_367 : vector<16xi32> to vector<16xi32>
          %get3A_369 = arith.index_cast %mul3A_365 : i32 to index
          %get3A_370 = tpu.vector_load %arg10[%get3A_369] {strides = array<i32>} : memref<8192xi32, #tpu.memory_space<vmem>>, vector<16xi32>,
          %get3A_371 = vector.shape_cast %get3A_370 : vector<16xi32> to vector<16xi32>
          %shift_right_arithmetic3A_372 = arith.constant 3 : i32
          %shift_right_arithmetic3A_373 = vector.broadcast %shift_right_arithmetic3A_372 : i32 to vector<16xi32>
          %shift_right_arithmetic3A_374 = arith.shrsi %get3A_368, %shift_right_arithmetic3A_373 : vector<16xi32>
          %shift_left3A_375 = arith.constant 14 : i32
          %shift_left3A_376 = vector.broadcast %shift_left3A_375 : i32 to vector<16xi32>
          %shift_left3A_377 = arith.shli %shift_right_arithmetic3A_374, %shift_left3A_376 : vector<16xi32>
          %add3A_378 = vector.broadcast %mul3A_34 : i32 to vector<16xi32>
          %add3A_379 = arith.addi %add3A_378, %shift_left3A_377 : vector<16xi32>
          %shift_right_arithmetic3A_380 = arith.constant 7 : i32
          %shift_right_arithmetic3A_381 = vector.broadcast %shift_right_arithmetic3A_380 : i32 to vector<16xi32>
          %shift_right_arithmetic3A_382 = arith.shrsi %get3A_371, %shift_right_arithmetic3A_381 : vector<16xi32>
          %shift_left3A_383 = arith.constant 10 : i32
          %shift_left3A_384 = vector.broadcast %shift_left3A_383 : i32 to vector<16xi32>
          %shift_left3A_385 = arith.shli %shift_right_arithmetic3A_382, %shift_left3A_384 : vector<16xi32>
          %add3A_386 = arith.addi %add3A_379, %shift_left3A_385 : vector<16xi32>
          %and3A_387 = arith.constant 7 : i32
          %and3A_388 = vector.broadcast %and3A_387 : i32 to vector<16xi32>
          %and3A_389 = arith.andi %get3A_368, %and3A_388 : vector<16xi32>
          %shift_left3A_390 = arith.constant 7 : i32
          %shift_left3A_391 = vector.broadcast %shift_left3A_390 : i32 to vector<16xi32>
          %shift_left3A_392 = arith.shli %and3A_389, %shift_left3A_391 : vector<16xi32>
          %add3A_393 = arith.addi %add3A_386, %shift_left3A_392 : vector<16xi32>
          %and3A_394 = arith.constant 127 : i32
          %and3A_395 = vector.broadcast %and3A_394 : i32 to vector<16xi32>
          %and3A_396 = arith.andi %get3A_371, %and3A_395 : vector<16xi32>
          %add3A_397 = arith.addi %add3A_393, %and3A_396 : vector<16xi32>
          %swap3A_398 = arith.index_cast %mul3A_365 : i32 to index
          %swap3A_399 = tpu.vector_load %arg13[%swap3A_398] {strides = array<i32>} : memref<8192xi32, #tpu.memory_space<vmem>>, vector<16xi32>,
          %swap3A_400 = vector.shape_cast %swap3A_399 : vector<16xi32> to vector<16xi32>
          %swap3A_401 = vector.shape_cast %add3A_397 : vector<16xi32> to vector<16xi32>
          tpu.vector_store %arg13[%swap3A_398], %swap3A_401 {strides = array<i32>} : memref<8192xi32, #tpu.memory_space<vmem>>, vector<16xi32>,
          %scan3A_402 = arith.constant 5 : i32
          %scan3A_403 = arith.addi %scan3A_205, %scan3A_402 : i32
          %mul3A_404 = arith.constant 16 : i32
          %mul3A_405 = arith.muli %scan3A_403, %mul3A_404 : i32
          %get3A_406 = arith.index_cast %mul3A_405 : i32 to index
          %get3A_407 = tpu.vector_load %arg9[%get3A_406] {strides = array<i32>} : memref<8192xi32, #tpu.memory_space<vmem>>, vector<16xi32>,
          %get3A_408 = vector.shape_cast %get3A_407 : vector<16xi32> to vector<16xi32>
          %get3A_409 = arith.index_cast %mul3A_405 : i32 to index
          %get3A_410 = tpu.vector_load %arg10[%get3A_409] {strides = array<i32>} : memref<8192xi32, #tpu.memory_space<vmem>>, vector<16xi32>,
          %get3A_411 = vector.shape_cast %get3A_410 : vector<16xi32> to vector<16xi32>
          %shift_right_arithmetic3A_412 = arith.constant 3 : i32
          %shift_right_arithmetic3A_413 = vector.broadcast %shift_right_arithmetic3A_412 : i32 to vector<16xi32>
          %shift_right_arithmetic3A_414 = arith.shrsi %get3A_408, %shift_right_arithmetic3A_413 : vector<16xi32>
          %shift_left3A_415 = arith.constant 14 : i32
          %shift_left3A_416 = vector.broadcast %shift_left3A_415 : i32 to vector<16xi32>
          %shift_left3A_417 = arith.shli %shift_right_arithmetic3A_414, %shift_left3A_416 : vector<16xi32>
          %add3A_418 = vector.broadcast %mul3A_34 : i32 to vector<16xi32>
          %add3A_419 = arith.addi %add3A_418, %shift_left3A_417 : vector<16xi32>
          %shift_right_arithmetic3A_420 = arith.constant 7 : i32
          %shift_right_arithmetic3A_421 = vector.broadcast %shift_right_arithmetic3A_420 : i32 to vector<16xi32>
          %shift_right_arithmetic3A_422 = arith.shrsi %get3A_411, %shift_right_arithmetic3A_421 : vector<16xi32>
          %shift_left3A_423 = arith.constant 10 : i32
          %shift_left3A_424 = vector.broadcast %shift_left3A_423 : i32 to vector<16xi32>
          %shift_left3A_425 = arith.shli %shift_right_arithmetic3A_422, %shift_left3A_424 : vector<16xi32>
          %add3A_426 = arith.addi %add3A_419, %shift_left3A_425 : vector<16xi32>
          %and3A_427 = arith.constant 7 : i32
          %and3A_428 = vector.broadcast %and3A_427 : i32 to vector<16xi32>
          %and3A_429 = arith.andi %get3A_408, %and3A_428 : vector<16xi32>
          %shift_left3A_430 = arith.constant 7 : i32
          %shift_left3A_431 = vector.broadcast %shift_left3A_430 : i32 to vector<16xi32>
          %shift_left3A_432 = arith.shli %and3A_429, %shift_left3A_431 : vector<16xi32>
          %add3A_433 = arith.addi %add3A_426, %shift_left3A_432 : vector<16xi32>
          %and3A_434 = arith.constant 127 : i32
          %and3A_435 = vector.broadcast %and3A_434 : i32 to vector<16xi32>
          %and3A_436 = arith.andi %get3A_411, %and3A_435 : vector<16xi32>
          %add3A_437 = arith.addi %add3A_433, %and3A_436 : vector<16xi32>
          %swap3A_438 = arith.index_cast %mul3A_405 : i32 to index
          %swap3A_439 = tpu.vector_load %arg13[%swap3A_438] {strides = array<i32>} : memref<8192xi32, #tpu.memory_space<vmem>>, vector<16xi32>,
          %swap3A_440 = vector.shape_cast %swap3A_439 : vector<16xi32> to vector<16xi32>
          %swap3A_441 = vector.shape_cast %add3A_437 : vector<16xi32> to vector<16xi32>
          tpu.vector_store %arg13[%swap3A_438], %swap3A_441 {strides = array<i32>} : memref<8192xi32, #tpu.memory_space<vmem>>, vector<16xi32>,
          %scan3A_442 = arith.constant 6 : i32
          %scan3A_443 = arith.addi %scan3A_205, %scan3A_442 : i32
          %mul3A_444 = arith.constant 16 : i32
          %mul3A_445 = arith.muli %scan3A_443, %mul3A_444 : i32
          %get3A_446 = arith.index_cast %mul3A_445 : i32 to index
          %get3A_447 = tpu.vector_load %arg9[%get3A_446] {strides = array<i32>} : memref<8192xi32, #tpu.memory_space<vmem>>, vector<16xi32>,
          %get3A_448 = vector.shape_cast %get3A_447 : vector<16xi32> to vector<16xi32>
          %get3A_449 = arith.index_cast %mul3A_445 : i32 to index
          %get3A_450 = tpu.vector_load %arg10[%get3A_449] {strides = array<i32>} : memref<8192xi32, #tpu.memory_space<vmem>>, vector<16xi32>,
          %get3A_451 = vector.shape_cast %get3A_450 : vector<16xi32> to vector<16xi32>
          %shift_right_arithmetic3A_452 = arith.constant 3 : i32
          %shift_right_arithmetic3A_453 = vector.broadcast %shift_right_arithmetic3A_452 : i32 to vector<16xi32>
          %shift_right_arithmetic3A_454 = arith.shrsi %get3A_448, %shift_right_arithmetic3A_453 : vector<16xi32>
          %shift_left3A_455 = arith.constant 14 : i32
          %shift_left3A_456 = vector.broadcast %shift_left3A_455 : i32 to vector<16xi32>
          %shift_left3A_457 = arith.shli %shift_right_arithmetic3A_454, %shift_left3A_456 : vector<16xi32>
          %add3A_458 = vector.broadcast %mul3A_34 : i32 to vector<16xi32>
          %add3A_459 = arith.addi %add3A_458, %shift_left3A_457 : vector<16xi32>
          %shift_right_arithmetic3A_460 = arith.constant 7 : i32
          %shift_right_arithmetic3A_461 = vector.broadcast %shift_right_arithmetic3A_460 : i32 to vector<16xi32>
          %shift_right_arithmetic3A_462 = arith.shrsi %get3A_451, %shift_right_arithmetic3A_461 : vector<16xi32>
          %shift_left3A_463 = arith.constant 10 : i32
          %shift_left3A_464 = vector.broadcast %shift_left3A_463 : i32 to vector<16xi32>
          %shift_left3A_465 = arith.shli %shift_right_arithmetic3A_462, %shift_left3A_464 : vector<16xi32>
          %add3A_466 = arith.addi %add3A_459, %shift_left3A_465 : vector<16xi32>
          %and3A_467 = arith.constant 7 : i32
          %and3A_468 = vector.broadcast %and3A_467 : i32 to vector<16xi32>
          %and3A_469 = arith.andi %get3A_448, %and3A_468 : vector<16xi32>
          %shift_left3A_470 = arith.constant 7 : i32
          %shift_left3A_471 = vector.broadcast %shift_left3A_470 : i32 to vector<16xi32>
          %shift_left3A_472 = arith.shli %and3A_469, %shift_left3A_471 : vector<16xi32>
          %add3A_473 = arith.addi %add3A_466, %shift_left3A_472 : vector<16xi32>
          %and3A_474 = arith.constant 127 : i32
          %and3A_475 = vector.broadcast %and3A_474 : i32 to vector<16xi32>
          %and3A_476 = arith.andi %get3A_451, %and3A_475 : vector<16xi32>
          %add3A_477 = arith.addi %add3A_473, %and3A_476 : vector<16xi32>
          %swap3A_478 = arith.index_cast %mul3A_445 : i32 to index
          %swap3A_479 = tpu.vector_load %arg13[%swap3A_478] {strides = array<i32>} : memref<8192xi32, #tpu.memory_space<vmem>>, vector<16xi32>,
          %swap3A_480 = vector.shape_cast %swap3A_479 : vector<16xi32> to vector<16xi32>
          %swap3A_481 = vector.shape_cast %add3A_477 : vector<16xi32> to vector<16xi32>
          tpu.vector_store %arg13[%swap3A_478], %swap3A_481 {strides = array<i32>} : memref<8192xi32, #tpu.memory_space<vmem>>, vector<16xi32>,
          %scan3A_482 = arith.constant 7 : i32
          %scan3A_483 = arith.addi %scan3A_205, %scan3A_482 : i32
          %mul3A_484 = arith.constant 16 : i32
          %mul3A_485 = arith.muli %scan3A_483, %mul3A_484 : i32
          %get3A_486 = arith.index_cast %mul3A_485 : i32 to index
          %get3A_487 = tpu.vector_load %arg9[%get3A_486] {strides = array<i32>} : memref<8192xi32, #tpu.memory_space<vmem>>, vector<16xi32>,
          %get3A_488 = vector.shape_cast %get3A_487 : vector<16xi32> to vector<16xi32>
          %get3A_489 = arith.index_cast %mul3A_485 : i32 to index
          %get3A_490 = tpu.vector_load %arg10[%get3A_489] {strides = array<i32>} : memref<8192xi32, #tpu.memory_space<vmem>>, vector<16xi32>,
          %get3A_491 = vector.shape_cast %get3A_490 : vector<16xi32> to vector<16xi32>
          %shift_right_arithmetic3A_492 = arith.constant 3 : i32
          %shift_right_arithmetic3A_493 = vector.broadcast %shift_right_arithmetic3A_492 : i32 to vector<16xi32>
          %shift_right_arithmetic3A_494 = arith.shrsi %get3A_488, %shift_right_arithmetic3A_493 : vector<16xi32>
          %shift_left3A_495 = arith.constant 14 : i32
          %shift_left3A_496 = vector.broadcast %shift_left3A_495 : i32 to vector<16xi32>
          %shift_left3A_497 = arith.shli %shift_right_arithmetic3A_494, %shift_left3A_496 : vector<16xi32>
          %add3A_498 = vector.broadcast %mul3A_34 : i32 to vector<16xi32>
          %add3A_499 = arith.addi %add3A_498, %shift_left3A_497 : vector<16xi32>
          %shift_right_arithmetic3A_500 = arith.constant 7 : i32
          %shift_right_arithmetic3A_501 = vector.broadcast %shift_right_arithmetic3A_500 : i32 to vector<16xi32>
          %shift_right_arithmetic3A_502 = arith.shrsi %get3A_491, %shift_right_arithmetic3A_501 : vector<16xi32>
          %shift_left3A_503 = arith.constant 10 : i32
          %shift_left3A_504 = vector.broadcast %shift_left3A_503 : i32 to vector<16xi32>
          %shift_left3A_505 = arith.shli %shift_right_arithmetic3A_502, %shift_left3A_504 : vector<16xi32>
          %add3A_506 = arith.addi %add3A_499, %shift_left3A_505 : vector<16xi32>
          %and3A_507 = arith.constant 7 : i32
          %and3A_508 = vector.broadcast %and3A_507 : i32 to vector<16xi32>
          %and3A_509 = arith.andi %get3A_488, %and3A_508 : vector<16xi32>
          %shift_left3A_510 = arith.constant 7 : i32
          %shift_left3A_511 = vector.broadcast %shift_left3A_510 : i32 to vector<16xi32>
          %shift_left3A_512 = arith.shli %and3A_509, %shift_left3A_511 : vector<16xi32>
          %add3A_513 = arith.addi %add3A_506, %shift_left3A_512 : vector<16xi32>
          %and3A_514 = arith.constant 127 : i32
          %and3A_515 = vector.broadcast %and3A_514 : i32 to vector<16xi32>
          %and3A_516 = arith.andi %get3A_491, %and3A_515 : vector<16xi32>
          %add3A_517 = arith.addi %add3A_513, %and3A_516 : vector<16xi32>
          %swap3A_518 = arith.index_cast %mul3A_485 : i32 to index
          %swap3A_519 = tpu.vector_load %arg13[%swap3A_518] {strides = array<i32>} : memref<8192xi32, #tpu.memory_space<vmem>>, vector<16xi32>,
          %swap3A_520 = vector.shape_cast %swap3A_519 : vector<16xi32> to vector<16xi32>
          %swap3A_521 = vector.shape_cast %add3A_517 : vector<16xi32> to vector<16xi32>
          tpu.vector_store %arg13[%swap3A_518], %swap3A_521 {strides = array<i32>} : memref<8192xi32, #tpu.memory_space<vmem>>, vector<16xi32>,
        }
        %scan3A_200 = arith.constant 512 : i32
        %dma_start3A_201 = arith.constant 0 : i32
        %dma_start3A_202 = tpu.memref_slice %arg2[%dma_start3A_201] : memref<33554432xf32, #tpu.memory_space<hbm>> -> memref<33554432xf32, #tpu.memory_space<hbm>>
        tpu.enqueue_indirect_dma source(%dma_start3A_202 : memref<33554432xf32, #tpu.memory_space<hbm>>) target(%arg15 : memref<8192xf32, #tpu.memory_space<vmem>>) offsets(%arg13 : memref<8192xi32, #tpu.memory_space<vmem>>) semaphore(%arg24 : memref<!tpu.dma_semaphore, #tpu.memory_space<semaphore_mem>>)
        %dma_start3A_203 = arith.constant 0 : i32
        %dma_start3A_204 = tpu.memref_slice %arg3[%dma_start3A_203] : memref<33554432xf32, #tpu.memory_space<hbm>> -> memref<33554432xf32, #tpu.memory_space<hbm>>
        tpu.enqueue_indirect_dma source(%dma_start3A_204 : memref<33554432xf32, #tpu.memory_space<hbm>>) target(%arg16 : memref<8192xf32, #tpu.memory_space<vmem>>) offsets(%arg13 : memref<8192xi32, #tpu.memory_space<vmem>>) semaphore(%arg24 : memref<!tpu.dma_semaphore, #tpu.memory_space<semaphore_mem>>)
      } else {
      }
      %add3A_160 = arith.constant 2 : i32
      %add3A_161 = arith.addi %add3A_110, %add3A_160 : i32
      %lt3A_162 = arith.constant 16 : i32
      %lt3A_163 = arith.cmpi slt, %add3A_161, %lt3A_162 : i32
      %convert_element_type3A_164 = arith.extui %lt3A_163 : i1 to i32
      %cond3A_165 = arith.constant 0 : i32
      %cond3A_166 = arith.cmpi ne, %convert_element_type3A_164, %cond3A_165 : i32
      scf.if %cond3A_166 {
        %add3A_181 = arith.constant 2 : i32
        %add3A_182 = arith.addi %add3A_110, %add3A_181 : i32
        %lt3A_183 = arith.constant 8 : i32
        %lt3A_184 = arith.cmpi slt, %add3A_182, %lt3A_183 : i32
        %convert_element_type3A_185 = arith.extui %lt3A_184 : i1 to i32
        %cond3A_186 = arith.constant 0 : i32
        %cond3A_187 = arith.cmpi ne, %convert_element_type3A_185, %cond3A_186 : i32
        scf.if %cond3A_187 {
          %mul3A_193 = arith.constant 8192 : i32
          %mul3A_194 = arith.muli %add3A_182, %mul3A_193 : i32
          %add3A_195 = arith.addi %mul3A_32, %mul3A_194 : i32
          %dma_start3A_196 = tpu.memref_slice %arg4[%select_n3A, %add3A_195] : memref<8x262144xi32, #tpu.memory_space<hbm>> -> memref<1x8192xi32, #tpu.memory_space<hbm>>
          %dma_start3A_197 = tpu.memref_squeeze %dma_start3A_196 : memref<1x8192xi32, #tpu.memory_space<hbm>> -> memref<8192xi32, #tpu.memory_space<hbm>>
          %dma_start3A_198 = tpu.memref_slice %arg4[%select_n3A, %add3A_195] : memref<8x262144xi32, #tpu.memory_space<hbm>> -> memref<1x8192xi32, #tpu.memory_space<hbm>>
          %dma_start3A_199 = tpu.memref_squeeze %dma_start3A_198 : memref<1x8192xi32, #tpu.memory_space<hbm>> -> memref<8192xi32, #tpu.memory_space<hbm>>
          tpu.enqueue_dma source(%dma_start3A_199 : memref<8192xi32, #tpu.memory_space<hbm>>) target(%arg11 : memref<8192xi32, #tpu.memory_space<vmem>>) target_semaphore(%arg23 : memref<!tpu.dma_semaphore, #tpu.memory_space<semaphore_mem>>)
          %dma_start3A_200 = tpu.memref_slice %arg5[%select_n3A, %add3A_195] : memref<8x262144xi32, #tpu.memory_space<hbm>> -> memref<1x8192xi32, #tpu.memory_space<hbm>>
          %dma_start3A_201 = tpu.memref_squeeze %dma_start3A_200 : memref<1x8192xi32, #tpu.memory_space<hbm>> -> memref<8192xi32, #tpu.memory_space<hbm>>
          %dma_start3A_202 = tpu.memref_slice %arg5[%select_n3A, %add3A_195] : memref<8x262144xi32, #tpu.memory_space<hbm>> -> memref<1x8192xi32, #tpu.memory_space<hbm>>
          %dma_start3A_203 = tpu.memref_squeeze %dma_start3A_202 : memref<1x8192xi32, #tpu.memory_space<hbm>> -> memref<8192xi32, #tpu.memory_space<hbm>>
          tpu.enqueue_dma source(%dma_start3A_203 : memref<8192xi32, #tpu.memory_space<hbm>>) target(%arg12 : memref<8192xi32, #tpu.memory_space<vmem>>) target_semaphore(%arg23 : memref<!tpu.dma_semaphore, #tpu.memory_space<semaphore_mem>>)
        } else {
        }
        %ge3A_188 = arith.constant 8 : i32
        %ge3A_189 = arith.cmpi sge, %add3A_182, %ge3A_188 : i32
        %convert_element_type3A_190 = arith.extui %ge3A_189 : i1 to i32
        %cond3A_191 = arith.constant 0 : i32
        %cond3A_192 = arith.cmpi ne, %convert_element_type3A_190, %cond3A_191 : i32
        scf.if %cond3A_192 {
          %sub3A_193 = arith.constant 8 : i32
          %sub3A_194 = arith.subi %add3A_182, %sub3A_193 : i32
          %mul3A_195 = arith.constant 8192 : i32
          %mul3A_196 = arith.muli %sub3A_194, %mul3A_195 : i32
          %add3A_197 = arith.addi %mul3A_32, %mul3A_196 : i32
          %dma_start3A_198 = tpu.memref_slice %arg6[%select_n3A, %add3A_197] : memref<8x262144xi32, #tpu.memory_space<hbm>> -> memref<1x8192xi32, #tpu.memory_space<hbm>>
          %dma_start3A_199 = tpu.memref_squeeze %dma_start3A_198 : memref<1x8192xi32, #tpu.memory_space<hbm>> -> memref<8192xi32, #tpu.memory_space<hbm>>
          %dma_start3A_200 = tpu.memref_slice %arg6[%select_n3A, %add3A_197] : memref<8x262144xi32, #tpu.memory_space<hbm>> -> memref<1x8192xi32, #tpu.memory_space<hbm>>
          %dma_start3A_201 = tpu.memref_squeeze %dma_start3A_200 : memref<1x8192xi32, #tpu.memory_space<hbm>> -> memref<8192xi32, #tpu.memory_space<hbm>>
          tpu.enqueue_dma source(%dma_start3A_201 : memref<8192xi32, #tpu.memory_space<hbm>>) target(%arg11 : memref<8192xi32, #tpu.memory_space<vmem>>) target_semaphore(%arg23 : memref<!tpu.dma_semaphore, #tpu.memory_space<semaphore_mem>>)
          %dma_start3A_202 = tpu.memref_slice %arg7[%select_n3A, %add3A_197] : memref<8x262144xi32, #tpu.memory_space<hbm>> -> memref<1x8192xi32, #tpu.memory_space<hbm>>
          %dma_start3A_203 = tpu.memref_squeeze %dma_start3A_202 : memref<1x8192xi32, #tpu.memory_space<hbm>> -> memref<8192xi32, #tpu.memory_space<hbm>>
          %dma_start3A_204 = tpu.memref_slice %arg7[%select_n3A, %add3A_197] : memref<8x262144xi32, #tpu.memory_space<hbm>> -> memref<1x8192xi32, #tpu.memory_space<hbm>>
          %dma_start3A_205 = tpu.memref_squeeze %dma_start3A_204 : memref<1x8192xi32, #tpu.memory_space<hbm>> -> memref<8192xi32, #tpu.memory_space<hbm>>
          tpu.enqueue_dma source(%dma_start3A_205 : memref<8192xi32, #tpu.memory_space<hbm>>) target(%arg12 : memref<8192xi32, #tpu.memory_space<vmem>>) target_semaphore(%arg23 : memref<!tpu.dma_semaphore, #tpu.memory_space<semaphore_mem>>)
        } else {
        }
      } else {
      }
      %dma_wait3A_167 = arith.constant 0 : i32
      %dma_wait3A_168 = tpu.memref_slice %arg2[%dma_wait3A_167] : memref<33554432xf32, #tpu.memory_space<hbm>> -> memref<33554432xf32, #tpu.memory_space<hbm>>
      tpu.wait_indirect_dma semaphore(%arg25 : memref<!tpu.dma_semaphore, #tpu.memory_space<semaphore_mem>>) src(%dma_wait3A_168 : memref<33554432xf32, #tpu.memory_space<hbm>>) dst(%arg17 : memref<8192xf32, #tpu.memory_space<vmem>>)
      %dma_wait3A_169 = arith.constant 0 : i32
      %dma_wait3A_170 = tpu.memref_slice %arg3[%dma_wait3A_169] : memref<33554432xf32, #tpu.memory_space<hbm>> -> memref<33554432xf32, #tpu.memory_space<hbm>>
      tpu.wait_indirect_dma semaphore(%arg25 : memref<!tpu.dma_semaphore, #tpu.memory_space<semaphore_mem>>) src(%dma_wait3A_170 : memref<33554432xf32, #tpu.memory_space<hbm>>) dst(%arg18 : memref<8192xf32, #tpu.memory_space<vmem>>)
      %lt3A_171 = arith.constant 8 : i32
      %lt3A_172 = arith.cmpi slt, %add3A_110, %lt3A_171 : i32
      %convert_element_type3A_173 = arith.extui %lt3A_172 : i1 to i32
      %cond3A_174 = arith.constant 0 : i32
      %cond3A_175 = arith.cmpi ne, %convert_element_type3A_173, %cond3A_174 : i32
      scf.if %cond3A_175 {
        %get3A_181 = arith.constant 0 : index
        %get3A_182 = tpu.vector_load %arg20[%get3A_181] {strides = array<i32>} : memref<16xf32, #tpu.memory_space<vmem>>, vector<16xf32>,
        %get3A_183 = vector.shape_cast %get3A_182 : vector<16xf32> to vector<16xf32>
        %scan3A_184 = arith.constant 0 : i32
        %scan3A_185 = arith.constant 512 : i32
        %scan3A_186 = arith.addi %scan3A_184, %scan3A_185 : i32
        %scan3A_187 = arith.constant 8 : i32
        %scan3A_188 = scf.for %scan3A_194 = %scan3A_184 to %scan3A_186 step %scan3A_187 iter_args(%scan3A_195 = %get3A_183) -> (vector<16xf32>)  : i32 {
          %mul3A_196 = arith.constant 16 : i32
          %mul3A_197 = arith.muli %scan3A_194, %mul3A_196 : i32
          %get3A_198 = arith.index_cast %mul3A_197 : i32 to index
          %get3A_199 = tpu.vector_load %arg17[%get3A_198] {strides = array<i32>} : memref<8192xf32, #tpu.memory_space<vmem>>, vector<16xf32>,
          %get3A_200 = vector.shape_cast %get3A_199 : vector<16xf32> to vector<16xf32>
          %get3A_201 = arith.index_cast %mul3A_197 : i32 to index
          %get3A_202 = tpu.vector_load %arg18[%get3A_201] {strides = array<i32>} : memref<8192xf32, #tpu.memory_space<vmem>>, vector<16xf32>,
          %get3A_203 = vector.shape_cast %get3A_202 : vector<16xf32> to vector<16xf32>
          %mul3A_204 = arith.mulf %get3A_200, %get3A_203 : vector<16xf32>
          %add3A_205 = arith.addf %scan3A_195, %mul3A_204 : vector<16xf32>
          %scan3A_206 = arith.constant 1 : i32
          %scan3A_207 = arith.addi %scan3A_194, %scan3A_206 : i32
          %mul3A_208 = arith.constant 16 : i32
          %mul3A_209 = arith.muli %scan3A_207, %mul3A_208 : i32
          %get3A_210 = arith.index_cast %mul3A_209 : i32 to index
          %get3A_211 = tpu.vector_load %arg17[%get3A_210] {strides = array<i32>} : memref<8192xf32, #tpu.memory_space<vmem>>, vector<16xf32>,
          %get3A_212 = vector.shape_cast %get3A_211 : vector<16xf32> to vector<16xf32>
          %get3A_213 = arith.index_cast %mul3A_209 : i32 to index
          %get3A_214 = tpu.vector_load %arg18[%get3A_213] {strides = array<i32>} : memref<8192xf32, #tpu.memory_space<vmem>>, vector<16xf32>,
          %get3A_215 = vector.shape_cast %get3A_214 : vector<16xf32> to vector<16xf32>
          %mul3A_216 = arith.mulf %get3A_212, %get3A_215 : vector<16xf32>
          %add3A_217 = arith.addf %add3A_205, %mul3A_216 : vector<16xf32>
          %scan3A_218 = arith.constant 2 : i32
          %scan3A_219 = arith.addi %scan3A_194, %scan3A_218 : i32
          %mul3A_220 = arith.constant 16 : i32
          %mul3A_221 = arith.muli %scan3A_219, %mul3A_220 : i32
          %get3A_222 = arith.index_cast %mul3A_221 : i32 to index
          %get3A_223 = tpu.vector_load %arg17[%get3A_222] {strides = array<i32>} : memref<8192xf32, #tpu.memory_space<vmem>>, vector<16xf32>,
          %get3A_224 = vector.shape_cast %get3A_223 : vector<16xf32> to vector<16xf32>
          %get3A_225 = arith.index_cast %mul3A_221 : i32 to index
          %get3A_226 = tpu.vector_load %arg18[%get3A_225] {strides = array<i32>} : memref<8192xf32, #tpu.memory_space<vmem>>, vector<16xf32>,
          %get3A_227 = vector.shape_cast %get3A_226 : vector<16xf32> to vector<16xf32>
          %mul3A_228 = arith.mulf %get3A_224, %get3A_227 : vector<16xf32>
          %add3A_229 = arith.addf %add3A_217, %mul3A_228 : vector<16xf32>
          %scan3A_230 = arith.constant 3 : i32
          %scan3A_231 = arith.addi %scan3A_194, %scan3A_230 : i32
          %mul3A_232 = arith.constant 16 : i32
          %mul3A_233 = arith.muli %scan3A_231, %mul3A_232 : i32
          %get3A_234 = arith.index_cast %mul3A_233 : i32 to index
          %get3A_235 = tpu.vector_load %arg17[%get3A_234] {strides = array<i32>} : memref<8192xf32, #tpu.memory_space<vmem>>, vector<16xf32>,
          %get3A_236 = vector.shape_cast %get3A_235 : vector<16xf32> to vector<16xf32>
          %get3A_237 = arith.index_cast %mul3A_233 : i32 to index
          %get3A_238 = tpu.vector_load %arg18[%get3A_237] {strides = array<i32>} : memref<8192xf32, #tpu.memory_space<vmem>>, vector<16xf32>,
          %get3A_239 = vector.shape_cast %get3A_238 : vector<16xf32> to vector<16xf32>
          %mul3A_240 = arith.mulf %get3A_236, %get3A_239 : vector<16xf32>
          %add3A_241 = arith.addf %add3A_229, %mul3A_240 : vector<16xf32>
          %scan3A_242 = arith.constant 4 : i32
          %scan3A_243 = arith.addi %scan3A_194, %scan3A_242 : i32
          %mul3A_244 = arith.constant 16 : i32
          %mul3A_245 = arith.muli %scan3A_243, %mul3A_244 : i32
          %get3A_246 = arith.index_cast %mul3A_245 : i32 to index
          %get3A_247 = tpu.vector_load %arg17[%get3A_246] {strides = array<i32>} : memref<8192xf32, #tpu.memory_space<vmem>>, vector<16xf32>,
          %get3A_248 = vector.shape_cast %get3A_247 : vector<16xf32> to vector<16xf32>
          %get3A_249 = arith.index_cast %mul3A_245 : i32 to index
          %get3A_250 = tpu.vector_load %arg18[%get3A_249] {strides = array<i32>} : memref<8192xf32, #tpu.memory_space<vmem>>, vector<16xf32>,
          %get3A_251 = vector.shape_cast %get3A_250 : vector<16xf32> to vector<16xf32>
          %mul3A_252 = arith.mulf %get3A_248, %get3A_251 : vector<16xf32>
          %add3A_253 = arith.addf %add3A_241, %mul3A_252 : vector<16xf32>
          %scan3A_254 = arith.constant 5 : i32
          %scan3A_255 = arith.addi %scan3A_194, %scan3A_254 : i32
          %mul3A_256 = arith.constant 16 : i32
          %mul3A_257 = arith.muli %scan3A_255, %mul3A_256 : i32
          %get3A_258 = arith.index_cast %mul3A_257 : i32 to index
          %get3A_259 = tpu.vector_load %arg17[%get3A_258] {strides = array<i32>} : memref<8192xf32, #tpu.memory_space<vmem>>, vector<16xf32>,
          %get3A_260 = vector.shape_cast %get3A_259 : vector<16xf32> to vector<16xf32>
          %get3A_261 = arith.index_cast %mul3A_257 : i32 to index
          %get3A_262 = tpu.vector_load %arg18[%get3A_261] {strides = array<i32>} : memref<8192xf32, #tpu.memory_space<vmem>>, vector<16xf32>,
          %get3A_263 = vector.shape_cast %get3A_262 : vector<16xf32> to vector<16xf32>
          %mul3A_264 = arith.mulf %get3A_260, %get3A_263 : vector<16xf32>
          %add3A_265 = arith.addf %add3A_253, %mul3A_264 : vector<16xf32>
          %scan3A_266 = arith.constant 6 : i32
          %scan3A_267 = arith.addi %scan3A_194, %scan3A_266 : i32
          %mul3A_268 = arith.constant 16 : i32
          %mul3A_269 = arith.muli %scan3A_267, %mul3A_268 : i32
          %get3A_270 = arith.index_cast %mul3A_269 : i32 to index
          %get3A_271 = tpu.vector_load %arg17[%get3A_270] {strides = array<i32>} : memref<8192xf32, #tpu.memory_space<vmem>>, vector<16xf32>,
          %get3A_272 = vector.shape_cast %get3A_271 : vector<16xf32> to vector<16xf32>
          %get3A_273 = arith.index_cast %mul3A_269 : i32 to index
          %get3A_274 = tpu.vector_load %arg18[%get3A_273] {strides = array<i32>} : memref<8192xf32, #tpu.memory_space<vmem>>, vector<16xf32>,
          %get3A_275 = vector.shape_cast %get3A_274 : vector<16xf32> to vector<16xf32>
          %mul3A_276 = arith.mulf %get3A_272, %get3A_275 : vector<16xf32>
          %add3A_277 = arith.addf %add3A_265, %mul3A_276 : vector<16xf32>
          %scan3A_278 = arith.constant 7 : i32
          %scan3A_279 = arith.addi %scan3A_194, %scan3A_278 : i32
          %mul3A_280 = arith.constant 16 : i32
          %mul3A_281 = arith.muli %scan3A_279, %mul3A_280 : i32
          %get3A_282 = arith.index_cast %mul3A_281 : i32 to index
          %get3A_283 = tpu.vector_load %arg17[%get3A_282] {strides = array<i32>} : memref<8192xf32, #tpu.memory_space<vmem>>, vector<16xf32>,
          %get3A_284 = vector.shape_cast %get3A_283 : vector<16xf32> to vector<16xf32>
          %get3A_285 = arith.index_cast %mul3A_281 : i32 to index
          %get3A_286 = tpu.vector_load %arg18[%get3A_285] {strides = array<i32>} : memref<8192xf32, #tpu.memory_space<vmem>>, vector<16xf32>,
          %get3A_287 = vector.shape_cast %get3A_286 : vector<16xf32> to vector<16xf32>
          %mul3A_288 = arith.mulf %get3A_284, %get3A_287 : vector<16xf32>
          %add3A_289 = arith.addf %add3A_277, %mul3A_288 : vector<16xf32>
          scf.yield %add3A_289 : vector<16xf32>
        }
        %scan3A_189 = arith.constant 512 : i32
        %swap3A_190 = arith.constant 0 : index
        %swap3A_191 = tpu.vector_load %arg20[%swap3A_190] {strides = array<i32>} : memref<16xf32, #tpu.memory_space<vmem>>, vector<16xf32>,
        %swap3A_192 = vector.shape_cast %swap3A_191 : vector<16xf32> to vector<16xf32>
        %swap3A_193 = vector.shape_cast %scan3A_188 : vector<16xf32> to vector<16xf32>
        tpu.vector_store %arg20[%swap3A_190], %swap3A_193 {strides = array<i32>} : memref<16xf32, #tpu.memory_space<vmem>>, vector<16xf32>,
      } else {
      }
      %ge3A_176 = arith.constant 8 : i32
      %ge3A_177 = arith.cmpi sge, %add3A_110, %ge3A_176 : i32
      %convert_element_type3A_178 = arith.extui %ge3A_177 : i1 to i32
      %cond3A_179 = arith.constant 0 : i32
      %cond3A_180 = arith.cmpi ne, %convert_element_type3A_178, %cond3A_179 : i32
      scf.if %cond3A_180 {
        %get3A_181 = arith.constant 0 : index
        %get3A_182 = tpu.vector_load %arg21[%get3A_181] {strides = array<i32>} : memref<16xf32, #tpu.memory_space<vmem>>, vector<16xf32>,
        %get3A_183 = vector.shape_cast %get3A_182 : vector<16xf32> to vector<16xf32>
        %scan3A_184 = arith.constant 0 : i32
        %scan3A_185 = arith.constant 512 : i32
        %scan3A_186 = arith.addi %scan3A_184, %scan3A_185 : i32
        %scan3A_187 = arith.constant 8 : i32
        %scan3A_188 = scf.for %scan3A_194 = %scan3A_184 to %scan3A_186 step %scan3A_187 iter_args(%scan3A_195 = %get3A_183) -> (vector<16xf32>)  : i32 {
          %mul3A_196 = arith.constant 16 : i32
          %mul3A_197 = arith.muli %scan3A_194, %mul3A_196 : i32
          %get3A_198 = arith.index_cast %mul3A_197 : i32 to index
          %get3A_199 = tpu.vector_load %arg17[%get3A_198] {strides = array<i32>} : memref<8192xf32, #tpu.memory_space<vmem>>, vector<16xf32>,
          %get3A_200 = vector.shape_cast %get3A_199 : vector<16xf32> to vector<16xf32>
          %get3A_201 = arith.index_cast %mul3A_197 : i32 to index
          %get3A_202 = tpu.vector_load %arg18[%get3A_201] {strides = array<i32>} : memref<8192xf32, #tpu.memory_space<vmem>>, vector<16xf32>,
          %get3A_203 = vector.shape_cast %get3A_202 : vector<16xf32> to vector<16xf32>
          %div3A_204 = arith.divf %get3A_200, %get3A_203 : vector<16xf32>
          %add3A_205 = arith.addf %scan3A_195, %div3A_204 : vector<16xf32>
          %scan3A_206 = arith.constant 1 : i32
          %scan3A_207 = arith.addi %scan3A_194, %scan3A_206 : i32
          %mul3A_208 = arith.constant 16 : i32
          %mul3A_209 = arith.muli %scan3A_207, %mul3A_208 : i32
          %get3A_210 = arith.index_cast %mul3A_209 : i32 to index
          %get3A_211 = tpu.vector_load %arg17[%get3A_210] {strides = array<i32>} : memref<8192xf32, #tpu.memory_space<vmem>>, vector<16xf32>,
          %get3A_212 = vector.shape_cast %get3A_211 : vector<16xf32> to vector<16xf32>
          %get3A_213 = arith.index_cast %mul3A_209 : i32 to index
          %get3A_214 = tpu.vector_load %arg18[%get3A_213] {strides = array<i32>} : memref<8192xf32, #tpu.memory_space<vmem>>, vector<16xf32>,
          %get3A_215 = vector.shape_cast %get3A_214 : vector<16xf32> to vector<16xf32>
          %div3A_216 = arith.divf %get3A_212, %get3A_215 : vector<16xf32>
          %add3A_217 = arith.addf %add3A_205, %div3A_216 : vector<16xf32>
          %scan3A_218 = arith.constant 2 : i32
          %scan3A_219 = arith.addi %scan3A_194, %scan3A_218 : i32
          %mul3A_220 = arith.constant 16 : i32
          %mul3A_221 = arith.muli %scan3A_219, %mul3A_220 : i32
          %get3A_222 = arith.index_cast %mul3A_221 : i32 to index
          %get3A_223 = tpu.vector_load %arg17[%get3A_222] {strides = array<i32>} : memref<8192xf32, #tpu.memory_space<vmem>>, vector<16xf32>,
          %get3A_224 = vector.shape_cast %get3A_223 : vector<16xf32> to vector<16xf32>
          %get3A_225 = arith.index_cast %mul3A_221 : i32 to index
          %get3A_226 = tpu.vector_load %arg18[%get3A_225] {strides = array<i32>} : memref<8192xf32, #tpu.memory_space<vmem>>, vector<16xf32>,
          %get3A_227 = vector.shape_cast %get3A_226 : vector<16xf32> to vector<16xf32>
          %div3A_228 = arith.divf %get3A_224, %get3A_227 : vector<16xf32>
          %add3A_229 = arith.addf %add3A_217, %div3A_228 : vector<16xf32>
          %scan3A_230 = arith.constant 3 : i32
          %scan3A_231 = arith.addi %scan3A_194, %scan3A_230 : i32
          %mul3A_232 = arith.constant 16 : i32
          %mul3A_233 = arith.muli %scan3A_231, %mul3A_232 : i32
          %get3A_234 = arith.index_cast %mul3A_233 : i32 to index
          %get3A_235 = tpu.vector_load %arg17[%get3A_234] {strides = array<i32>} : memref<8192xf32, #tpu.memory_space<vmem>>, vector<16xf32>,
          %get3A_236 = vector.shape_cast %get3A_235 : vector<16xf32> to vector<16xf32>
          %get3A_237 = arith.index_cast %mul3A_233 : i32 to index
          %get3A_238 = tpu.vector_load %arg18[%get3A_237] {strides = array<i32>} : memref<8192xf32, #tpu.memory_space<vmem>>, vector<16xf32>,
          %get3A_239 = vector.shape_cast %get3A_238 : vector<16xf32> to vector<16xf32>
          %div3A_240 = arith.divf %get3A_236, %get3A_239 : vector<16xf32>
          %add3A_241 = arith.addf %add3A_229, %div3A_240 : vector<16xf32>
          %scan3A_242 = arith.constant 4 : i32
          %scan3A_243 = arith.addi %scan3A_194, %scan3A_242 : i32
          %mul3A_244 = arith.constant 16 : i32
          %mul3A_245 = arith.muli %scan3A_243, %mul3A_244 : i32
          %get3A_246 = arith.index_cast %mul3A_245 : i32 to index
          %get3A_247 = tpu.vector_load %arg17[%get3A_246] {strides = array<i32>} : memref<8192xf32, #tpu.memory_space<vmem>>, vector<16xf32>,
          %get3A_248 = vector.shape_cast %get3A_247 : vector<16xf32> to vector<16xf32>
          %get3A_249 = arith.index_cast %mul3A_245 : i32 to index
          %get3A_250 = tpu.vector_load %arg18[%get3A_249] {strides = array<i32>} : memref<8192xf32, #tpu.memory_space<vmem>>, vector<16xf32>,
          %get3A_251 = vector.shape_cast %get3A_250 : vector<16xf32> to vector<16xf32>
          %div3A_252 = arith.divf %get3A_248, %get3A_251 : vector<16xf32>
          %add3A_253 = arith.addf %add3A_241, %div3A_252 : vector<16xf32>
          %scan3A_254 = arith.constant 5 : i32
          %scan3A_255 = arith.addi %scan3A_194, %scan3A_254 : i32
          %mul3A_256 = arith.constant 16 : i32
          %mul3A_257 = arith.muli %scan3A_255, %mul3A_256 : i32
          %get3A_258 = arith.index_cast %mul3A_257 : i32 to index
          %get3A_259 = tpu.vector_load %arg17[%get3A_258] {strides = array<i32>} : memref<8192xf32, #tpu.memory_space<vmem>>, vector<16xf32>,
          %get3A_260 = vector.shape_cast %get3A_259 : vector<16xf32> to vector<16xf32>
          %get3A_261 = arith.index_cast %mul3A_257 : i32 to index
          %get3A_262 = tpu.vector_load %arg18[%get3A_261] {strides = array<i32>} : memref<8192xf32, #tpu.memory_space<vmem>>, vector<16xf32>,
          %get3A_263 = vector.shape_cast %get3A_262 : vector<16xf32> to vector<16xf32>
          %div3A_264 = arith.divf %get3A_260, %get3A_263 : vector<16xf32>
          %add3A_265 = arith.addf %add3A_253, %div3A_264 : vector<16xf32>
          %scan3A_266 = arith.constant 6 : i32
          %scan3A_267 = arith.addi %scan3A_194, %scan3A_266 : i32
          %mul3A_268 = arith.constant 16 : i32
          %mul3A_269 = arith.muli %scan3A_267, %mul3A_268 : i32
          %get3A_270 = arith.index_cast %mul3A_269 : i32 to index
          %get3A_271 = tpu.vector_load %arg17[%get3A_270] {strides = array<i32>} : memref<8192xf32, #tpu.memory_space<vmem>>, vector<16xf32>,
          %get3A_272 = vector.shape_cast %get3A_271 : vector<16xf32> to vector<16xf32>
          %get3A_273 = arith.index_cast %mul3A_269 : i32 to index
          %get3A_274 = tpu.vector_load %arg18[%get3A_273] {strides = array<i32>} : memref<8192xf32, #tpu.memory_space<vmem>>, vector<16xf32>,
          %get3A_275 = vector.shape_cast %get3A_274 : vector<16xf32> to vector<16xf32>
          %div3A_276 = arith.divf %get3A_272, %get3A_275 : vector<16xf32>
          %add3A_277 = arith.addf %add3A_265, %div3A_276 : vector<16xf32>
          %scan3A_278 = arith.constant 7 : i32
          %scan3A_279 = arith.addi %scan3A_194, %scan3A_278 : i32
          %mul3A_280 = arith.constant 16 : i32
          %mul3A_281 = arith.muli %scan3A_279, %mul3A_280 : i32
          %get3A_282 = arith.index_cast %mul3A_281 : i32 to index
          %get3A_283 = tpu.vector_load %arg17[%get3A_282] {strides = array<i32>} : memref<8192xf32, #tpu.memory_space<vmem>>, vector<16xf32>,
          %get3A_284 = vector.shape_cast %get3A_283 : vector<16xf32> to vector<16xf32>
          %get3A_285 = arith.index_cast %mul3A_281 : i32 to index
          %get3A_286 = tpu.vector_load %arg18[%get3A_285] {strides = array<i32>} : memref<8192xf32, #tpu.memory_space<vmem>>, vector<16xf32>,
          %get3A_287 = vector.shape_cast %get3A_286 : vector<16xf32> to vector<16xf32>
          %div3A_288 = arith.divf %get3A_284, %get3A_287 : vector<16xf32>
          %add3A_289 = arith.addf %add3A_277, %div3A_288 : vector<16xf32>
          scf.yield %add3A_289 : vector<16xf32>
        }
        %scan3A_189 = arith.constant 512 : i32
        %swap3A_190 = arith.constant 0 : index
        %swap3A_191 = tpu.vector_load %arg21[%swap3A_190] {strides = array<i32>} : memref<16xf32, #tpu.memory_space<vmem>>, vector<16xf32>,
        %swap3A_192 = vector.shape_cast %swap3A_191 : vector<16xf32> to vector<16xf32>
        %swap3A_193 = vector.shape_cast %scan3A_188 : vector<16xf32> to vector<16xf32>
        tpu.vector_store %arg21[%swap3A_190], %swap3A_193 {strides = array<i32>} : memref<16xf32, #tpu.memory_space<vmem>>, vector<16xf32>,
      } else {
      }
    }
    %scan3A_91 = arith.constant 8 : i32
    %get3A = arith.constant 0 : index
    %get3A_92 = tpu.vector_load %arg20[%get3A] {strides = array<i32>} : memref<16xf32, #tpu.memory_space<vmem>>, vector<16xf32>,
    %get3A_93 = vector.shape_cast %get3A_92 : vector<16xf32> to vector<16xf32>
    %swap3A_94 = arith.constant 0 : index
    %swap3A_95 = tpu.vector_load %arg19[%swap3A_94] {strides = array<i32>} : memref<16xf32, #tpu.memory_space<vmem>>, vector<16xf32>,
    %swap3A_96 = vector.shape_cast %swap3A_95 : vector<16xf32> to vector<16xf32>
    %swap3A_97 = vector.shape_cast %get3A_93 : vector<16xf32> to vector<16xf32>
    tpu.vector_store %arg19[%swap3A_94], %swap3A_97 {strides = array<i32>} : memref<16xf32, #tpu.memory_space<vmem>>, vector<16xf32>,
    %run_scoped3A = arith.constant 0 : i32
    "tpu.region"() ({
      %run_scoped3A_106 = tpu.sem_alloc : memref<!tpu.dma_semaphore, #tpu.memory_space<semaphore_mem>>
      %dma_start3A_107 = arith.constant 0 : i32
      %dma_start3A_108 = tpu.memref_slice %arg8[%add3A, %run_scoped3A, %dma_start3A_107] : memref<32x2x16xf32, #tpu.memory_space<hbm>> -> memref<1x1x16xf32, #tpu.memory_space<hbm>>
      %dma_start3A_109 = tpu.memref_squeeze %dma_start3A_108 : memref<1x1x16xf32, #tpu.memory_space<hbm>> -> memref<16xf32, #tpu.memory_space<hbm>>
      %dma_start3A_110 = arith.constant 0 : i32
      %dma_start3A_111 = tpu.memref_slice %arg8[%add3A, %run_scoped3A, %dma_start3A_110] : memref<32x2x16xf32, #tpu.memory_space<hbm>> -> memref<1x1x16xf32, #tpu.memory_space<hbm>>
      %dma_start3A_112 = tpu.memref_squeeze %dma_start3A_111 : memref<1x1x16xf32, #tpu.memory_space<hbm>> -> memref<16xf32, #tpu.memory_space<hbm>>
      tpu.enqueue_dma source(%arg19 : memref<16xf32, #tpu.memory_space<vmem>>) target(%dma_start3A_112 : memref<16xf32, #tpu.memory_space<hbm>>) target_semaphore(%run_scoped3A_106 : memref<!tpu.dma_semaphore, #tpu.memory_space<semaphore_mem>>)
      %dma_wait3A_113 = arith.constant 0 : i32
      %dma_wait3A_114 = tpu.memref_slice %arg8[%add3A, %run_scoped3A, %dma_wait3A_113] : memref<32x2x16xf32, #tpu.memory_space<hbm>> -> memref<1x1x16xf32, #tpu.memory_space<hbm>>
      %dma_wait3A_115 = tpu.memref_squeeze %dma_wait3A_114 : memref<1x1x16xf32, #tpu.memory_space<hbm>> -> memref<16xf32, #tpu.memory_space<hbm>>
      %dma_wait3A_116 = arith.constant 0 : i32
      %dma_wait3A_117 = tpu.memref_slice %arg8[%add3A, %run_scoped3A, %dma_wait3A_116] : memref<32x2x16xf32, #tpu.memory_space<hbm>> -> memref<1x1x16xf32, #tpu.memory_space<hbm>>
      %dma_wait3A_118 = tpu.memref_squeeze %dma_wait3A_117 : memref<1x1x16xf32, #tpu.memory_space<hbm>> -> memref<16xf32, #tpu.memory_space<hbm>>
      tpu.wait_dma2 semaphore(%run_scoped3A_106 : memref<!tpu.dma_semaphore, #tpu.memory_space<semaphore_mem>>) src(%arg19 : memref<16xf32, #tpu.memory_space<vmem>>) dst(%dma_wait3A_118 : memref<16xf32, #tpu.memory_space<hbm>>)
      tpu.yield
    }) : () -> ()
    %get3A_98 = arith.constant 0 : index
    %get3A_99 = tpu.vector_load %arg21[%get3A_98] {strides = array<i32>} : memref<16xf32, #tpu.memory_space<vmem>>, vector<16xf32>,
    %get3A_100 = vector.shape_cast %get3A_99 : vector<16xf32> to vector<16xf32>
    %swap3A_101 = arith.constant 0 : index
    %swap3A_102 = tpu.vector_load %arg19[%swap3A_101] {strides = array<i32>} : memref<16xf32, #tpu.memory_space<vmem>>, vector<16xf32>,
    %swap3A_103 = vector.shape_cast %swap3A_102 : vector<16xf32> to vector<16xf32>
    %swap3A_104 = vector.shape_cast %get3A_100 : vector<16xf32> to vector<16xf32>
    tpu.vector_store %arg19[%swap3A_101], %swap3A_104 {strides = array<i32>} : memref<16xf32, #tpu.memory_space<vmem>>, vector<16xf32>,
    %run_scoped3A_105 = arith.constant 1 : i32
    "tpu.region"() ({
      %run_scoped3A_106 = tpu.sem_alloc : memref<!tpu.dma_semaphore, #tpu.memory_space<semaphore_mem>>
      %dma_start3A_107 = arith.constant 0 : i32
      %dma_start3A_108 = tpu.memref_slice %arg8[%add3A, %run_scoped3A_105, %dma_start3A_107] : memref<32x2x16xf32, #tpu.memory_space<hbm>> -> memref<1x1x16xf32, #tpu.memory_space<hbm>>
      %dma_start3A_109 = tpu.memref_squeeze %dma_start3A_108 : memref<1x1x16xf32, #tpu.memory_space<hbm>> -> memref<16xf32, #tpu.memory_space<hbm>>
      %dma_start3A_110 = arith.constant 0 : i32
      %dma_start3A_111 = tpu.memref_slice %arg8[%add3A, %run_scoped3A_105, %dma_start3A_110] : memref<32x2x16xf32, #tpu.memory_space<hbm>> -> memref<1x1x16xf32, #tpu.memory_space<hbm>>
      %dma_start3A_112 = tpu.memref_squeeze %dma_start3A_111 : memref<1x1x16xf32, #tpu.memory_space<hbm>> -> memref<16xf32, #tpu.memory_space<hbm>>
      tpu.enqueue_dma source(%arg19 : memref<16xf32, #tpu.memory_space<vmem>>) target(%dma_start3A_112 : memref<16xf32, #tpu.memory_space<hbm>>) target_semaphore(%run_scoped3A_106 : memref<!tpu.dma_semaphore, #tpu.memory_space<semaphore_mem>>)
      %dma_wait3A_113 = arith.constant 0 : i32
      %dma_wait3A_114 = tpu.memref_slice %arg8[%add3A, %run_scoped3A_105, %dma_wait3A_113] : memref<32x2x16xf32, #tpu.memory_space<hbm>> -> memref<1x1x16xf32, #tpu.memory_space<hbm>>
      %dma_wait3A_115 = tpu.memref_squeeze %dma_wait3A_114 : memref<1x1x16xf32, #tpu.memory_space<hbm>> -> memref<16xf32, #tpu.memory_space<hbm>>
      %dma_wait3A_116 = arith.constant 0 : i32
      %dma_wait3A_117 = tpu.memref_slice %arg8[%add3A, %run_scoped3A_105, %dma_wait3A_116] : memref<32x2x16xf32, #tpu.memory_space<hbm>> -> memref<1x1x16xf32, #tpu.memory_space<hbm>>
      %dma_wait3A_118 = tpu.memref_squeeze %dma_wait3A_117 : memref<1x1x16xf32, #tpu.memory_space<hbm>> -> memref<16xf32, #tpu.memory_space<hbm>>
      tpu.wait_dma2 semaphore(%run_scoped3A_106 : memref<!tpu.dma_semaphore, #tpu.memory_space<semaphore_mem>>) src(%arg19 : memref<16xf32, #tpu.memory_space<vmem>>) dst(%dma_wait3A_118 : memref<16xf32, #tpu.memory_space<hbm>>)
      tpu.yield
    }) : () -> ()
    return
  }
}

</mosaic_0001>

<sc_bundles>
// kernel: kernel.3.cloned.1.call-start
scs
__scs_entry_jumppad:
0x0: {  	(pc) =	sbr.rel $0x88, $3  }
0x1: {  	(tag) =	ssettag $0x0;
	lr =	simm.s32 $0x1  }
0x2: {  	[smem:$0x3F9B] =	sst lr;
	_ =	strace $0xD0000000  }
0x3: {  	_ = 	snop  }
0x4: {  	_ = 	snop  }
0x5: {  	_ = 	snop  }
0x6: {  	_ = 	snop  }
0x7: {  	_ = 	snop  }
__scs_overlays_trampoline_lowered:
0x8: {  	[smem:$0x3FAA] =	sst s0  }
0x9: {  	[smem:$0x3FAB] =	sst s1  }
0xa: {  	[smem:$0x3FAC] =	sst s2  }
0xb: {  	[smem:$0x3FAD] =	sst s3  }
0xc: {  	[smem:$0x3FAE] =	sst s4  }
0xd: {  	[smem:$0x3FAF] =	sst s5  }
0xe: {  	[smem:$0x3FB0] =	sst s6  }
0xf: {  	[smem:$0x3FB1] =	sst s7  }
0x10: {  	[smem:$0x3FB2] =	sst s8  }
0x11: {  	[smem:$0x3FB3] =	sst s9;
	s0 =	simm.s32 @!p0 $0x0  }
0x12: {  	s1 =	sld [smem:$0x3F99];
	s0 =	simm.s32 @p0 $0x1  }
0x13: {  	[smem:$0x3FB4] =	sst s0;
	s0 =	simm.s32 @!p1 $0x0  }
0x14: {  	s2 =	sld [smem:$0x3F98];
	s0 =	simm.s32 @p1 $0x1  }
0x15: {  	[smem:$0x3FB5] =	sst s0;
	s0 =	simm.s32 @!p2 $0x0  }
0x16: {  	s3 =	sld [smem:$0x3FDB];
	s0 =	simm.s32 @p2 $0x1  }
0x17: {  	s4 =	simm.s32 $0x1BF5;
	[smem:$0x3FB7] =	sst s0  }
0x18: {  	s0 =	sld [smem:$0x3F9A];
	_ =	swait.ge [sflag:s4], $0x0  }
0x19: {  	s7 =	sld [smem:$0x3F9B]  }
0x1a: {  	s8 =	sadd.s32 $0xFFFFE003, lr  }
0x1b: {  	s9 =	sadd.s32 $0xFFFFFEF7, lr;
	s5 =	simm.s32 $0xFFFFFFFF;
	p2 =	slt.u32 s8, $0xFFFFF086  }
0x1c: {  	p1 =	slt.u32 s9, $0xF7A;
	s5 =	simm.s32 @!p2 $0x0  }
0x1d: {  	s5 =	simm.s32 @p1 $0x1;
	p0 =	seq.s32 s7, s2  }
0x1e: {  	s7 =	smul.u32 @!p0 $0xF7A, s2;
	p2 =	seq.s32 @!p0 s5, $0x0  }
0x1f: {  	s9 =	smul.u32 $0xF7A, s1;
	s8 =	simm.s32 @!p0 $0x1BF5;
	p2 =	por !p2, p0  }
0x20: {  	[sflag:s8] =	ssyncset.s32 @!p0 $0xFFFFF086;
	s6 =	sadd.s32 @!p0 s3, s7;
	s7 =	simm.s32 @!p0 $0x108  }
0x21: {  	s3 =	sadd.s32 s3, s9;
	s6 =	sadd.s32 @!p0 $0x88, s6;
	s7 =	simm.s32 @p2 $0x1082  }
0x22: {  	[simem:s7], [sflag:s8] =	dma.local @!p0 [hbm:s6], $0xF7A  }
0x23: {  	s9 =	sor.u32 $0xD0000000, s2;
	s6 =	simm.s32 $0x108;
	_ =	swait.ge @!p0 [sflag:s8], $0x0  }
0x24: {  	s3 =	sadd.s32 $0x88, s3;
	s6 =	simm.s32 @!p1 $0x1082;
	[sflag:s4] =	ssyncset.s32 $0xFFFFF086  }
0x25: {  	[simem:s6], [sflag:s4] =	dma.local [hbm:s3], $0xF7A  }
0x26: {  	[smem:$0x3F9B] =	sst s1;
	(tag) =	ssettag s2;
	_ =	strace s9  }
0x27: {  	s1 =	sld [smem:$0x3FAB]  }
0x28: {  	s2 =	sld [smem:$0x3FAC]  }
0x29: {  	s4 =	sld [smem:$0x3FAE]  }
0x2a: {  	p0 =	seq.s32 s5, $0x0;
	s5 =	sld [smem:$0x3FAF]  }
0x2b: {  	s6 =	sld [smem:$0x3FB0]  }
0x2c: {  	s7 =	sld [smem:$0x3FB1]  }
0x2d: {  	s3 =	simm.s32 $0x108;
	s8 =	sld [smem:$0x3FB2]  }
0x2e: {  	s3 =	simm.s32 @!p0 $0x1082;
	s9 =	sld [smem:$0x3FB3]  }
0x2f: {  	lr =	sadd.s32 s0, s3;
	s0 =	sld [smem:$0x3FAA]  }
0x30: {  	s3 =	sld [smem:$0x3FAD]  }
0x31: {  	[smem:$0x3FB6] =	sst s10  }
0x32: {  	s10 =	sld [smem:$0x3FB4];
	_ =	sdelay $0x3  }
0x33: {  	p0 =	seq.s32 s10, $0x1;
	s10 =	sld [smem:$0x3FB6];
	_ =	sdelay $0x3  }
0x34: {  	[smem:$0x3FB6] =	sst s10  }
0x35: {  	s10 =	sld [smem:$0x3FB5];
	_ =	sdelay $0x3  }
0x36: {  	p1 =	seq.s32 s10, $0x1;
	s10 =	sld [smem:$0x3FB6];
	_ =	sdelay $0x3  }
0x37: {  	[smem:$0x3FB6] =	sst s10  }
0x38: {  	s10 =	sld [smem:$0x3FB7]  }
0x39: {  	_ = 	snop;
	(pc) =	sbr.ind lr, $3  }
0x3a: {  	_ = 	snop  }
0x3b: {  	_ = 	snop  }
0x3c: {  	p2 =	seq.s32 s10, $0x1;
	s10 =	sld [smem:$0x3FB6]  }
0x3d: {  	_ =	shalt  }
0x3e: {  	_ =	shalt  }
0x3f: {  	_ =	shalt  }
0x40: {  	_ =	shalt  }
0x41: {  	_ =	shalt  }
0x42: {  	_ =	shalt  }
0x43: {  	_ =	shalt  }
0x44: {  	_ =	shalt  }
0x45: {  	_ =	shalt  }
0x46: {  	_ =	shalt  }
0x47: {  	_ =	shalt  }
0x48: {  	_ =	shalt  }
0x49: {  	_ =	shalt  }
0x4a: {  	_ =	shalt  }
0x4b: {  	_ =	shalt  }
0x4c: {  	_ =	shalt  }
0x4d: {  	_ =	shalt  }
0x4e: {  	_ =	shalt  }
0x4f: {  	_ =	shalt  }
0x50: {  	_ =	shalt  }
0x51: {  	_ =	shalt  }
0x52: {  	_ =	shalt  }
0x53: {  	_ =	shalt  }
0x54: {  	_ =	shalt  }
0x55: {  	_ =	shalt  }
0x56: {  	_ =	shalt  }
0x57: {  	_ =	shalt  }
0x58: {  	_ =	shalt  }
0x59: {  	_ =	shalt  }
0x5a: {  	_ =	shalt  }
0x5b: {  	_ =	shalt  }
0x5c: {  	_ =	shalt  }
0x5d: {  	_ =	shalt  }
0x5e: {  	_ =	shalt  }
0x5f: {  	_ =	shalt  }
0x60: {  	_ =	shalt  }
0x61: {  	_ =	shalt  }
0x62: {  	_ =	shalt  }
0x63: {  	_ =	shalt  }
0x64: {  	_ =	shalt  }
0x65: {  	_ =	shalt  }
0x66: {  	_ =	shalt  }
0x67: {  	_ =	shalt  }
0x68: {  	_ =	shalt  }
0x69: {  	_ =	shalt  }
0x6a: {  	_ =	shalt  }
0x6b: {  	_ =	shalt  }
0x6c: {  	_ =	shalt  }
0x6d: {  	_ =	shalt  }
0x6e: {  	_ =	shalt  }
0x6f: {  	_ =	shalt  }
0x70: {  	_ =	shalt  }
0x71: {  	_ =	shalt  }
0x72: {  	_ =	shalt  }
0x73: {  	_ =	shalt  }
0x74: {  	_ =	shalt  }
0x75: {  	_ =	shalt  }
0x76: {  	_ =	shalt  }
0x77: {  	_ =	shalt  }
0x78: {  	_ =	shalt  }
0x79: {  	_ =	shalt  }
0x7a: {  	_ =	shalt  }
0x7b: {  	_ =	shalt  }
0x7c: {  	_ =	shalt  }
0x7d: {  	_ =	shalt  }
0x7e: {  	_ =	shalt  }
0x7f: {  	_ =	shalt  }
0x80: {  	_ =	shalt  }
0x81: {  	_ =	shalt  }
0x82: {  	_ =	shalt  }
0x83: {  	_ =	shalt  }
0x84: {  	_ =	shalt  }
0x85: {  	_ =	shalt  }
0x86: {  	_ =	shalt  }
0x87: {  	_ =	shalt  }
.Lfunc_end0:
.L_simem_size_0:
called_computation_lowered:
.L_overlay_start_0:
0x88: {  	s2 =	sld [smem:$0x3FD9]  }
0x89: {  	s3 =	sld [smem:$0x3FFE];
	_ =	sdelay $0x1  }
0x8a: {  	s1 =	srdreg.scid  }
0x8b: {  	s0 =	sand.u32 $0x1, s1  }
0x8c: {  	s17 =	sshll.u32 s0, $0xA;
	s2 =	sadd.s32 s3, s2  }
0x8d: {  	s2 =	sadd.s32 s2, s17  }
0x8e: {  	[smem:$0x3FC2] =	sst s2  }
0x8f: {  	_ = 	snop  }
0x90: {  	s2 =	sld [smem:$0x3FC9]  }
0x91: {  	s18 =	sld [smem:$0x3FC8]  }
0x92: {  	s4 =	sld [smem:$0x3FC7]  }
0x93: {  	s5 =	sld [smem:$0x3FC6]  }
0x94: {  	s6 =	sld [smem:$0x3FC5]  }
0x95: {  	s7 =	sld [smem:$0x3FC4];
	(tm) =	ssettm $0x1  }
0x96: {  	s8 =	sld [smem:$0x3FFB];
	_ =	sdelay $0x3  }
0x97: {  	_ =	strace s8  }
0x98: {  	s8 =	sld [smem:$0x3FFC];
	_ =	sdelay $0x3  }
0x99: {  	_ =	strace s8  }
0x9a: {  	s8 =	sld [smem:$0x3FFD];
	_ =	sdelay $0x3  }
0x9b: {  	_ =	strace s8  }
0x9c: {  	_ =	strace $0x8FFFFFFF  }
0x9d: {  	s19 =	sld [smem:$0x3FDB];
	_ =	sdelay $0x1  }
0x9e: {  	s9 =	simm.s32 $_scs_section_size  }
0x9f: {  	s10 =	simm.s32 $_size__tile_overlayer_lowered;
	s11 =	simm.s32 $_tile_overlayer_lowered  }
0xa0: {  	s22 =	simm.s32 $0x1BFF;
	s21 =	sshll.u32 s11, $0x1;
	s8 =	sadd.s32 s9, s19  }
0xa1: {  	s12 =	simm.s32 $0x0;
	s20 =	sshll.u32 s10, $0x1;
	s10 =	sadd.s32 s21, s8  }
0xa2: {  	[timem:s12], [sflag:s22] =	dma.local [hbm:s10], s20  }
0xa3: {  	_ =	swait.ge [sflag:s22], s20  }
0xa4: {  	s9 =	ssub.s32 $0x0, s20;
	[sflag:s22] =	ssyncset.done $0x0  }
0xa5: {  	[sflag:s22] =	ssyncadd.s32 s9;
	_ =	sdelay $0x1  }
0xa6: {  	s23 =	simm.s32 $0x1B8B  }
0xa7: {  	_ =	swait.ge [sflag:s23], $0x1  }
0xa8: {  	[sflag:s23] =	ssyncset.done $0x0  }
0xa9: {  	s25 =	simm.s32 $0x1B8E;
	s24 =	sld [smem:$0x3FFE];
	[sflag:s23] =	ssyncadd.s32 $0xFFFFFFFF  }
0xaa: {  	s26 =	simm.s32 $execute0_lowered;
	[smem:$0x3FD2] =	sst s25  }
0xab: {  	s10 =	sshll.u32 s26, $0x1;
	_ =	strace $0x80000046;
	[dreg:$0x1] =	wrdreg $0xFFFFFFFF  }
0xac: {  	s28 =	simm.s32 $_size_execute0_lowered;
	s8 =	sadd.s32 s8, s10;
	[dreg:$0x0] =	wrdreg $0x0  }
0xad: {  	s10 =	sshll.u32 s28, $0x1;
	[dreg:$0x2] =	wrdreg s8  }
0xae: {  	[dreg:$0x3] =	wrdreg s10  }
0xaf: {  	[dreg:$0x4] =	wrdreg $0xC0  }
0xb0: {  	_ =	task [dreg:s12], $0x5FFFF  }
0xb1: {  	[dreg:$0x1] =	wrdreg $0xFFFFFFFF  }
0xb2: {  	[dreg:$0x0] =	wrdreg $0x60  }
0xb3: {  	[dreg:$0x2] =	wrdreg s2  }
0xb4: {  	[dreg:$0x3] =	wrdreg s18  }
0xb5: {  	[dreg:$0x4] =	wrdreg s4  }
0xb6: {  	[dreg:$0x5] =	wrdreg s5  }
0xb7: {  	[dreg:$0x6] =	wrdreg s6  }
0xb8: {  	[dreg:$0x7] =	wrdreg s7  }
0xb9: {  	[dreg:$0x8] =	wrdreg s24  }
0xba: {  	[dreg:$0x9] =	wrdreg $0x9  }
0xbb: {  	_ =	task.clear_ibuf [dreg:s12], $0xAFFFF;
	_ =	strace $0x90000046  }
0xbc: {  	s29 =	simm.s32 $0x9;
	_ =	strace $0x80000048  }
0xbd: {  	_ =	swait.ge [sflag:s29], $0x1  }
0xbe: {  	[sflag:s29] =	ssyncadd.s32 $0xFFFFFFFF  }
0xbf: {  	_ =	strace $0x90000048  }
0xc0: {  	_ =	sfence  }
0xc1: {  	s30 =	sld [smem:$0x0];
	_ =	sdelay $0x2  }
0xc2: {  	s31 =	sshll.u32 s1, $0xD;
	s1 =	sshrl.u32 s1, $0x2  }
0xc3: {  	s3 =	sand.u32 $0x4000, s31;
	s1 =	sadd.s32 s1, s30  }
0xc4: {  	s0 =	sor.u32 s3, s0;
	s1 =	sshll.u32 s1, $0x11  }
0xc5: {  	s0 =	sor.u32 s1, s0  }
0xc6: {  	s0 =	sadd.s32 $0x8F2B, s0  }
0xc7: {  	[sflag:s0] =	ssyncadd.remote.s32 $0x1  }
0xc8: {  	_ =	sfence.sel $0xFFFF  }
0xc9: {  	[dreg:$0x0] =	wrdreg $0xFFFFFFFF;
	(pc) =	sbr.abs _section_cstart, $3  }
0xca: {  	[dreg:$0x1] =	wrdreg $0xFFFFFFFF  }
0xcb: {  	_ =	task.clear_ibuf [dreg:s12], $0x2FFFF;
	_ =	strace $0x9FFFFFFF  }
0xcc: {  	(tm) =	ssettm $0x7FFFFFFF  }
0xcd: {  	_ =	shalt  }
tec
execute0_lowered:
.L_overlay_start_1:
0x0: {  	(tag) =	ssettag $0x1  }
0x1: {  	s0 =	rddreg [dreg:$0x0]  }
0x2: {  	s1 =	rddreg [dreg:$0x1]  }
0x3: {  	s17 =	rddreg [dreg:$0x2]  }
0x4: {  	s19 =	rddreg [dreg:$0x3]  }
0x5: {  	s5 =	rddreg [dreg:$0x4];
	s2 =	srdreg.scid  }
0x6: {  	s6 =	stileid.u32;
	s7 =	rddreg [dreg:$0x5]  }
0x7: {  	s4 =	rddreg [dreg:$0x6];
	s10 =	simm.s32 $0x0;
	s23 =	simm.s32 $0x2000  }
0x8: {  	s24 =	simm.s32 $0x1;
	s28 =	simm.s32 $0xE000;
	s31 =	simm.s32 $0x2  }
0x9: {  	s29 =	simm.s32 $0x12000;
	s30 =	simm.s32 $0x3;
	s2 =	sand.u32 $0x1, s2  }
0xa: {  	s3 =	sshll.u32 s6, $0x1;
	s6 =	sshrl.u32 s6, $0x1;
	[smem:$0x7FF] =	sst s10  }
0xb: {  	s10 =	simm.s32 $0x4;
	s3 =	sor.u32 s2, s3;
	s9 =	sshll.u32 s6, $0x7  }
0xc: {  	s2 =	ssub.s32 $0x2, s2;
	_ =	strace $0x80000047;
	s22 =	sshll.u32 s6, $0x16  }
0xd: {  	s8 =	sshll.u32 s3, $0x13;
	s11 =	sshrl.u32 s2, $0x1;
	s3 =	sshll.u32 s3, $0x5  }
0xe: {  	s8 =	sand.u32 $0x180000, s8;
	s2 =	ssub.s32 s2, s11;
	s4 =	sadd.s32 s4, s3  }
0xf: {  	s3 =	simm.s32 $0x0;
	s21 =	sor.u32 s9, s8;
	s15 =	sadd.s32 $0xFFFB0000, s8  }
0x10: {  	[dreg:$0xc] =	wrdreg s4;
	s4 =	sadd.s32 $0x10, s4;
	s2 =	smax.u32 s2, $0x1  }
0x11: {  	s20 =	sadd.s32 $0xFFFA0000, s8;
	s8 =	simm.s32 $0x0;
	s12 =	sshrl.u32 s21, $0x3  }
0x12: {  	s14 =	sor.u32 $0x20000, s21;
	s16 =	sor.u32 $0x30000, s21;
	[dreg:$0xd] =	wrdreg s4  }
.Ltmp0:
0x13: {  	[dreg:$0xe] =	wrdreg s2;
	s13 =	sadd.s32 s17, s12;
	(pc) =	sbr.rel .LBB2_1-.Ltmp0, $4  }
0x14: {  	s25 =	sor.u32 $0x2000, s12;
	s12 =	sadd.s32 s19, s12;
	[dreg:$0x8] =	wrdreg s13  }
0x15: {  	s2 =	simm.s32 $0x10000;
	[dreg:$0x9] =	wrdreg s12;
	s26 =	sadd.s32 s17, s25  }
0x16: {  	s6 =	sadd.s32 s19, s25;
	s25 =	simm.s32 $0x8000;
	[dreg:$0xa] =	wrdreg s26  }
0x17: {  	v1 =	vimm.f32 $0.0e+00;
	v0 =	vmov s22;
	[dreg:$0xb] =	wrdreg s6;
	s26 =	simm.s32 $0xC000;
	s6 =	simm.s32 $0xA000  }
.LBB2_24:
0x18: {  	v2 =	vld [tilespmem:$0x14080];
	_ =	sdelay $0x3  }
0x19: {  	s3 =	simm.s32 $0x0  }
0x1a: {  	s4 =	rddreg [dreg:$0xc];
	s8 =	simm.s32 $0x14000;
	s11 =	simm.s32 $0x5;
	[tilespmem:$0x14000] =	vst v2  }
0x1b: {  	[hbm4b:s4+s3] =	stream.linear.scatter [tilespmem:s8], [sflag:$0x5], $0x80, $0x38;
	[tilespmem:$0x14180] =	vst v63  }
0x1c: {  	_ =	swait.ge [sflag:s11], $0x80  }
0x1d: {  	[sflag:s11] =	ssyncset.done $0x0  }
0x1e: {  	[sflag:s11] =	ssyncadd.s32 $0xFFFFFF80  }
0x1f: {  	v2 =	vld [tilespmem:$0x14100];
	_ =	sdelay $0x4  }
0x20: {  	s18 =	rddreg [dreg:$0xd];
	[tilespmem:$0x14000] =	vst v2  }
0x21: {  	[hbm4b:s18+s3] =	stream.linear.scatter [tilespmem:s8], [sflag:$0x5], $0x80, $0x38;
	[tilespmem:$0x14180] =	vst v63  }
0x22: {  	_ =	swait.ge [sflag:s11], $0x80  }
0x23: {  	s21 =	rddreg [dreg:$0xf]  }
0x24: {  	s22 =	rddreg [dreg:$0xe];
	s8 =	sadd.s32 $0x1, s21  }
0x25: {  	p0 =	sne.s32 s8, s22  }
.Ltmp1:
0x26: {  	_ = 	snop;
	(pc) =	sbr.rel @!p0 .LBB2_25-.Ltmp1, $3  }
0x27: {  	_ =	sdelay $0x1  }
0x28: {  	[sflag:s11] =	ssyncset.done $0x0  }
0x29: {  	[sflag:s11] =	ssyncadd.s32 $0xFFFFFF80  }
.LBB2_1:
0x2a: {  	[dreg:$0xf] =	wrdreg s8;
	[tilespmem:$0x14080] =	vst v1  }
0x2b: {  	[tilespmem:$0x14100] =	vst v1;
	s4 =	rddreg [dreg:$0x8];
	s21 =	simm.s32 $0x80;
	s11 =	simm.s32 $0x400  }
0x2c: {  	[tilespmem:s3], [sflag:$0x1] =	stream.strided.gather [hbm4b:s4+s21], $0x2000, s11, s21, $0x38;
	[tilespmem:$0x14180] =	vst v63  }
0x2d: {  	s22 =	rddreg [dreg:$0x9]  }
0x2e: {  	[tilespmem:s23], [sflag:$0x1] =	stream.strided.gather [hbm4b:s22+s21], $0x2000, s11, s21, $0x38;
	[tilespmem:$0x14180] =	vst v63  }
0x2f: {  	_ =	swait.ge [sflag:s24], $0x2000  }
0x30: {  	[sflag:s24] =	ssyncset.done $0x0  }
0x31: {  	[sflag:s24] =	ssyncadd.s32 $0xFFFFE000  }
0x32: {  	_ =	swait.ge [sflag:s24], $0x2000  }
0x33: {  	[sflag:s24] =	ssyncset.done $0x0  }
0x34: {  	s3 =	simm.s32 $0x40;
	[sflag:s24] =	ssyncadd.s32 $0xFFFFE000  }
0x35: {  	v2 =	vld [tilespmem:s3+$0xFFFFFFC0];
	_ =	sdelay $0x1  }
0x36: {  	s4 =	simm.s32 $0x2040  }
0x37: {  	v3 =	vld [tilespmem:s4+$0xFFFFFFC0];
	_ =	sdelay $0x1  }
0x38: {  	v4 =	vshll.u32 v2, $0xB  }
0x39: {  	v2 =	vshll.u32 v2, $0x7;
	v4 =	vand.u32 $0xFFFFC000, v4  }
0x3a: {  	v2 =	vand.u32 $0x380, v2;
	v4 =	vadd.s32 v0, v4  }
0x3b: {  	v5 =	vshll.u32 v3, $0x3;
	v3 =	vand.u32 $0x7F, v3;
	v2 =	vor.u32 v2, v4  }
0x3c: {  	v42 =	vand.u32 $0xFFFFFC00, v5;
	v2 =	vor.u32 v3, v2  }
0x3d: {  	s8 =	simm.s32 $0x8040;
	v2 =	vadd.s32 v42, v2  }
0x3e: {  	[tilespmem:s8+$0xFFFFFFC0] =	vst v2  }
0x3f: {  	v2 =	vld [tilespmem:s3+$0xFFFFFFD0];
	_ =	sdelay $0x2  }
0x40: {  	v3 =	vld [tilespmem:s4+$0xFFFFFFD0];
	_ =	sdelay $0x1  }
0x41: {  	v43 =	vshll.u32 v2, $0xB  }
0x42: {  	v2 =	vshll.u32 v2, $0x7;
	v4 =	vand.u32 $0xFFFFC000, v43  }
0x43: {  	v2 =	vand.u32 $0x380, v2;
	v4 =	vadd.s32 v0, v4  }
0x44: {  	v44 =	vshll.u32 v3, $0x3;
	v3 =	vand.u32 $0x7F, v3;
	v2 =	vor.u32 v2, v4  }
0x45: {  	v45 =	vand.u32 $0xFFFFFC00, v44;
	v2 =	vor.u32 v3, v2  }
0x46: {  	v2 =	vadd.s32 v45, v2  }
0x47: {  	[tilespmem:s8+$0xFFFFFFD0] =	vst v2  }
0x48: {  	v2 =	vld [tilespmem:s3+$0xFFFFFFE0];
	_ =	sdelay $0x2  }
0x49: {  	v3 =	vld [tilespmem:s4+$0xFFFFFFE0];
	_ =	sdelay $0x1  }
0x4a: {  	v46 =	vshll.u32 v2, $0xB  }
0x4b: {  	v2 =	vshll.u32 v2, $0x7;
	v4 =	vand.u32 $0xFFFFC000, v46  }
0x4c: {  	v2 =	vand.u32 $0x380, v2;
	v4 =	vadd.s32 v0, v4  }
0x4d: {  	v47 =	vshll.u32 v3, $0x3;
	v3 =	vand.u32 $0x7F, v3;
	v2 =	vor.u32 v2, v4  }
0x4e: {  	v48 =	vand.u32 $0xFFFFFC00, v47;
	v2 =	vor.u32 v3, v2  }
0x4f: {  	v2 =	vadd.s32 v48, v2  }
0x50: {  	[tilespmem:s8+$0xFFFFFFE0] =	vst v2  }
0x51: {  	v2 =	vld [tilespmem:s3+$0xFFFFFFF0];
	_ =	sdelay $0x2  }
0x52: {  	v3 =	vld [tilespmem:s4+$0xFFFFFFF0];
	_ =	sdelay $0x1  }
0x53: {  	v49 =	vshll.u32 v2, $0xB  }
0x54: {  	v2 =	vshll.u32 v2, $0x7;
	v4 =	vand.u32 $0xFFFFC000, v49  }
0x55: {  	v2 =	vand.u32 $0x380, v2;
	v4 =	vadd.s32 v0, v4  }
0x56: {  	v50 =	vshll.u32 v3, $0x3;
	v3 =	vand.u32 $0x7F, v3;
	v2 =	vor.u32 v2, v4  }
0x57: {  	v51 =	vand.u32 $0xFFFFFC00, v50;
	v2 =	vor.u32 v3, v2  }
0x58: {  	v2 =	vadd.s32 v51, v2  }
0x59: {  	[tilespmem:s8+$0xFFFFFFF0] =	vst v2  }
0x5a: {  	v2 =	vld [tilespmem:s3+$0x0];
	_ =	sdelay $0x2  }
0x5b: {  	v3 =	vld [tilespmem:s4+$0x0];
	_ =	sdelay $0x1  }
0x5c: {  	v52 =	vshll.u32 v2, $0xB  }
0x5d: {  	v2 =	vshll.u32 v2, $0x7;
	v4 =	vand.u32 $0xFFFFC000, v52  }
0x5e: {  	v2 =	vand.u32 $0x380, v2;
	v4 =	vadd.s32 v0, v4  }
0x5f: {  	v53 =	vshll.u32 v3, $0x3;
	v3 =	vand.u32 $0x7F, v3;
	v2 =	vor.u32 v2, v4  }
0x60: {  	v54 =	vand.u32 $0xFFFFFC00, v53;
	v2 =	vor.u32 v3, v2  }
0x61: {  	v2 =	vadd.s32 v54, v2  }
0x62: {  	[tilespmem:s8+$0x0] =	vst v2  }
0x63: {  	v2 =	vld [tilespmem:s3+$0x10];
	_ =	sdelay $0x2  }
0x64: {  	v3 =	vld [tilespmem:s4+$0x10];
	_ =	sdelay $0x1  }
0x65: {  	v55 =	vshll.u32 v2, $0xB  }
0x66: {  	v2 =	vshll.u32 v2, $0x7;
	v4 =	vand.u32 $0xFFFFC000, v55  }
0x67: {  	v2 =	vand.u32 $0x380, v2;
	v4 =	vadd.s32 v0, v4  }
0x68: {  	v56 =	vshll.u32 v3, $0x3;
	v3 =	vand.u32 $0x7F, v3;
	v2 =	vor.u32 v2, v4  }
0x69: {  	v57 =	vand.u32 $0xFFFFFC00, v56;
	v2 =	vor.u32 v3, v2  }
0x6a: {  	v2 =	vadd.s32 v57, v2  }
0x6b: {  	[tilespmem:s8+$0x10] =	vst v2  }
0x6c: {  	v2 =	vld [tilespmem:s3+$0x20];
	_ =	sdelay $0x2  }
0x6d: {  	v3 =	vld [tilespmem:s4+$0x20];
	_ =	sdelay $0x1  }
0x6e: {  	v58 =	vshll.u32 v2, $0xB  }
0x6f: {  	v2 =	vshll.u32 v2, $0x7;
	v4 =	vand.u32 $0xFFFFC000, v58  }
0x70: {  	v2 =	vand.u32 $0x380, v2;
	v4 =	vadd.s32 v0, v4  }
0x71: {  	v59 =	vshll.u32 v3, $0x3;
	v3 =	vand.u32 $0x7F, v3;
	v2 =	vor.u32 v2, v4  }
0x72: {  	v60 =	vand.u32 $0xFFFFFC00, v59;
	v2 =	vor.u32 v3, v2  }
0x73: {  	v2 =	vadd.s32 v60, v2  }
0x74: {  	[tilespmem:s8+$0x20] =	vst v2  }
0x75: {  	v2 =	vld [tilespmem:s3+$0x30];
	_ =	sdelay $0x2  }
0x76: {  	v3 =	vld [tilespmem:s4+$0x30];
	_ =	sdelay $0x1  }
0x77: {  	v61 =	vshll.u32 v2, $0xB  }
0x78: {  	v2 =	vshll.u32 v2, $0x7;
	v4 =	vand.u32 $0xFFFFC000, v61  }
0x79: {  	v2 =	vand.u32 $0x380, v2;
	v4 =	vadd.s32 v0, v4  }
0x7a: {  	v62 =	vshll.u32 v3, $0x3;
	v3 =	vand.u32 $0x7F, v3;
	v2 =	vor.u32 v2, v4  }
0x7b: {  	v63 =	vand.u32 $0xFFFFFC00, v62;
	v2 =	vor.u32 v3, v2  }
0x7c: {  	s12 =	simm.s32 $0x80C0;
	s11 =	simm.s32 $0x0;
	v2 =	vadd.s32 v63, v2  }
.LBB2_2:
0x7d: {  	s11 =	sadd.s32 $0x8, s11;
	[tilespmem:s8+$0x30] =	vst v2;
	s3 =	sadd.s32 $0x80, s3;
	s4 =	sadd.s32 $0x80, s4  }
0x7e: {  	s8 =	smov.u32 s12;
	v2 =	vld [tilespmem:s3+$0xFFFFFFC0];
	p0 =	slt.u32 s11, $0x1F8;
	_ =	sdelay $0x2  }
0x7f: {  	v3 =	vld [tilespmem:s4+$0xFFFFFFC0];
	_ =	sdelay $0x1  }
0x80: {  	v4 =	vshll.u32 v2, $0xB;
	v2 =	vshll.u32 v2, $0x7  }
0x81: {  	v4 =	vand.u32 $0xFFFFC000, v4  }
0x82: {  	v2 =	vand.u32 $0x380, v2;
	v4 =	vadd.s32 v0, v4  }
0x83: {  	v5 =	vshll.u32 v3, $0x3;
	v3 =	vand.u32 $0x7F, v3;
	v2 =	vor.u32 v2, v4  }
0x84: {  	v4 =	vand.u32 $0xFFFFFC00, v5;
	v2 =	vor.u32 v3, v2  }
0x85: {  	v2 =	vadd.s32 v4, v2  }
0x86: {  	[tilespmem:s12+$0xFFFFFFC0] =	vst v2  }
0x87: {  	v2 =	vld [tilespmem:s3+$0xFFFFFFD0];
	_ =	sdelay $0x2  }
0x88: {  	v3 =	vld [tilespmem:s4+$0xFFFFFFD0];
	_ =	sdelay $0x1  }
0x89: {  	v4 =	vshll.u32 v2, $0xB;
	v2 =	vshll.u32 v2, $0x7  }
0x8a: {  	v4 =	vand.u32 $0xFFFFC000, v4  }
0x8b: {  	v2 =	vand.u32 $0x380, v2;
	v4 =	vadd.s32 v0, v4  }
0x8c: {  	v5 =	vshll.u32 v3, $0x3;
	v3 =	vand.u32 $0x7F, v3;
	v2 =	vor.u32 v2, v4  }
0x8d: {  	v4 =	vand.u32 $0xFFFFFC00, v5;
	v2 =	vor.u32 v3, v2  }
0x8e: {  	v2 =	vadd.s32 v4, v2  }
0x8f: {  	[tilespmem:s12+$0xFFFFFFD0] =	vst v2  }
0x90: {  	v2 =	vld [tilespmem:s3+$0xFFFFFFE0];
	_ =	sdelay $0x2  }
0x91: {  	v3 =	vld [tilespmem:s4+$0xFFFFFFE0];
	_ =	sdelay $0x1  }
0x92: {  	v4 =	vshll.u32 v2, $0xB;
	v2 =	vshll.u32 v2, $0x7  }
0x93: {  	v4 =	vand.u32 $0xFFFFC000, v4  }
0x94: {  	v2 =	vand.u32 $0x380, v2;
	v4 =	vadd.s32 v0, v4  }
0x95: {  	v5 =	vshll.u32 v3, $0x3;
	v3 =	vand.u32 $0x7F, v3;
	v2 =	vor.u32 v2, v4  }
0x96: {  	v4 =	vand.u32 $0xFFFFFC00, v5;
	v2 =	vor.u32 v3, v2  }
0x97: {  	v2 =	vadd.s32 v4, v2  }
0x98: {  	[tilespmem:s12+$0xFFFFFFE0] =	vst v2  }
0x99: {  	v2 =	vld [tilespmem:s3+$0xFFFFFFF0];
	_ =	sdelay $0x2  }
0x9a: {  	v3 =	vld [tilespmem:s4+$0xFFFFFFF0];
	_ =	sdelay $0x1  }
0x9b: {  	v4 =	vshll.u32 v2, $0xB;
	v2 =	vshll.u32 v2, $0x7  }
0x9c: {  	v4 =	vand.u32 $0xFFFFC000, v4  }
0x9d: {  	v2 =	vand.u32 $0x380, v2;
	v4 =	vadd.s32 v0, v4  }
0x9e: {  	v5 =	vshll.u32 v3, $0x3;
	v3 =	vand.u32 $0x7F, v3;
	v2 =	vor.u32 v2, v4  }
0x9f: {  	v4 =	vand.u32 $0xFFFFFC00, v5;
	v2 =	vor.u32 v3, v2  }
0xa0: {  	v2 =	vadd.s32 v4, v2  }
0xa1: {  	[tilespmem:s12+$0xFFFFFFF0] =	vst v2  }
0xa2: {  	v2 =	vld [tilespmem:s3+$0x0];
	_ =	sdelay $0x2  }
0xa3: {  	v3 =	vld [tilespmem:s4+$0x0];
	_ =	sdelay $0x1  }
0xa4: {  	v4 =	vshll.u32 v2, $0xB;
	v2 =	vshll.u32 v2, $0x7  }
0xa5: {  	v4 =	vand.u32 $0xFFFFC000, v4  }
0xa6: {  	v2 =	vand.u32 $0x380, v2;
	v4 =	vadd.s32 v0, v4  }
0xa7: {  	v5 =	vshll.u32 v3, $0x3;
	v3 =	vand.u32 $0x7F, v3;
	v2 =	vor.u32 v2, v4  }
0xa8: {  	v4 =	vand.u32 $0xFFFFFC00, v5;
	v2 =	vor.u32 v3, v2  }
0xa9: {  	v2 =	vadd.s32 v4, v2  }
0xaa: {  	[tilespmem:s12+$0x0] =	vst v2  }
0xab: {  	v2 =	vld [tilespmem:s3+$0x10]  }
0xac: {  	v3 =	vld [tilespmem:s4+$0x10];
	_ =	sdelay $0x3  }
0xad: {  	v4 =	vshll.u32 v2, $0xB;
	v2 =	vshll.u32 v2, $0x7  }
0xae: {  	v4 =	vand.u32 $0xFFFFC000, v4;
	v5 =	vshll.u32 v3, $0x3  }
0xaf: {  	v2 =	vand.u32 $0x380, v2;
	v4 =	vadd.s32 v0, v4  }
0xb0: {  	v3 =	vand.u32 $0x7F, v3;
	v2 =	vor.u32 v2, v4  }
0xb1: {  	v4 =	vand.u32 $0xFFFFFC00, v5;
	v2 =	vor.u32 v3, v2  }
0xb2: {  	v2 =	vadd.s32 v4, v2  }
0xb3: {  	[tilespmem:s12+$0x10] =	vst v2  }
0xb4: {  	v2 =	vld [tilespmem:s3+$0x20]  }
0xb5: {  	v3 =	vld [tilespmem:s4+$0x20];
	_ =	sdelay $0x3  }
0xb6: {  	v4 =	vshll.u32 v2, $0xB;
	v2 =	vshll.u32 v2, $0x7  }
0xb7: {  	v4 =	vand.u32 $0xFFFFC000, v4;
	v5 =	vshll.u32 v3, $0x3  }
0xb8: {  	v2 =	vand.u32 $0x380, v2;
	v4 =	vadd.s32 v0, v4  }
0xb9: {  	v3 =	vand.u32 $0x7F, v3;
	v2 =	vor.u32 v2, v4  }
0xba: {  	v4 =	vand.u32 $0xFFFFFC00, v5;
	v2 =	vor.u32 v3, v2  }
0xbb: {  	v2 =	vadd.s32 v4, v2  }
0xbc: {  	[tilespmem:s12+$0x20] =	vst v2  }
0xbd: {  	v2 =	vld [tilespmem:s3+$0x30]  }
0xbe: {  	v3 =	vld [tilespmem:s4+$0x30];
	_ =	sdelay $0x3  }
0xbf: {  	v4 =	vshll.u32 v2, $0xB;
	v2 =	vshll.u32 v2, $0x7  }
.Ltmp2:
0xc0: {  	v4 =	vand.u32 $0xFFFFC000, v4;
	v5 =	vshll.u32 v3, $0x3;
	(pc) =	sbr.rel @p0 .LBB2_2-.Ltmp2, $4  }
0xc1: {  	v2 =	vand.u32 $0x380, v2;
	v4 =	vadd.s32 v0, v4  }
0xc2: {  	v3 =	vand.u32 $0x7F, v3;
	v2 =	vor.u32 v2, v4  }
0xc3: {  	v4 =	vand.u32 $0xFFFFFC00, v5;
	v2 =	vor.u32 v3, v2  }
0xc4: {  	s12 =	sadd.s32 $0x80, s12;
	v2 =	vadd.s32 v4, v2  }
0xc5: {  	[tilespmem:s8+$0x30] =	vst v2  }
0xc6: {  	[tilespmem:s26], [sflag:$0x3] =	stream.indirect.gather [hbm4b:s0+s23], $0x1, s25, s23, $0xb8;
	[tilespmem:$0x14180] =	vst v63  }
0xc7: {  	_ = 	snop  }
0xc8: {  	[tilespmem:s28], [sflag:$0x3] =	stream.indirect.gather [hbm4b:s1+s23], $0x1, s25, s23, $0xb8;
	[tilespmem:$0x14180] =	vst v63  }
.Ltmp3:
0xc9: {  	s3 =	rddreg [dreg:$0xa];
	(pc) =	sbr.rel .LBB2_4-.Ltmp3, $4  }
0xca: {  	s4 =	simm.s32 $0x80;
	s18 =	simm.s32 $0x400;
	s11 =	simm.s32 $0x4000  }
0xcb: {  	[tilespmem:s11], [sflag:$0x2] =	stream.strided.gather [hbm4b:s3+s4], $0x2000, s18, s4, $0x38;
	[tilespmem:$0x14180] =	vst v63  }
0xcc: {  	s21 =	rddreg [dreg:$0xb];
	s22 =	simm.s32 $0x6000;
	s11 =	simm.s32 $0x0  }
0xcd: {  	[tilespmem:s22], [sflag:$0x2] =	stream.strided.gather [hbm4b:s21+s4], $0x2000, s18, s4, $0x38;
	[tilespmem:$0x14180] =	vst v63  }
.LBB2_23:
0xce: {  	s11 =	sadd.s32 $0x1, s11  }
0xcf: {  	p0 =	sne.s32 s11, $0x8  }
.Ltmp4:
0xd0: {  	_ = 	snop;
	(pc) =	sbr.rel @!p0 .LBB2_24-.Ltmp4, $1  }
0xd1: {  	_ =	sdelay $0x3  }
.LBB2_4:
0xd2: {  	_ =	swait.ge [sflag:s31], $0x2000  }
0xd3: {  	[sflag:s31] =	ssyncset.done $0x0  }
0xd4: {  	[sflag:s31] =	ssyncadd.s32 $0xFFFFE000  }
0xd5: {  	_ =	swait.ge [sflag:s31], $0x2000  }
0xd6: {  	[sflag:s31] =	ssyncset.done $0x0  }
0xd7: {  	s3 =	simm.s32 $0x4040;
	[sflag:s31] =	ssyncadd.s32 $0xFFFFE000  }
0xd8: {  	v2 =	vld [tilespmem:s3+$0xFFFFFFC0];
	_ =	sdelay $0x1  }
0xd9: {  	s4 =	simm.s32 $0x6040  }
0xda: {  	v3 =	vld [tilespmem:s4+$0xFFFFFFC0];
	_ =	sdelay $0x1  }
0xdb: {  	v4 =	vshll.u32 v2, $0xB  }
0xdc: {  	v2 =	vshll.u32 v2, $0x7;
	v4 =	vand.u32 $0xFFFFC000, v4  }
0xdd: {  	v2 =	vand.u32 $0x380, v2;
	v4 =	vadd.s32 v0, v4  }
0xde: {  	v5 =	vshll.u32 v3, $0x3;
	v3 =	vand.u32 $0x7F, v3;
	v2 =	vor.u32 v2, v4  }
0xdf: {  	v42 =	vand.u32 $0xFFFFFC00, v5;
	v2 =	vor.u32 v3, v2  }
0xe0: {  	s8 =	simm.s32 $0xA040;
	v2 =	vadd.s32 v42, v2  }
0xe1: {  	[tilespmem:s8+$0xFFFFFFC0] =	vst v2  }
0xe2: {  	v2 =	vld [tilespmem:s3+$0xFFFFFFD0];
	_ =	sdelay $0x2  }
0xe3: {  	v3 =	vld [tilespmem:s4+$0xFFFFFFD0];
	_ =	sdelay $0x1  }
0xe4: {  	v43 =	vshll.u32 v2, $0xB  }
0xe5: {  	v2 =	vshll.u32 v2, $0x7;
	v4 =	vand.u32 $0xFFFFC000, v43  }
0xe6: {  	v2 =	vand.u32 $0x380, v2;
	v4 =	vadd.s32 v0, v4  }
0xe7: {  	v44 =	vshll.u32 v3, $0x3;
	v3 =	vand.u32 $0x7F, v3;
	v2 =	vor.u32 v2, v4  }
0xe8: {  	v45 =	vand.u32 $0xFFFFFC00, v44;
	v2 =	vor.u32 v3, v2  }
0xe9: {  	v2 =	vadd.s32 v45, v2  }
0xea: {  	[tilespmem:s8+$0xFFFFFFD0] =	vst v2  }
0xeb: {  	v2 =	vld [tilespmem:s3+$0xFFFFFFE0];
	_ =	sdelay $0x2  }
0xec: {  	v3 =	vld [tilespmem:s4+$0xFFFFFFE0];
	_ =	sdelay $0x1  }
0xed: {  	v46 =	vshll.u32 v2, $0xB  }
0xee: {  	v2 =	vshll.u32 v2, $0x7;
	v4 =	vand.u32 $0xFFFFC000, v46  }
0xef: {  	v2 =	vand.u32 $0x380, v2;
	v4 =	vadd.s32 v0, v4  }
0xf0: {  	v47 =	vshll.u32 v3, $0x3;
	v3 =	vand.u32 $0x7F, v3;
	v2 =	vor.u32 v2, v4  }
0xf1: {  	v48 =	vand.u32 $0xFFFFFC00, v47;
	v2 =	vor.u32 v3, v2  }
0xf2: {  	v2 =	vadd.s32 v48, v2  }
0xf3: {  	[tilespmem:s8+$0xFFFFFFE0] =	vst v2  }
0xf4: {  	v2 =	vld [tilespmem:s3+$0xFFFFFFF0];
	_ =	sdelay $0x2  }
0xf5: {  	v3 =	vld [tilespmem:s4+$0xFFFFFFF0];
	_ =	sdelay $0x1  }
0xf6: {  	v49 =	vshll.u32 v2, $0xB  }
0xf7: {  	v2 =	vshll.u32 v2, $0x7;
	v4 =	vand.u32 $0xFFFFC000, v49  }
0xf8: {  	v2 =	vand.u32 $0x380, v2;
	v4 =	vadd.s32 v0, v4  }
0xf9: {  	v50 =	vshll.u32 v3, $0x3;
	v3 =	vand.u32 $0x7F, v3;
	v2 =	vor.u32 v2, v4  }
0xfa: {  	v51 =	vand.u32 $0xFFFFFC00, v50;
	v2 =	vor.u32 v3, v2  }
0xfb: {  	v2 =	vadd.s32 v51, v2  }
0xfc: {  	[tilespmem:s8+$0xFFFFFFF0] =	vst v2  }
0xfd: {  	v2 =	vld [tilespmem:s3+$0x0];
	_ =	sdelay $0x2  }
0xfe: {  	v3 =	vld [tilespmem:s4+$0x0];
	_ =	sdelay $0x1  }
0xff: {  	v52 =	vshll.u32 v2, $0xB  }
0x100: {  	v2 =	vshll.u32 v2, $0x7;
	v4 =	vand.u32 $0xFFFFC000, v52  }
0x101: {  	v2 =	vand.u32 $0x380, v2;
	v4 =	vadd.s32 v0, v4  }
0x102: {  	v53 =	vshll.u32 v3, $0x3;
	v3 =	vand.u32 $0x7F, v3;
	v2 =	vor.u32 v2, v4  }
0x103: {  	v54 =	vand.u32 $0xFFFFFC00, v53;
	v2 =	vor.u32 v3, v2  }
0x104: {  	v2 =	vadd.s32 v54, v2  }
0x105: {  	[tilespmem:s8+$0x0] =	vst v2  }
0x106: {  	v2 =	vld [tilespmem:s3+$0x10];
	_ =	sdelay $0x2  }
0x107: {  	v3 =	vld [tilespmem:s4+$0x10];
	_ =	sdelay $0x1  }
0x108: {  	v55 =	vshll.u32 v2, $0xB  }
0x109: {  	v2 =	vshll.u32 v2, $0x7;
	v4 =	vand.u32 $0xFFFFC000, v55  }
0x10a: {  	v2 =	vand.u32 $0x380, v2;
	v4 =	vadd.s32 v0, v4  }
0x10b: {  	v56 =	vshll.u32 v3, $0x3;
	v3 =	vand.u32 $0x7F, v3;
	v2 =	vor.u32 v2, v4  }
0x10c: {  	v57 =	vand.u32 $0xFFFFFC00, v56;
	v2 =	vor.u32 v3, v2  }
0x10d: {  	v2 =	vadd.s32 v57, v2  }
0x10e: {  	[tilespmem:s8+$0x10] =	vst v2  }
0x10f: {  	v2 =	vld [tilespmem:s3+$0x20];
	_ =	sdelay $0x2  }
0x110: {  	v3 =	vld [tilespmem:s4+$0x20];
	_ =	sdelay $0x1  }
0x111: {  	v58 =	vshll.u32 v2, $0xB  }
0x112: {  	v2 =	vshll.u32 v2, $0x7;
	v4 =	vand.u32 $0xFFFFC000, v58  }
0x113: {  	v2 =	vand.u32 $0x380, v2;
	v4 =	vadd.s32 v0, v4  }
0x114: {  	v59 =	vshll.u32 v3, $0x3;
	v3 =	vand.u32 $0x7F, v3;
	v2 =	vor.u32 v2, v4  }
0x115: {  	v60 =	vand.u32 $0xFFFFFC00, v59;
	v2 =	vor.u32 v3, v2  }
0x116: {  	v2 =	vadd.s32 v60, v2  }
0x117: {  	[tilespmem:s8+$0x20] =	vst v2  }
0x118: {  	v2 =	vld [tilespmem:s3+$0x30];
	_ =	sdelay $0x2  }
0x119: {  	v3 =	vld [tilespmem:s4+$0x30];
	_ =	sdelay $0x1  }
0x11a: {  	v61 =	vshll.u32 v2, $0xB  }
0x11b: {  	v2 =	vshll.u32 v2, $0x7;
	v4 =	vand.u32 $0xFFFFC000, v61  }
0x11c: {  	v2 =	vand.u32 $0x380, v2;
	v4 =	vadd.s32 v0, v4  }
0x11d: {  	v62 =	vshll.u32 v3, $0x3;
	v3 =	vand.u32 $0x7F, v3;
	v2 =	vor.u32 v2, v4  }
0x11e: {  	v63 =	vand.u32 $0xFFFFFC00, v62;
	v2 =	vor.u32 v3, v2  }
0x11f: {  	s18 =	simm.s32 $0x0;
	s12 =	simm.s32 $0xA0C0;
	v2 =	vadd.s32 v63, v2  }
.LBB2_5:
0x120: {  	s18 =	sadd.s32 $0x8, s18;
	[tilespmem:s8+$0x30] =	vst v2;
	s3 =	sadd.s32 $0x80, s3;
	s4 =	sadd.s32 $0x80, s4  }
0x121: {  	s8 =	smov.u32 s12;
	v2 =	vld [tilespmem:s3+$0xFFFFFFC0];
	p0 =	slt.u32 s18, $0x1F8;
	_ =	sdelay $0x2  }
0x122: {  	v3 =	vld [tilespmem:s4+$0xFFFFFFC0];
	_ =	sdelay $0x1  }
0x123: {  	v4 =	vshll.u32 v2, $0xB;
	v2 =	vshll.u32 v2, $0x7  }
0x124: {  	v4 =	vand.u32 $0xFFFFC000, v4  }
0x125: {  	v2 =	vand.u32 $0x380, v2;
	v4 =	vadd.s32 v0, v4  }
0x126: {  	v5 =	vshll.u32 v3, $0x3;
	v3 =	vand.u32 $0x7F, v3;
	v2 =	vor.u32 v2, v4  }
0x127: {  	v4 =	vand.u32 $0xFFFFFC00, v5;
	v2 =	vor.u32 v3, v2  }
0x128: {  	v2 =	vadd.s32 v4, v2  }
0x129: {  	[tilespmem:s12+$0xFFFFFFC0] =	vst v2  }
0x12a: {  	v2 =	vld [tilespmem:s3+$0xFFFFFFD0];
	_ =	sdelay $0x2  }
0x12b: {  	v3 =	vld [tilespmem:s4+$0xFFFFFFD0];
	_ =	sdelay $0x1  }
0x12c: {  	v4 =	vshll.u32 v2, $0xB;
	v2 =	vshll.u32 v2, $0x7  }
0x12d: {  	v4 =	vand.u32 $0xFFFFC000, v4  }
0x12e: {  	v2 =	vand.u32 $0x380, v2;
	v4 =	vadd.s32 v0, v4  }
0x12f: {  	v5 =	vshll.u32 v3, $0x3;
	v3 =	vand.u32 $0x7F, v3;
	v2 =	vor.u32 v2, v4  }
0x130: {  	v4 =	vand.u32 $0xFFFFFC00, v5;
	v2 =	vor.u32 v3, v2  }
0x131: {  	v2 =	vadd.s32 v4, v2  }
0x132: {  	[tilespmem:s12+$0xFFFFFFD0] =	vst v2  }
0x133: {  	v2 =	vld [tilespmem:s3+$0xFFFFFFE0];
	_ =	sdelay $0x2  }
0x134: {  	v3 =	vld [tilespmem:s4+$0xFFFFFFE0];
	_ =	sdelay $0x1  }
0x135: {  	v4 =	vshll.u32 v2, $0xB;
	v2 =	vshll.u32 v2, $0x7  }
0x136: {  	v4 =	vand.u32 $0xFFFFC000, v4  }
0x137: {  	v2 =	vand.u32 $0x380, v2;
	v4 =	vadd.s32 v0, v4  }
0x138: {  	v5 =	vshll.u32 v3, $0x3;
	v3 =	vand.u32 $0x7F, v3;
	v2 =	vor.u32 v2, v4  }
0x139: {  	v4 =	vand.u32 $0xFFFFFC00, v5;
	v2 =	vor.u32 v3, v2  }
0x13a: {  	v2 =	vadd.s32 v4, v2  }
0x13b: {  	[tilespmem:s12+$0xFFFFFFE0] =	vst v2  }
0x13c: {  	v2 =	vld [tilespmem:s3+$0xFFFFFFF0];
	_ =	sdelay $0x2  }
0x13d: {  	v3 =	vld [tilespmem:s4+$0xFFFFFFF0];
	_ =	sdelay $0x1  }
0x13e: {  	v4 =	vshll.u32 v2, $0xB;
	v2 =	vshll.u32 v2, $0x7  }
0x13f: {  	v4 =	vand.u32 $0xFFFFC000, v4  }
0x140: {  	v2 =	vand.u32 $0x380, v2;
	v4 =	vadd.s32 v0, v4  }
0x141: {  	v5 =	vshll.u32 v3, $0x3;
	v3 =	vand.u32 $0x7F, v3;
	v2 =	vor.u32 v2, v4  }
0x142: {  	v4 =	vand.u32 $0xFFFFFC00, v5;
	v2 =	vor.u32 v3, v2  }
0x143: {  	v2 =	vadd.s32 v4, v2  }
0x144: {  	[tilespmem:s12+$0xFFFFFFF0] =	vst v2  }
0x145: {  	v2 =	vld [tilespmem:s3+$0x0];
	_ =	sdelay $0x2  }
0x146: {  	v3 =	vld [tilespmem:s4+$0x0];
	_ =	sdelay $0x1  }
0x147: {  	v4 =	vshll.u32 v2, $0xB;
	v2 =	vshll.u32 v2, $0x7  }
0x148: {  	v4 =	vand.u32 $0xFFFFC000, v4  }
0x149: {  	v2 =	vand.u32 $0x380, v2;
	v4 =	vadd.s32 v0, v4  }
0x14a: {  	v5 =	vshll.u32 v3, $0x3;
	v3 =	vand.u32 $0x7F, v3;
	v2 =	vor.u32 v2, v4  }
0x14b: {  	v4 =	vand.u32 $0xFFFFFC00, v5;
	v2 =	vor.u32 v3, v2  }
0x14c: {  	v2 =	vadd.s32 v4, v2  }
0x14d: {  	[tilespmem:s12+$0x0] =	vst v2  }
0x14e: {  	v2 =	vld [tilespmem:s3+$0x10]  }
0x14f: {  	v3 =	vld [tilespmem:s4+$0x10];
	_ =	sdelay $0x3  }
0x150: {  	v4 =	vshll.u32 v2, $0xB;
	v2 =	vshll.u32 v2, $0x7  }
0x151: {  	v4 =	vand.u32 $0xFFFFC000, v4;
	v5 =	vshll.u32 v3, $0x3  }
0x152: {  	v2 =	vand.u32 $0x380, v2;
	v4 =	vadd.s32 v0, v4  }
0x153: {  	v3 =	vand.u32 $0x7F, v3;
	v2 =	vor.u32 v2, v4  }
0x154: {  	v4 =	vand.u32 $0xFFFFFC00, v5;
	v2 =	vor.u32 v3, v2  }
0x155: {  	v2 =	vadd.s32 v4, v2  }
0x156: {  	[tilespmem:s12+$0x10] =	vst v2  }
0x157: {  	v2 =	vld [tilespmem:s3+$0x20]  }
0x158: {  	v3 =	vld [tilespmem:s4+$0x20];
	_ =	sdelay $0x3  }
0x159: {  	v4 =	vshll.u32 v2, $0xB;
	v2 =	vshll.u32 v2, $0x7  }
0x15a: {  	v4 =	vand.u32 $0xFFFFC000, v4;
	v5 =	vshll.u32 v3, $0x3  }
0x15b: {  	v2 =	vand.u32 $0x380, v2;
	v4 =	vadd.s32 v0, v4  }
0x15c: {  	v3 =	vand.u32 $0x7F, v3;
	v2 =	vor.u32 v2, v4  }
0x15d: {  	v4 =	vand.u32 $0xFFFFFC00, v5;
	v2 =	vor.u32 v3, v2  }
0x15e: {  	v2 =	vadd.s32 v4, v2  }
0x15f: {  	[tilespmem:s12+$0x20] =	vst v2  }
0x160: {  	v2 =	vld [tilespmem:s3+$0x30]  }
0x161: {  	v3 =	vld [tilespmem:s4+$0x30];
	_ =	sdelay $0x3  }
0x162: {  	v4 =	vshll.u32 v2, $0xB;
	v2 =	vshll.u32 v2, $0x7  }
.Ltmp5:
0x163: {  	v4 =	vand.u32 $0xFFFFC000, v4;
	v5 =	vshll.u32 v3, $0x3;
	(pc) =	sbr.rel @p0 .LBB2_5-.Ltmp5, $4  }
0x164: {  	v2 =	vand.u32 $0x380, v2;
	v4 =	vadd.s32 v0, v4  }
0x165: {  	v3 =	vand.u32 $0x7F, v3;
	v2 =	vor.u32 v2, v4  }
0x166: {  	v4 =	vand.u32 $0xFFFFFC00, v5;
	v2 =	vor.u32 v3, v2  }
0x167: {  	s12 =	sadd.s32 $0x80, s12;
	v2 =	vadd.s32 v4, v2  }
0x168: {  	[tilespmem:s8+$0x30] =	vst v2;
	p0 =	seq.s32 s11, $0x7  }
0x169: {  	[tilespmem:s2], [sflag:$0x4] =	stream.indirect.gather [hbm4b:s0+s23], $0x1, s6, s23, $0xb8;
	[tilespmem:$0x14180] =	vst v63  }
0x16a: {  	s18 =	sshll.u32 @!p0 s11, $0x11  }
0x16b: {  	s4 =	smov.u32 s19;
	p1 =	slt.u32 @!p0 s11, $0x3;
	s3 =	sadd.s32 @!p0 s20, s18  }
0x16c: {  	[tilespmem:s29], [sflag:$0x4] =	stream.indirect.gather [hbm4b:s1+s23], $0x1, s6, s23, $0xb8;
	[tilespmem:$0x14180] =	vst v63  }
0x16d: {  	s8 =	sadd.s32 @!p0 s18, s14;
	p1 =	por !p1, p0;
	s3 =	sor.u32 @!p0 s9, s3  }
0x16e: {  	s13 =	simm.s32 @!p0 $0x80;
	s8 =	smov.u32 @p1 s3;
	s3 =	smov.u32 s17  }
0x16f: {  	s21 =	simm.s32 @!p0 $0x400;
	s3 =	smov.u32 @p1 s5;
	s8 =	sshrl.u32 @!p0 s8, $0x3  }
0x170: {  	s22 =	simm.s32 @!p0 $0x0;
	s4 =	smov.u32 @p1 s7;
	s12 =	sadd.s32 @!p0 s3, s8  }
0x171: {  	[tilespmem:s22], [sflag:$0x1] =	stream.strided.gather @!p0 [hbm4b:s12+s13], $0x2000, s21, s13, $0x38;
	[tilespmem:$0x14180] =	vst v63  }
0x172: {  	s8 =	sadd.s32 @!p0 s4, s8;
	s12 =	simm.s32 @!p0 $0x2000  }
0x173: {  	[tilespmem:s12], [sflag:$0x1] =	stream.strided.gather @!p0 [hbm4b:s8+s13], $0x2000, s21, s13, $0x38;
	[tilespmem:$0x14180] =	vst v63  }
0x174: {  	p2 =	sgt.u32 s11, $0x3;
	_ =	swait.ge [sflag:s30], $0x2000  }
.Ltmp6:
0x175: {  	[sflag:s30] =	ssyncset.done $0x0;
	(pc) =	sbr.rel @!p2 .LBB2_7-.Ltmp6, $4  }
0x176: {  	[sflag:s30] =	ssyncadd.s32 $0xFFFFE000  }
0x177: {  	_ =	swait.ge [sflag:s30], $0x2000  }
0x178: {  	[sflag:s30] =	ssyncset.done $0x0  }
0x179: {  	[sflag:s30] =	ssyncadd.s32 $0xFFFFE000  }
0x17a: {  	s12 =	simm.s32 $0xE040  }
0x17b: {  	v2 =	vld [tilespmem:s12+$0xFFFFFFC0];
	_ =	sdelay $0x2  }
0x17c: {  	v3 =	vld [tilespmem:s12+$0xFFFFFFD0];
	_ =	sdelay $0x1  }
0x17d: {  	(erf) = vrcp.f32 v2;
	v2 =	vld [tilespmem:s12+$0xFFFFFFE0];
	_ =	sdelay $0x1  }
0x17e: {  	v4 =	vld [tilespmem:s12+$0xFFFFFFF0]  }
0x17f: {  	v7 =	vld [tilespmem:$0x14100];
	(erf) = vrcp.f32 v3  }
0x180: {  	s8 =	simm.s32 $0xC040;
	v5 =	vld [tilespmem:s12+$0x0]  }
0x181: {  	v8 =	vld [tilespmem:s8+$0xFFFFFFC0];
	(erf) = vrcp.f32 v2  }
0x182: {  	v9 =	vld [tilespmem:s12+$0x10]  }
0x183: {  	v6 =	vld [tilespmem:s12+$0x20];
	(erf) = vrcp.f32 v4  }
0x184: {  	v3 =	vld [tilespmem:s8+$0xFFFFFFD0]  }
0x185: {  	v2 =	vld [tilespmem:s8+$0xFFFFFFE0];
	(erf) = vrcp.f32 v5  }
0x186: {  	v5 =	vld [tilespmem:s12+$0x30];
	v4 =	vpop (erf)  }
0x187: {  	s13 =	simm.s32 $0xE0C0;
	s12 =	simm.s32 $0x0;
	(erf) = vrcp.f32 v9;
	v8 =	vmul.f32 v4, v8;
	v4 =	vld [tilespmem:s8+$0xFFFFFFF0]  }
.LBB2_11:
0x188: {  	v9 =	vld [tilespmem:s13+$0xFFFFFFC0];
	s12 =	sadd.s32 $0x8, s12;
	v10 =	vpop (erf)  }
0x189: {  	p3 =	slt.u32 s12, $0x1F8;
	v7 =	vadd.f32 v8, v7;
	v3 =	vmul.f32 v10, v3;
	v8 =	vld [tilespmem:s8+$0x0];
	(erf) = vrcp.f32 v6  }
0x18a: {  	v6 =	vld [tilespmem:s13+$0xFFFFFFD0];
	v10 =	vpop (erf)  }
0x18b: {  	v3 =	vadd.f32 v3, v7;
	v2 =	vmul.f32 v10, v2;
	v7 =	vld [tilespmem:s8+$0x10];
	(erf) = vrcp.f32 v5  }
0x18c: {  	v5 =	vld [tilespmem:s13+$0xFFFFFFE0];
	v10 =	vpop (erf)  }
0x18d: {  	(erf) = vrcp.f32 v9;
	v2 =	vadd.f32 v2, v3;
	v3 =	vmul.f32 v10, v4;
	v4 =	vld [tilespmem:s8+$0x20]  }
0x18e: {  	v9 =	vld [tilespmem:s13+$0xFFFFFFF0];
	v10 =	vpop (erf)  }
0x18f: {  	(erf) = vrcp.f32 v6;
	v2 =	vadd.f32 v3, v2;
	v3 =	vmul.f32 v10, v8;
	v8 =	vld [tilespmem:s8+$0x30]  }
0x190: {  	s8 =	sadd.s32 $0x80, s8;
	v10 =	vld [tilespmem:s13+$0x0];
	v6 =	vpop (erf)  }
0x191: {  	v11 =	vld [tilespmem:s8+$0xFFFFFFC0];
	(erf) = vrcp.f32 v5;
	v2 =	vadd.f32 v3, v2;
	v5 =	vmul.f32 v6, v7  }
0x192: {  	v7 =	vld [tilespmem:s13+$0x10];
	v6 =	vpop (erf)  }
.Ltmp7:
0x193: {  	v3 =	vld [tilespmem:s8+$0xFFFFFFD0];
	(erf) = vrcp.f32 v9;
	v5 =	vadd.f32 v5, v2;
	v12 =	vmul.f32 v6, v4;
	(pc) =	sbr.rel @p3 .LBB2_11-.Ltmp7, $4  }
0x194: {  	v6 =	vld [tilespmem:s13+$0x20];
	v9 =	vpop (erf)  }
0x195: {  	v2 =	vld [tilespmem:s8+$0xFFFFFFE0];
	(erf) = vrcp.f32 v10;
	v10 =	vadd.f32 v12, v5;
	v9 =	vmul.f32 v9, v8  }
0x196: {  	v5 =	vld [tilespmem:s13+$0x30];
	v4 =	vpop (erf)  }
0x197: {  	s13 =	sadd.s32 $0x80, s13;
	v8 =	vmul.f32 v4, v11;
	v4 =	vld [tilespmem:s8+$0xFFFFFFF0];
	(erf) = vrcp.f32 v7;
	v7 =	vadd.f32 v9, v10  }
0x198: {  	v9 =	vpop (erf)  }
0x199: {  	v7 =	vadd.f32 v8, v7;
	v3 =	vmul.f32 v9, v3;
	(erf) = vrcp.f32 v6  }
0x19a: {  	v54 =	vld [tilespmem:s8+$0x0];
	v55 =	vpop (erf)  }
0x19b: {  	v3 =	vadd.f32 v3, v7;
	v2 =	vmul.f32 v55, v2;
	(erf) = vrcp.f32 v5  }
0x19c: {  	v56 =	vld [tilespmem:s8+$0x10];
	v57 =	vpop (erf)  }
0x19d: {  	v2 =	vadd.f32 v2, v3;
	v3 =	vmul.f32 v57, v4  }
0x19e: {  	v58 =	vld [tilespmem:s8+$0x20];
	v59 =	vpop (erf)  }
0x19f: {  	v2 =	vadd.f32 v3, v2;
	v3 =	vmul.f32 v59, v54  }
0x1a0: {  	v60 =	vld [tilespmem:s8+$0x30];
	v61 =	vpop (erf)  }
0x1a1: {  	v2 =	vadd.f32 v3, v2;
	v3 =	vmul.f32 v61, v56  }
0x1a2: {  	v62 =	vpop (erf)  }
0x1a3: {  	v2 =	vadd.f32 v3, v2;
	v3 =	vmul.f32 v62, v58  }
0x1a4: {  	v63 =	vpop (erf)  }
.Ltmp8:
0x1a5: {  	v2 =	vadd.f32 v3, v2;
	v3 =	vmul.f32 v63, v60;
	(pc) =	sbr.rel @p0 .LBB2_16-.Ltmp8, $4  }
.Ltmp9:
0x1a6: {  	_ = 	snop;
	(pc) =	sbr.rel @!p0 .LBB2_13-.Ltmp9, $4  }
0x1a7: {  	v2 =	vadd.f32 v3, v2  }
0x1a8: {  	_ = 	snop  }
0x1a9: {  	[tilespmem:$0x14100] =	vst v2  }
0x1aa: {  	_ = 	snop  }
.LBB2_7:
0x1ab: {  	s12 =	simm.s32 $0xC040;
	v2 =	vld [tilespmem:$0x14080]  }
0x1ac: {  	s8 =	simm.s32 $0xE040;
	v3 =	vld [tilespmem:s12+$0xFFFFFFC0]  }
0x1ad: {  	v4 =	vld [tilespmem:s8+$0xFFFFFFC0]  }
0x1ae: {  	v5 =	vld [tilespmem:s12+$0xFFFFFFD0]  }
0x1af: {  	v6 =	vld [tilespmem:s8+$0xFFFFFFD0]  }
0x1b0: {  	v7 =	vld [tilespmem:s12+$0xFFFFFFE0]  }
0x1b1: {  	v8 =	vld [tilespmem:s8+$0xFFFFFFE0]  }
0x1b2: {  	v9 =	vld [tilespmem:s12+$0xFFFFFFF0];
	v3 =	vmul.f32 v4, v3  }
0x1b3: {  	v4 =	vld [tilespmem:s8+$0xFFFFFFF0]  }
0x1b4: {  	v10 =	vld [tilespmem:s12+$0x0];
	v5 =	vmul.f32 v6, v5;
	v2 =	vadd.f32 v3, v2  }
0x1b5: {  	v11 =	vld [tilespmem:s8+$0x0]  }
0x1b6: {  	v7 =	vmul.f32 v8, v7;
	v6 =	vld [tilespmem:s8+$0x10];
	v5 =	vadd.f32 v5, v2  }
0x1b7: {  	v3 =	vld [tilespmem:s12+$0x10]  }
0x1b8: {  	v2 =	vld [tilespmem:s12+$0x20];
	v8 =	vmul.f32 v4, v9;
	v7 =	vadd.f32 v7, v5  }
0x1b9: {  	v5 =	vld [tilespmem:s8+$0x20]  }
0x1ba: {  	v4 =	vld [tilespmem:s12+$0x30];
	v9 =	vmul.f32 v11, v10;
	v8 =	vadd.f32 v8, v7  }
0x1bb: {  	s13 =	simm.s32 $0xC0C0;
	s12 =	simm.s32 $0x0;
	v7 =	vld [tilespmem:s8+$0x30]  }
.LBB2_8:
0x1bc: {  	v10 =	vld [tilespmem:s13+$0xFFFFFFC0];
	v8 =	vadd.f32 v9, v8;
	v3 =	vmul.f32 v6, v3;
	s8 =	sadd.s32 $0x80, s8  }
0x1bd: {  	s12 =	sadd.s32 $0x8, s12;
	v6 =	vld [tilespmem:s8+$0xFFFFFFC0]  }
0x1be: {  	p3 =	slt.u32 s12, $0x1F8;
	v9 =	vld [tilespmem:s13+$0xFFFFFFD0];
	v3 =	vadd.f32 v3, v8;
	v2 =	vmul.f32 v5, v2  }
0x1bf: {  	v5 =	vld [tilespmem:s8+$0xFFFFFFD0]  }
0x1c0: {  	v8 =	vld [tilespmem:s13+$0xFFFFFFE0];
	v2 =	vadd.f32 v2, v3;
	v3 =	vmul.f32 v7, v4  }
0x1c1: {  	v4 =	vld [tilespmem:s8+$0xFFFFFFE0]  }
0x1c2: {  	v6 =	vmul.f32 v6, v10;
	v7 =	vld [tilespmem:s13+$0xFFFFFFF0];
	v2 =	vadd.f32 v3, v2  }
0x1c3: {  	v10 =	vld [tilespmem:s8+$0xFFFFFFF0]  }
0x1c4: {  	v2 =	vadd.f32 v6, v2;
	v3 =	vmul.f32 v5, v9;
	v9 =	vld [tilespmem:s13+$0x0]  }
0x1c5: {  	v11 =	vld [tilespmem:s8+$0x0]  }
0x1c6: {  	v2 =	vadd.f32 v3, v2;
	v4 =	vmul.f32 v4, v8;
	v3 =	vld [tilespmem:s13+$0x10]  }
.Ltmp10:
0x1c7: {  	v6 =	vld [tilespmem:s8+$0x10];
	(pc) =	sbr.rel @p3 .LBB2_8-.Ltmp10, $4  }
0x1c8: {  	v4 =	vadd.f32 v4, v2;
	v7 =	vmul.f32 v10, v7;
	v2 =	vld [tilespmem:s13+$0x20]  }
0x1c9: {  	v5 =	vld [tilespmem:s8+$0x20]  }
0x1ca: {  	v8 =	vadd.f32 v7, v4;
	v9 =	vmul.f32 v11, v9;
	v4 =	vld [tilespmem:s13+$0x30]  }
0x1cb: {  	s13 =	sadd.s32 $0x80, s13;
	v7 =	vld [tilespmem:s8+$0x30]  }
0x1cc: {  	v8 =	vadd.f32 v9, v8;
	v3 =	vmul.f32 v6, v3;
	_ =	sdelay $0x1  }
0x1cd: {  	v3 =	vadd.f32 v3, v8;
	v2 =	vmul.f32 v5, v2;
	_ =	sdelay $0x1  }
0x1ce: {  	v2 =	vadd.f32 v2, v3;
	v3 =	vmul.f32 v7, v4;
	_ =	sdelay $0x1  }
0x1cf: {  	v2 =	vadd.f32 v3, v2;
	_ =	sdelay $0x1  }
0x1d0: {  	[tilespmem:$0x14080] =	vst v2  }
.LBB2_13:
0x1d1: {  	_ =	swait.ge [sflag:s24], $0x2000  }
0x1d2: {  	[sflag:s24] =	ssyncset.done $0x0  }
0x1d3: {  	[sflag:s24] =	ssyncadd.s32 $0xFFFFE000  }
0x1d4: {  	_ =	swait.ge [sflag:s24], $0x2000  }
0x1d5: {  	[sflag:s24] =	ssyncset.done $0x0  }
0x1d6: {  	s8 =	simm.s32 $0x40;
	[sflag:s24] =	ssyncadd.s32 $0xFFFFE000  }
0x1d7: {  	v2 =	vld [tilespmem:s8+$0xFFFFFFC0];
	_ =	sdelay $0x1  }
0x1d8: {  	s21 =	simm.s32 $0x2040  }
0x1d9: {  	v3 =	vld [tilespmem:s21+$0xFFFFFFC0];
	_ =	sdelay $0x1  }
0x1da: {  	v4 =	vshll.u32 v2, $0xB  }
0x1db: {  	v2 =	vshll.u32 v2, $0x7;
	v4 =	vand.u32 $0xFFFFC000, v4  }
0x1dc: {  	v2 =	vand.u32 $0x380, v2;
	v4 =	vadd.s32 v0, v4  }
0x1dd: {  	v5 =	vshll.u32 v3, $0x3;
	v3 =	vand.u32 $0x7F, v3;
	v2 =	vor.u32 v2, v4  }
0x1de: {  	v42 =	vand.u32 $0xFFFFFC00, v5;
	v2 =	vor.u32 v3, v2  }
0x1df: {  	s22 =	simm.s32 $0x8040;
	v2 =	vadd.s32 v42, v2  }
0x1e0: {  	[tilespmem:s22+$0xFFFFFFC0] =	vst v2  }
0x1e1: {  	v2 =	vld [tilespmem:s8+$0xFFFFFFD0];
	_ =	sdelay $0x2  }
0x1e2: {  	v3 =	vld [tilespmem:s21+$0xFFFFFFD0];
	_ =	sdelay $0x1  }
0x1e3: {  	v43 =	vshll.u32 v2, $0xB  }
0x1e4: {  	v2 =	vshll.u32 v2, $0x7;
	v4 =	vand.u32 $0xFFFFC000, v43  }
0x1e5: {  	v2 =	vand.u32 $0x380, v2;
	v4 =	vadd.s32 v0, v4  }
0x1e6: {  	v44 =	vshll.u32 v3, $0x3;
	v3 =	vand.u32 $0x7F, v3;
	v2 =	vor.u32 v2, v4  }
0x1e7: {  	v45 =	vand.u32 $0xFFFFFC00, v44;
	v2 =	vor.u32 v3, v2  }
0x1e8: {  	v2 =	vadd.s32 v45, v2  }
0x1e9: {  	[tilespmem:s22+$0xFFFFFFD0] =	vst v2  }
0x1ea: {  	v2 =	vld [tilespmem:s8+$0xFFFFFFE0];
	_ =	sdelay $0x2  }
0x1eb: {  	v3 =	vld [tilespmem:s21+$0xFFFFFFE0];
	_ =	sdelay $0x1  }
0x1ec: {  	v46 =	vshll.u32 v2, $0xB  }
0x1ed: {  	v2 =	vshll.u32 v2, $0x7;
	v4 =	vand.u32 $0xFFFFC000, v46  }
0x1ee: {  	v2 =	vand.u32 $0x380, v2;
	v4 =	vadd.s32 v0, v4  }
0x1ef: {  	v47 =	vshll.u32 v3, $0x3;
	v3 =	vand.u32 $0x7F, v3;
	v2 =	vor.u32 v2, v4  }
0x1f0: {  	v48 =	vand.u32 $0xFFFFFC00, v47;
	v2 =	vor.u32 v3, v2  }
0x1f1: {  	v2 =	vadd.s32 v48, v2  }
0x1f2: {  	[tilespmem:s22+$0xFFFFFFE0] =	vst v2  }
0x1f3: {  	v2 =	vld [tilespmem:s8+$0xFFFFFFF0];
	_ =	sdelay $0x2  }
0x1f4: {  	v3 =	vld [tilespmem:s21+$0xFFFFFFF0];
	_ =	sdelay $0x1  }
0x1f5: {  	v49 =	vshll.u32 v2, $0xB  }
0x1f6: {  	v2 =	vshll.u32 v2, $0x7;
	v4 =	vand.u32 $0xFFFFC000, v49  }
0x1f7: {  	v2 =	vand.u32 $0x380, v2;
	v4 =	vadd.s32 v0, v4  }
0x1f8: {  	v50 =	vshll.u32 v3, $0x3;
	v3 =	vand.u32 $0x7F, v3;
	v2 =	vor.u32 v2, v4  }
0x1f9: {  	v51 =	vand.u32 $0xFFFFFC00, v50;
	v2 =	vor.u32 v3, v2  }
0x1fa: {  	v2 =	vadd.s32 v51, v2  }
0x1fb: {  	[tilespmem:s22+$0xFFFFFFF0] =	vst v2  }
0x1fc: {  	v2 =	vld [tilespmem:s8+$0x0];
	_ =	sdelay $0x2  }
0x1fd: {  	v3 =	vld [tilespmem:s21+$0x0];
	_ =	sdelay $0x1  }
0x1fe: {  	v52 =	vshll.u32 v2, $0xB  }
0x1ff: {  	v2 =	vshll.u32 v2, $0x7;
	v4 =	vand.u32 $0xFFFFC000, v52  }
0x200: {  	v2 =	vand.u32 $0x380, v2;
	v4 =	vadd.s32 v0, v4  }
0x201: {  	v53 =	vshll.u32 v3, $0x3;
	v3 =	vand.u32 $0x7F, v3;
	v2 =	vor.u32 v2, v4  }
0x202: {  	v54 =	vand.u32 $0xFFFFFC00, v53;
	v2 =	vor.u32 v3, v2  }
0x203: {  	v2 =	vadd.s32 v54, v2  }
0x204: {  	[tilespmem:s22+$0x0] =	vst v2  }
0x205: {  	v2 =	vld [tilespmem:s8+$0x10];
	_ =	sdelay $0x2  }
0x206: {  	v3 =	vld [tilespmem:s21+$0x10];
	_ =	sdelay $0x1  }
0x207: {  	v55 =	vshll.u32 v2, $0xB  }
0x208: {  	v2 =	vshll.u32 v2, $0x7;
	v4 =	vand.u32 $0xFFFFC000, v55  }
0x209: {  	v2 =	vand.u32 $0x380, v2;
	v4 =	vadd.s32 v0, v4  }
0x20a: {  	v56 =	vshll.u32 v3, $0x3;
	v3 =	vand.u32 $0x7F, v3;
	v2 =	vor.u32 v2, v4  }
0x20b: {  	v57 =	vand.u32 $0xFFFFFC00, v56;
	v2 =	vor.u32 v3, v2  }
0x20c: {  	v2 =	vadd.s32 v57, v2  }
0x20d: {  	[tilespmem:s22+$0x10] =	vst v2  }
0x20e: {  	v2 =	vld [tilespmem:s8+$0x20];
	_ =	sdelay $0x2  }
0x20f: {  	v3 =	vld [tilespmem:s21+$0x20];
	_ =	sdelay $0x1  }
0x210: {  	v58 =	vshll.u32 v2, $0xB  }
0x211: {  	v2 =	vshll.u32 v2, $0x7;
	v4 =	vand.u32 $0xFFFFC000, v58  }
0x212: {  	v2 =	vand.u32 $0x380, v2;
	v4 =	vadd.s32 v0, v4  }
0x213: {  	v59 =	vshll.u32 v3, $0x3;
	v3 =	vand.u32 $0x7F, v3;
	v2 =	vor.u32 v2, v4  }
0x214: {  	v60 =	vand.u32 $0xFFFFFC00, v59;
	v2 =	vor.u32 v3, v2  }
0x215: {  	v2 =	vadd.s32 v60, v2  }
0x216: {  	[tilespmem:s22+$0x20] =	vst v2  }
0x217: {  	v2 =	vld [tilespmem:s8+$0x30];
	_ =	sdelay $0x2  }
0x218: {  	v3 =	vld [tilespmem:s21+$0x30];
	_ =	sdelay $0x1  }
0x219: {  	v61 =	vshll.u32 v2, $0xB  }
0x21a: {  	v2 =	vshll.u32 v2, $0x7;
	v4 =	vand.u32 $0xFFFFC000, v61  }
0x21b: {  	v2 =	vand.u32 $0x380, v2;
	v4 =	vadd.s32 v0, v4  }
0x21c: {  	v62 =	vshll.u32 v3, $0x3;
	v3 =	vand.u32 $0x7F, v3;
	v2 =	vor.u32 v2, v4  }
0x21d: {  	v63 =	vand.u32 $0xFFFFFC00, v62;
	v2 =	vor.u32 v3, v2  }
0x21e: {  	s12 =	simm.s32 $0x0;
	s13 =	simm.s32 $0x80C0;
	v2 =	vadd.s32 v63, v2  }
.LBB2_14:
0x21f: {  	s12 =	sadd.s32 $0x8, s12;
	[tilespmem:s22+$0x30] =	vst v2;
	s8 =	sadd.s32 $0x80, s8;
	s21 =	sadd.s32 $0x80, s21  }
0x220: {  	s22 =	smov.u32 s13;
	v2 =	vld [tilespmem:s8+$0xFFFFFFC0];
	p3 =	slt.u32 s12, $0x1F8;
	_ =	sdelay $0x2  }
0x221: {  	v3 =	vld [tilespmem:s21+$0xFFFFFFC0];
	_ =	sdelay $0x1  }
0x222: {  	v4 =	vshll.u32 v2, $0xB;
	v2 =	vshll.u32 v2, $0x7  }
0x223: {  	v4 =	vand.u32 $0xFFFFC000, v4  }
0x224: {  	v2 =	vand.u32 $0x380, v2;
	v4 =	vadd.s32 v0, v4  }
0x225: {  	v5 =	vshll.u32 v3, $0x3;
	v3 =	vand.u32 $0x7F, v3;
	v2 =	vor.u32 v2, v4  }
0x226: {  	v4 =	vand.u32 $0xFFFFFC00, v5;
	v2 =	vor.u32 v3, v2  }
0x227: {  	v2 =	vadd.s32 v4, v2  }
0x228: {  	[tilespmem:s13+$0xFFFFFFC0] =	vst v2  }
0x229: {  	v2 =	vld [tilespmem:s8+$0xFFFFFFD0];
	_ =	sdelay $0x2  }
0x22a: {  	v3 =	vld [tilespmem:s21+$0xFFFFFFD0];
	_ =	sdelay $0x1  }
0x22b: {  	v4 =	vshll.u32 v2, $0xB;
	v2 =	vshll.u32 v2, $0x7  }
0x22c: {  	v4 =	vand.u32 $0xFFFFC000, v4  }
0x22d: {  	v2 =	vand.u32 $0x380, v2;
	v4 =	vadd.s32 v0, v4  }
0x22e: {  	v5 =	vshll.u32 v3, $0x3;
	v3 =	vand.u32 $0x7F, v3;
	v2 =	vor.u32 v2, v4  }
0x22f: {  	v4 =	vand.u32 $0xFFFFFC00, v5;
	v2 =	vor.u32 v3, v2  }
0x230: {  	v2 =	vadd.s32 v4, v2  }
0x231: {  	[tilespmem:s13+$0xFFFFFFD0] =	vst v2  }
0x232: {  	v2 =	vld [tilespmem:s8+$0xFFFFFFE0];
	_ =	sdelay $0x2  }
0x233: {  	v3 =	vld [tilespmem:s21+$0xFFFFFFE0];
	_ =	sdelay $0x1  }
0x234: {  	v4 =	vshll.u32 v2, $0xB;
	v2 =	vshll.u32 v2, $0x7  }
0x235: {  	v4 =	vand.u32 $0xFFFFC000, v4  }
0x236: {  	v2 =	vand.u32 $0x380, v2;
	v4 =	vadd.s32 v0, v4  }
0x237: {  	v5 =	vshll.u32 v3, $0x3;
	v3 =	vand.u32 $0x7F, v3;
	v2 =	vor.u32 v2, v4  }
0x238: {  	v4 =	vand.u32 $0xFFFFFC00, v5;
	v2 =	vor.u32 v3, v2  }
0x239: {  	v2 =	vadd.s32 v4, v2  }
0x23a: {  	[tilespmem:s13+$0xFFFFFFE0] =	vst v2  }
0x23b: {  	v2 =	vld [tilespmem:s8+$0xFFFFFFF0];
	_ =	sdelay $0x2  }
0x23c: {  	v3 =	vld [tilespmem:s21+$0xFFFFFFF0];
	_ =	sdelay $0x1  }
0x23d: {  	v4 =	vshll.u32 v2, $0xB;
	v2 =	vshll.u32 v2, $0x7  }
0x23e: {  	v4 =	vand.u32 $0xFFFFC000, v4  }
0x23f: {  	v2 =	vand.u32 $0x380, v2;
	v4 =	vadd.s32 v0, v4  }
0x240: {  	v5 =	vshll.u32 v3, $0x3;
	v3 =	vand.u32 $0x7F, v3;
	v2 =	vor.u32 v2, v4  }
0x241: {  	v4 =	vand.u32 $0xFFFFFC00, v5;
	v2 =	vor.u32 v3, v2  }
0x242: {  	v2 =	vadd.s32 v4, v2  }
0x243: {  	[tilespmem:s13+$0xFFFFFFF0] =	vst v2  }
0x244: {  	v2 =	vld [tilespmem:s8+$0x0];
	_ =	sdelay $0x2  }
0x245: {  	v3 =	vld [tilespmem:s21+$0x0];
	_ =	sdelay $0x1  }
0x246: {  	v4 =	vshll.u32 v2, $0xB;
	v2 =	vshll.u32 v2, $0x7  }
0x247: {  	v4 =	vand.u32 $0xFFFFC000, v4  }
0x248: {  	v2 =	vand.u32 $0x380, v2;
	v4 =	vadd.s32 v0, v4  }
0x249: {  	v5 =	vshll.u32 v3, $0x3;
	v3 =	vand.u32 $0x7F, v3;
	v2 =	vor.u32 v2, v4  }
0x24a: {  	v4 =	vand.u32 $0xFFFFFC00, v5;
	v2 =	vor.u32 v3, v2  }
0x24b: {  	v2 =	vadd.s32 v4, v2  }
0x24c: {  	[tilespmem:s13+$0x0] =	vst v2  }
0x24d: {  	v2 =	vld [tilespmem:s8+$0x10]  }
0x24e: {  	v3 =	vld [tilespmem:s21+$0x10];
	_ =	sdelay $0x3  }
0x24f: {  	v4 =	vshll.u32 v2, $0xB;
	v2 =	vshll.u32 v2, $0x7  }
0x250: {  	v4 =	vand.u32 $0xFFFFC000, v4;
	v5 =	vshll.u32 v3, $0x3  }
0x251: {  	v2 =	vand.u32 $0x380, v2;
	v4 =	vadd.s32 v0, v4  }
0x252: {  	v3 =	vand.u32 $0x7F, v3;
	v2 =	vor.u32 v2, v4  }
0x253: {  	v4 =	vand.u32 $0xFFFFFC00, v5;
	v2 =	vor.u32 v3, v2  }
0x254: {  	v2 =	vadd.s32 v4, v2  }
0x255: {  	[tilespmem:s13+$0x10] =	vst v2  }
0x256: {  	v2 =	vld [tilespmem:s8+$0x20]  }
0x257: {  	v3 =	vld [tilespmem:s21+$0x20];
	_ =	sdelay $0x3  }
0x258: {  	v4 =	vshll.u32 v2, $0xB;
	v2 =	vshll.u32 v2, $0x7  }
0x259: {  	v4 =	vand.u32 $0xFFFFC000, v4;
	v5 =	vshll.u32 v3, $0x3  }
0x25a: {  	v2 =	vand.u32 $0x380, v2;
	v4 =	vadd.s32 v0, v4  }
0x25b: {  	v3 =	vand.u32 $0x7F, v3;
	v2 =	vor.u32 v2, v4  }
0x25c: {  	v4 =	vand.u32 $0xFFFFFC00, v5;
	v2 =	vor.u32 v3, v2  }
0x25d: {  	v2 =	vadd.s32 v4, v2  }
0x25e: {  	[tilespmem:s13+$0x20] =	vst v2  }
0x25f: {  	v2 =	vld [tilespmem:s8+$0x30]  }
0x260: {  	v3 =	vld [tilespmem:s21+$0x30];
	_ =	sdelay $0x3  }
0x261: {  	v4 =	vshll.u32 v2, $0xB;
	v2 =	vshll.u32 v2, $0x7  }
.Ltmp11:
0x262: {  	v4 =	vand.u32 $0xFFFFC000, v4;
	v5 =	vshll.u32 v3, $0x3;
	(pc) =	sbr.rel @p3 .LBB2_14-.Ltmp11, $4  }
0x263: {  	v2 =	vand.u32 $0x380, v2;
	v4 =	vadd.s32 v0, v4  }
0x264: {  	v3 =	vand.u32 $0x7F, v3;
	v2 =	vor.u32 v2, v4  }
0x265: {  	v4 =	vand.u32 $0xFFFFFC00, v5;
	v2 =	vor.u32 v3, v2  }
0x266: {  	s13 =	sadd.s32 $0x80, s13;
	v2 =	vadd.s32 v4, v2  }
0x267: {  	[tilespmem:s22+$0x30] =	vst v2;
	s8 =	sadd.s32 @!p0 s18, s15  }
0x268: {  	[tilespmem:s26], [sflag:$0x3] =	stream.indirect.gather [hbm4b:s0+s23], $0x1, s25, s23, $0xb8;
	[tilespmem:$0x14180] =	vst v63  }
0x269: {  	s12 =	sadd.s32 @!p0 s18, s16;
	s8 =	sor.u32 @!p0 s9, s8  }
0x26a: {  	s12 =	smov.u32 @p1 s8  }
0x26b: {  	[tilespmem:s28], [sflag:$0x3] =	stream.indirect.gather [hbm4b:s1+s23], $0x1, s25, s23, $0xb8;
	[tilespmem:$0x14180] =	vst v63  }
0x26c: {  	s13 =	simm.s32 @!p0 $0x400;
	s8 =	sshrl.u32 @!p0 s12, $0x3  }
0x26d: {  	s18 =	simm.s32 @!p0 $0x4000;
	s12 =	simm.s32 @!p0 $0x80;
	s3 =	sadd.s32 @!p0 s3, s8  }
0x26e: {  	[tilespmem:s18], [sflag:$0x2] =	stream.strided.gather @!p0 [hbm4b:s3+s12], $0x2000, s13, s12, $0x38;
	[tilespmem:$0x14180] =	vst v63  }
0x26f: {  	s3 =	sadd.s32 @!p0 s4, s8;
	s4 =	simm.s32 @!p0 $0x6000  }
0x270: {  	[tilespmem:s4], [sflag:$0x2] =	stream.strided.gather @!p0 [hbm4b:s3+s12], $0x2000, s13, s12, $0x38;
	[tilespmem:$0x14180] =	vst v63  }
.LBB2_16:
0x271: {  	_ =	swait.ge [sflag:s10], $0x2000  }
.Ltmp12:
0x272: {  	[sflag:s10] =	ssyncset.done $0x0;
	(pc) =	sbr.rel @!p2 .LBB2_17-.Ltmp12, $4  }
0x273: {  	[sflag:s10] =	ssyncadd.s32 $0xFFFFE000  }
0x274: {  	_ =	swait.ge [sflag:s10], $0x2000  }
0x275: {  	[sflag:s10] =	ssyncset.done $0x0  }
0x276: {  	[sflag:s10] =	ssyncadd.s32 $0xFFFFE000  }
0x277: {  	s4 =	simm.s32 $0x12040  }
0x278: {  	v2 =	vld [tilespmem:s4+$0xFFFFFFC0];
	_ =	sdelay $0x2  }
0x279: {  	v3 =	vld [tilespmem:s4+$0xFFFFFFD0];
	_ =	sdelay $0x1  }
0x27a: {  	(erf) = vrcp.f32 v2;
	v2 =	vld [tilespmem:s4+$0xFFFFFFE0];
	_ =	sdelay $0x1  }
0x27b: {  	v4 =	vld [tilespmem:s4+$0xFFFFFFF0]  }
0x27c: {  	v7 =	vld [tilespmem:$0x14100];
	(erf) = vrcp.f32 v3  }
0x27d: {  	s3 =	simm.s32 $0x10040;
	v5 =	vld [tilespmem:s4+$0x0]  }
0x27e: {  	v8 =	vld [tilespmem:s3+$0xFFFFFFC0];
	(erf) = vrcp.f32 v2  }
0x27f: {  	v9 =	vld [tilespmem:s4+$0x10]  }
0x280: {  	v6 =	vld [tilespmem:s4+$0x20];
	(erf) = vrcp.f32 v4  }
0x281: {  	v3 =	vld [tilespmem:s3+$0xFFFFFFD0]  }
0x282: {  	v2 =	vld [tilespmem:s3+$0xFFFFFFE0];
	(erf) = vrcp.f32 v5  }
0x283: {  	v5 =	vld [tilespmem:s4+$0x30];
	v4 =	vpop (erf)  }
0x284: {  	s8 =	simm.s32 $0x120C0;
	s4 =	simm.s32 $0x0;
	(erf) = vrcp.f32 v9;
	v8 =	vmul.f32 v4, v8;
	v4 =	vld [tilespmem:s3+$0xFFFFFFF0]  }
.LBB2_21:
0x285: {  	v9 =	vld [tilespmem:s8+$0xFFFFFFC0];
	s4 =	sadd.s32 $0x8, s4;
	v10 =	vpop (erf)  }
0x286: {  	p0 =	slt.u32 s4, $0x1F8;
	v7 =	vadd.f32 v8, v7;
	v3 =	vmul.f32 v10, v3;
	v8 =	vld [tilespmem:s3+$0x0];
	(erf) = vrcp.f32 v6  }
0x287: {  	v6 =	vld [tilespmem:s8+$0xFFFFFFD0];
	v10 =	vpop (erf)  }
0x288: {  	v3 =	vadd.f32 v3, v7;
	v2 =	vmul.f32 v10, v2;
	v7 =	vld [tilespmem:s3+$0x10];
	(erf) = vrcp.f32 v5  }
0x289: {  	v5 =	vld [tilespmem:s8+$0xFFFFFFE0];
	v10 =	vpop (erf)  }
0x28a: {  	(erf) = vrcp.f32 v9;
	v2 =	vadd.f32 v2, v3;
	v3 =	vmul.f32 v10, v4;
	v4 =	vld [tilespmem:s3+$0x20]  }
0x28b: {  	v9 =	vld [tilespmem:s8+$0xFFFFFFF0];
	v10 =	vpop (erf)  }
0x28c: {  	(erf) = vrcp.f32 v6;
	v2 =	vadd.f32 v3, v2;
	v3 =	vmul.f32 v10, v8;
	v8 =	vld [tilespmem:s3+$0x30]  }
0x28d: {  	s3 =	sadd.s32 $0x80, s3;
	v10 =	vld [tilespmem:s8+$0x0];
	v6 =	vpop (erf)  }
0x28e: {  	v11 =	vld [tilespmem:s3+$0xFFFFFFC0];
	(erf) = vrcp.f32 v5;
	v2 =	vadd.f32 v3, v2;
	v5 =	vmul.f32 v6, v7  }
0x28f: {  	v7 =	vld [tilespmem:s8+$0x10];
	v6 =	vpop (erf)  }
.Ltmp13:
0x290: {  	v3 =	vld [tilespmem:s3+$0xFFFFFFD0];
	(erf) = vrcp.f32 v9;
	v5 =	vadd.f32 v5, v2;
	v12 =	vmul.f32 v6, v4;
	(pc) =	sbr.rel @p0 .LBB2_21-.Ltmp13, $4  }
0x291: {  	v6 =	vld [tilespmem:s8+$0x20];
	v9 =	vpop (erf)  }
0x292: {  	v2 =	vld [tilespmem:s3+$0xFFFFFFE0];
	(erf) = vrcp.f32 v10;
	v10 =	vadd.f32 v12, v5;
	v9 =	vmul.f32 v9, v8  }
0x293: {  	v5 =	vld [tilespmem:s8+$0x30];
	v4 =	vpop (erf)  }
0x294: {  	s8 =	sadd.s32 $0x80, s8;
	v8 =	vmul.f32 v4, v11;
	v4 =	vld [tilespmem:s3+$0xFFFFFFF0];
	(erf) = vrcp.f32 v7;
	v7 =	vadd.f32 v9, v10  }
0x295: {  	v9 =	vpop (erf)  }
0x296: {  	v7 =	vadd.f32 v8, v7;
	v3 =	vmul.f32 v9, v3;
	(erf) = vrcp.f32 v6  }
0x297: {  	v54 =	vld [tilespmem:s3+$0x0];
	v55 =	vpop (erf)  }
0x298: {  	v3 =	vadd.f32 v3, v7;
	v2 =	vmul.f32 v55, v2;
	(erf) = vrcp.f32 v5  }
0x299: {  	v56 =	vld [tilespmem:s3+$0x10];
	v57 =	vpop (erf)  }
0x29a: {  	v2 =	vadd.f32 v2, v3;
	v3 =	vmul.f32 v57, v4  }
0x29b: {  	v58 =	vld [tilespmem:s3+$0x20];
	v59 =	vpop (erf)  }
0x29c: {  	v2 =	vadd.f32 v3, v2;
	v3 =	vmul.f32 v59, v54  }
0x29d: {  	v60 =	vld [tilespmem:s3+$0x30];
	v61 =	vpop (erf)  }
0x29e: {  	v2 =	vadd.f32 v3, v2;
	v3 =	vmul.f32 v61, v56  }
0x29f: {  	v62 =	vpop (erf)  }
0x2a0: {  	v2 =	vadd.f32 v3, v2;
	v3 =	vmul.f32 v62, v58  }
0x2a1: {  	v63 =	vpop (erf)  }
.Ltmp14:
0x2a2: {  	v2 =	vadd.f32 v3, v2;
	v3 =	vmul.f32 v63, v60;
	(pc) =	sbr.rel .LBB2_23-.Ltmp14, $3  }
0x2a3: {  	_ = 	snop  }
0x2a4: {  	v2 =	vadd.f32 v3, v2;
	_ =	sdelay $0x1  }
0x2a5: {  	[tilespmem:$0x14100] =	vst v2  }
.LBB2_17:
0x2a6: {  	s4 =	simm.s32 $0x10040;
	v2 =	vld [tilespmem:$0x14080]  }
0x2a7: {  	s3 =	simm.s32 $0x12040;
	v3 =	vld [tilespmem:s4+$0xFFFFFFC0]  }
0x2a8: {  	v4 =	vld [tilespmem:s3+$0xFFFFFFC0]  }
0x2a9: {  	v5 =	vld [tilespmem:s4+$0xFFFFFFD0]  }
0x2aa: {  	v6 =	vld [tilespmem:s3+$0xFFFFFFD0]  }
0x2ab: {  	v7 =	vld [tilespmem:s4+$0xFFFFFFE0]  }
0x2ac: {  	v8 =	vld [tilespmem:s3+$0xFFFFFFE0]  }
0x2ad: {  	v9 =	vld [tilespmem:s4+$0xFFFFFFF0];
	v3 =	vmul.f32 v4, v3  }
0x2ae: {  	v4 =	vld [tilespmem:s3+$0xFFFFFFF0]  }
0x2af: {  	v10 =	vld [tilespmem:s4+$0x0];
	v5 =	vmul.f32 v6, v5;
	v2 =	vadd.f32 v3, v2  }
0x2b0: {  	v11 =	vld [tilespmem:s3+$0x0]  }
0x2b1: {  	v7 =	vmul.f32 v8, v7;
	v6 =	vld [tilespmem:s3+$0x10];
	v5 =	vadd.f32 v5, v2  }
0x2b2: {  	v3 =	vld [tilespmem:s4+$0x10]  }
0x2b3: {  	v2 =	vld [tilespmem:s4+$0x20];
	v8 =	vmul.f32 v4, v9;
	v7 =	vadd.f32 v7, v5  }
0x2b4: {  	v5 =	vld [tilespmem:s3+$0x20]  }
0x2b5: {  	v4 =	vld [tilespmem:s4+$0x30];
	v9 =	vmul.f32 v11, v10;
	v8 =	vadd.f32 v8, v7  }
0x2b6: {  	s8 =	simm.s32 $0x100C0;
	s4 =	simm.s32 $0x0;
	v7 =	vld [tilespmem:s3+$0x30]  }
.LBB2_18:
0x2b7: {  	v10 =	vld [tilespmem:s8+$0xFFFFFFC0];
	v8 =	vadd.f32 v9, v8;
	v3 =	vmul.f32 v6, v3;
	s3 =	sadd.s32 $0x80, s3  }
0x2b8: {  	s4 =	sadd.s32 $0x8, s4;
	v6 =	vld [tilespmem:s3+$0xFFFFFFC0]  }
0x2b9: {  	p0 =	slt.u32 s4, $0x1F8;
	v9 =	vld [tilespmem:s8+$0xFFFFFFD0];
	v3 =	vadd.f32 v3, v8;
	v2 =	vmul.f32 v5, v2  }
0x2ba: {  	v5 =	vld [tilespmem:s3+$0xFFFFFFD0]  }
0x2bb: {  	v8 =	vld [tilespmem:s8+$0xFFFFFFE0];
	v2 =	vadd.f32 v2, v3;
	v3 =	vmul.f32 v7, v4  }
0x2bc: {  	v4 =	vld [tilespmem:s3+$0xFFFFFFE0]  }
0x2bd: {  	v6 =	vmul.f32 v6, v10;
	v7 =	vld [tilespmem:s8+$0xFFFFFFF0];
	v2 =	vadd.f32 v3, v2  }
0x2be: {  	v10 =	vld [tilespmem:s3+$0xFFFFFFF0]  }
0x2bf: {  	v2 =	vadd.f32 v6, v2;
	v3 =	vmul.f32 v5, v9;
	v9 =	vld [tilespmem:s8+$0x0]  }
0x2c0: {  	v11 =	vld [tilespmem:s3+$0x0]  }
0x2c1: {  	v2 =	vadd.f32 v3, v2;
	v4 =	vmul.f32 v4, v8;
	v3 =	vld [tilespmem:s8+$0x10]  }
.Ltmp15:
0x2c2: {  	v6 =	vld [tilespmem:s3+$0x10];
	(pc) =	sbr.rel @p0 .LBB2_18-.Ltmp15, $4  }
0x2c3: {  	v4 =	vadd.f32 v4, v2;
	v7 =	vmul.f32 v10, v7;
	v2 =	vld [tilespmem:s8+$0x20]  }
0x2c4: {  	v5 =	vld [tilespmem:s3+$0x20]  }
0x2c5: {  	v8 =	vadd.f32 v7, v4;
	v9 =	vmul.f32 v11, v9;
	v4 =	vld [tilespmem:s8+$0x30]  }
0x2c6: {  	s8 =	sadd.s32 $0x80, s8;
	v7 =	vld [tilespmem:s3+$0x30]  }
0x2c7: {  	v8 =	vadd.f32 v9, v8;
	v3 =	vmul.f32 v6, v3;
	_ =	sdelay $0x1  }
0x2c8: {  	v3 =	vadd.f32 v3, v8;
	v2 =	vmul.f32 v5, v2;
	_ =	sdelay $0x1  }
.Ltmp16:
0x2c9: {  	v2 =	vadd.f32 v2, v3;
	v3 =	vmul.f32 v7, v4;
	(pc) =	sbr.rel .LBB2_23-.Ltmp16, $3  }
0x2ca: {  	_ = 	snop  }
0x2cb: {  	v2 =	vadd.f32 v3, v2;
	_ =	sdelay $0x1  }
0x2cc: {  	[tilespmem:$0x14080] =	vst v2  }
.LBB2_25:
0x2cd: {  	_ =	sfence.sel $0x180000  }
0x2ce: {  	[bflag:$0x0] =	sbarrier.arrive $0xFFFF  }
0x2cf: {  	_ =	strace $0x90000047  }
0x2d0: {  	s0 =	stileid.u32;
	[bflag:$0x2] =	sbarrier.arrive $0xFFFF  }
0x2d1: {  	p0 =	sne.s32 s0, $0x0;
	s0 =	rddreg [dreg:$0x7]  }
0x2d2: {  	s0 =	sadd.s32 @!p0 $0x100000, s0  }
0x2d3: {  	[sflag:s0] =	ssyncadd.tile.s32 @!p0 $0x1;
	_ =	shalt  }
.Lfunc_end2:
_tile_overlayer_lowered:
.L_overlay_start_2:
0x2d4: {  	(tag) =	ssettag $0x2  }
0x2d5: {  	s0 =	rddreg [dreg:$0x0];
	s2 =	stileid.u32  }
0x2d6: {  	s1 =	rddreg [dreg:$0x1];
	p0 =	sne.s32 s2, $0x0  }
0x2d7: {  	s3 =	rddreg [dreg:$0x2];
	[bflag:$0x3] =	sbarrier.arrive $0xFFFF;
	s2 =	simm.s32 @!p0 $0x1C05  }
0x2d8: {  	[timem:s3], [sflag:s2] =	dma.local @!p0 [hbm:s0], s1  }
0x2d9: {  	s0 =	simm.s32 @!p0 $0x5  }
0x2da: {  	_ =	swait.ge @!p0 [sflag:s0], s1  }
0x2db: {  	s1 =	ssub.s32 @!p0 $0x0, s1;
	[sflag:s0] =	ssyncset.done @!p0 $0x0  }
0x2dc: {  	[sflag:s0] =	ssyncadd.s32 @!p0 s1  }
0x2dd: {  	[bflag:$0x3] =	sbarrier.arrive $0xFFFF  }
0x2de: {  	_ =	shalt  }

</sc_bundles>
